<compile_context>
chip_gen: v7x
topology: tpu7x:2x2x1
jax: 0.10.2.dev20260603
libtpu: 0.0.44.dev20260713+nightly
codegen_flags: <defaults>
</compile_context>

<pallas_src>
import functools

import jax
import jax.numpy as jnp
from jax import lax
from jax.experimental import pallas as pl
from jax.experimental.pallas import tpu as pltpu
from jax.experimental.pallas import tpu_sc as plsc

D_MODEL = 64
GATHER_W = 80
CHUNK = 160
NGATH = CHUNK // GATHER_W


def _embed_lookup(xf, table2, *, n, num_cores, num_subcores):
    nw = num_cores * num_subcores
    per_w = n // nw
    steps = per_w // CHUNK
    assert steps % 2 == 0 and steps >= 6

    mesh = plsc.VectorSubcoreMesh(core_axis_name="c", subcore_axis_name="s")

    @functools.partial(
        pl.kernel,
        mesh=mesh,
        compiler_params=pltpu.CompilerParams(use_tc_tiling_on_sc=True),
        out_type=jax.ShapeDtypeStruct((n, D_MODEL), jnp.float32),
        scratch_types=[
            pltpu.VMEM((CHUNK,), jnp.int32),
            pltpu.VMEM((CHUNK,), jnp.int32),
            pltpu.VMEM((CHUNK, 2 * D_MODEL), jnp.float32),
            pltpu.VMEM((CHUNK, 2 * D_MODEL), jnp.float32),
            pltpu.VMEM((CHUNK, D_MODEL), jnp.float32),
            pltpu.VMEM((CHUNK, D_MODEL), jnp.float32),
            pltpu.SemaphoreType.DMA,
            pltpu.SemaphoreType.DMA,
            pltpu.SemaphoreType.DMA,
            pltpu.SemaphoreType.DMA,
            pltpu.SemaphoreType.DMA,
            pltpu.SemaphoreType.DMA,
        ],
    )
    def k(xf_hbm, t2_hbm, out_hbm, idx0, idx1, rows0, rows1, st0, st1,
          sem_i0, sem_i1, sem_g0, sem_g1, sem_w0, sem_w1):
        idx = (idx0, idx1)
        rows = (rows0, rows1)
        st = (st0, st1)
        sem_i = (sem_i0, sem_i1)
        sem_g = (sem_g0, sem_g1)
        sem_w = (sem_w0, sem_w1)

        wid = lax.axis_index("s") * num_cores + lax.axis_index("c")
        base = wid * per_w

        def drain_idx(g, p):
            pltpu.make_async_copy(
                xf_hbm.at[pl.ds(base + g * CHUNK, CHUNK)], idx[p],
                sem_i[p]).wait()

        def fire_gathers(g, p):
            for j in range(NGATH):
                pltpu.async_copy(
                    t2_hbm.at[idx[p].at[pl.ds(j * GATHER_W, GATHER_W)]],
                    rows[p].at[pl.ds(j * GATHER_W, GATHER_W)],
                    sem_g[p])

        def drain_gathers(p):
            for j in range(NGATH):
                pltpu.make_async_copy(
                    t2_hbm.at[idx[p].at[pl.ds(j * GATHER_W, GATHER_W)]],
                    rows[p].at[pl.ds(j * GATHER_W, GATHER_W)],
                    sem_g[p]).wait()

        def issue_idx(g, p):
            pltpu.async_copy(
                xf_hbm.at[pl.ds(base + g * CHUNK, CHUNK)], idx[p], sem_i[p])

        def depad(p):
            def dep(i, carry):
                for r in range(8):
                    j = i * 8 + r
                    for c in range(D_MODEL // 16):
                        st[p][j, pl.ds(c * 16, 16)] = (
                            rows[p][j, pl.ds(c * 16, 16)])
                return carry

            lax.fori_loop(0, CHUNK // 8, dep, 0)

        def issue_write(g, p):
            pltpu.async_copy(
                st[p], out_hbm.at[pl.ds(base + g * CHUNK, CHUNK)], sem_w[p])

        def drain_write(g, p):
            pltpu.make_async_copy(
                st[p], out_hbm.at[pl.ds(base + g * CHUNK, CHUNK)],
                sem_w[p]).wait()

        def stage(g, p):
            @pl.when(g >= 3)
            def _():
                drain_write(g - 3, 1 - p)
            drain_idx(g, p)
            fire_gathers(g, p)
            drain_gathers(1 - p)
            @pl.when(g + 1 < steps)
            def _():
                issue_idx(g + 1, 1 - p)
            depad(1 - p)
            issue_write(g - 1, 1 - p)

        issue_idx(0, 0)
        drain_idx(0, 0)
        fire_gathers(0, 0)
        issue_idx(1, 1)

        def body(i, carry):
            stage(2 * i + 1, 1)
            stage(2 * i + 2, 0)
            return carry

        lax.fori_loop(0, (steps - 2) // 2, body, 0)

        stage(steps - 1, 1)
        drain_write(steps - 3, 1)
        drain_gathers(1)
        depad(1)
        issue_write(steps - 1, 1)
        drain_write(steps - 2, 0)
        drain_write(steps - 1, 1)

    return k(xf, table2)


def kernel(x, table):
    b, l = x.shape
    n = b * l
    info = plsc.get_sparse_core_info()
    xf = x.reshape(n)
    table2 = jnp.pad(table, ((0, 0), (0, table.shape[1])))
    out = _embed_lookup(
        xf, table2, n=n,
        num_cores=info.num_cores, num_subcores=info.num_subcores,
    )
    return out.reshape(b, l, D_MODEL)

# --- scband reference (transcript-rebuilt; emitter-appended) ---
"""Pipeline reference for scband-embedder-19043884990619 (READ-ONLY COPY).

The authoritative reference and input builder live on the scoring server;
editing this copy changes nothing except your own understanding.
"""

import jax, jax.numpy as jnp
import numpy as np

VOCAB = 1000000
D_MODEL = 64
B = 4096
L = 200

def setup_inputs(seed: int = 0) -> dict:
    key = jax.random.key(seed)
    k_idx, k_w = jax.random.split(key)
    x = jax.random.randint(k_idx, (B, L), 0, VOCAB, dtype=jnp.int64 if jax.config.jax_enable_x64 else jnp.int32)
    table = jax.random.normal(k_w, (VOCAB, D_MODEL), dtype=jnp.float32)
    return {"x": x, "table": table}

def reference(x, table):
    # nn.Embedding forward: gather rows of the table by index
    return jnp.take(table, x, axis=0)

if __name__ == "__main__":
    import jax
    _d = setup_inputs()
    print(jax.jit(kernel)(*tuple(_d.values())))

</pallas_src>

<mosaic_0001>
#map = affine_map<(d0, d1) -> (0)>
#map1 = affine_map<(d0, d1) -> (0, 0)>
module attributes {stable_mosaic.version = 14 : i64} {
  func.func @k(%arg0: i32, %arg1: i32, %arg2: memref<819200xi32, #tpu.memory_space<hbm>>, %arg3: memref<1000000x128xf32, #tpu.memory_space<hbm>>, %arg4: memref<819200x64xf32, #tpu.memory_space<hbm>>, %arg5: memref<160xi32, #tpu.memory_space<vmem>>, %arg6: memref<160xi32, #tpu.memory_space<vmem>>, %arg7: memref<160x128xf32, #tpu.memory_space<vmem>>, %arg8: memref<160x128xf32, #tpu.memory_space<vmem>>, %arg9: memref<160x64xf32, #tpu.memory_space<vmem>>, %arg10: memref<160x64xf32, #tpu.memory_space<vmem>>, %arg11: memref<!tpu.dma_semaphore, #tpu.memory_space<semaphore_mem>>, %arg12: memref<!tpu.dma_semaphore, #tpu.memory_space<semaphore_mem>>, %arg13: memref<!tpu.dma_semaphore, #tpu.memory_space<semaphore_mem>>, %arg14: memref<!tpu.dma_semaphore, #tpu.memory_space<semaphore_mem>>, %arg15: memref<!tpu.dma_semaphore, #tpu.memory_space<semaphore_mem>>, %arg16: memref<!tpu.dma_semaphore, #tpu.memory_space<semaphore_mem>>) attributes {dimension_semantics = [#tpu.dimension_semantics<core_parallel>, #tpu.dimension_semantics<subcore_parallel>], iteration_bounds = array<i64: 2, 16>, scalar_prefetch = 0 : i64, scratch_operands = 12 : i64, tpu.core_type = #tpu.core_type<sc_vector_subcore>, window_params = [{transform_indices = #map}, {transform_indices = #map1}, {transform_indices = #map1}]} {
    %mul3A = arith.constant 2 : i32
    %mul3A_0 = arith.muli %arg1, %mul3A : i32
    %add3A = arith.addi %mul3A_0, %arg0 : i32
    %mul3A_1 = arith.constant 25600 : i32
    %mul3A_2 = arith.muli %add3A, %mul3A_1 : i32
    %add3A_3 = arith.constant 0 : i32
    %add3A_4 = arith.addi %mul3A_2, %add3A_3 : i32
    %dma_start3A = tpu.memref_slice %arg2[%add3A_4] : memref<819200xi32, #tpu.memory_space<hbm>> -> memref<160xi32, #tpu.memory_space<hbm>>
    %dma_start3A_5 = tpu.memref_slice %arg2[%add3A_4] : memref<819200xi32, #tpu.memory_space<hbm>> -> memref<160xi32, #tpu.memory_space<hbm>>
    tpu.enqueue_dma source(%dma_start3A_5 : memref<160xi32, #tpu.memory_space<hbm>>) target(%arg5 : memref<160xi32, #tpu.memory_space<vmem>>) target_semaphore(%arg11 : memref<!tpu.dma_semaphore, #tpu.memory_space<semaphore_mem>>)
    %add3A_6 = arith.constant 0 : i32
    %add3A_7 = arith.addi %mul3A_2, %add3A_6 : i32
    %dma_wait3A = tpu.memref_slice %arg2[%add3A_7] : memref<819200xi32, #tpu.memory_space<hbm>> -> memref<160xi32, #tpu.memory_space<hbm>>
    %dma_wait3A_8 = tpu.memref_slice %arg2[%add3A_7] : memref<819200xi32, #tpu.memory_space<hbm>> -> memref<160xi32, #tpu.memory_space<hbm>>
    tpu.wait_dma2 semaphore(%arg11 : memref<!tpu.dma_semaphore, #tpu.memory_space<semaphore_mem>>) src(%dma_wait3A_8 : memref<160xi32, #tpu.memory_space<hbm>>) dst(%arg5 : memref<160xi32, #tpu.memory_space<vmem>>)
    %dma_start3A_9 = arith.constant 0 : i32
    %dma_start3A_10 = arith.constant 0 : i32
    %dma_start3A_11 = tpu.memref_slice %arg7[%dma_start3A_9, %dma_start3A_10] : memref<160x128xf32, #tpu.memory_space<vmem>> -> memref<80x128xf32, #tpu.memory_space<vmem>>
    %dma_start3A_12 = arith.constant 0 : i32
    %dma_start3A_13 = tpu.memref_slice %arg5[%dma_start3A_12] : memref<160xi32, #tpu.memory_space<vmem>> -> memref<80xi32, #tpu.memory_space<vmem>>
    %dma_start3A_14 = arith.constant 0 : i32
    %dma_start3A_15 = arith.constant 0 : i32
    %dma_start3A_16 = tpu.memref_slice %arg3[%dma_start3A_14, %dma_start3A_15] : memref<1000000x128xf32, #tpu.memory_space<hbm>> -> memref<1000000x128xf32, #tpu.memory_space<hbm>>
    tpu.enqueue_indirect_dma source(%dma_start3A_16 : memref<1000000x128xf32, #tpu.memory_space<hbm>>) target(%dma_start3A_11 : memref<80x128xf32, #tpu.memory_space<vmem>>) offsets(%dma_start3A_13 : memref<80xi32, #tpu.memory_space<vmem>>) semaphore(%arg13 : memref<!tpu.dma_semaphore, #tpu.memory_space<semaphore_mem>>)
    %dma_start3A_17 = arith.constant 80 : i32
    %dma_start3A_18 = arith.constant 0 : i32
    %dma_start3A_19 = tpu.memref_slice %arg7[%dma_start3A_17, %dma_start3A_18] : memref<160x128xf32, #tpu.memory_space<vmem>> -> memref<80x128xf32, #tpu.memory_space<vmem>>
    %dma_start3A_20 = arith.constant 80 : i32
    %dma_start3A_21 = tpu.memref_slice %arg5[%dma_start3A_20] : memref<160xi32, #tpu.memory_space<vmem>> -> memref<80xi32, #tpu.memory_space<vmem>>
    %dma_start3A_22 = arith.constant 0 : i32
    %dma_start3A_23 = arith.constant 0 : i32
    %dma_start3A_24 = tpu.memref_slice %arg3[%dma_start3A_22, %dma_start3A_23] : memref<1000000x128xf32, #tpu.memory_space<hbm>> -> memref<1000000x128xf32, #tpu.memory_space<hbm>>
    tpu.enqueue_indirect_dma source(%dma_start3A_24 : memref<1000000x128xf32, #tpu.memory_space<hbm>>) target(%dma_start3A_19 : memref<80x128xf32, #tpu.memory_space<vmem>>) offsets(%dma_start3A_21 : memref<80xi32, #tpu.memory_space<vmem>>) semaphore(%arg13 : memref<!tpu.dma_semaphore, #tpu.memory_space<semaphore_mem>>)
    %add3A_25 = arith.constant 160 : i32
    %add3A_26 = arith.addi %mul3A_2, %add3A_25 : i32
    %dma_start3A_27 = tpu.memref_slice %arg2[%add3A_26] : memref<819200xi32, #tpu.memory_space<hbm>> -> memref<160xi32, #tpu.memory_space<hbm>>
    %dma_start3A_28 = tpu.memref_slice %arg2[%add3A_26] : memref<819200xi32, #tpu.memory_space<hbm>> -> memref<160xi32, #tpu.memory_space<hbm>>
    tpu.enqueue_dma source(%dma_start3A_28 : memref<160xi32, #tpu.memory_space<hbm>>) target(%arg6 : memref<160xi32, #tpu.memory_space<vmem>>) target_semaphore(%arg12 : memref<!tpu.dma_semaphore, #tpu.memory_space<semaphore_mem>>)
    %scan3A = arith.constant 0 : i32
    %scan3A_29 = arith.constant 0 : i32
    %scan3A_30 = arith.constant 79 : i32
    %scan3A_31 = arith.addi %scan3A_29, %scan3A_30 : i32
    %scan3A_32 = arith.constant 1 : i32
    scf.for %scan3A_134 = %scan3A_29 to %scan3A_31 step %scan3A_32  : i32 {
      %mul3A_135 = arith.constant 2 : i32
      %mul3A_136 = arith.muli %mul3A_135, %scan3A_134 : i32
      %add3A_137 = arith.constant 1 : i32
      %add3A_138 = arith.addi %mul3A_136, %add3A_137 : i32
      %ge3A = arith.constant 3 : i32
      %ge3A_139 = arith.cmpi sge, %add3A_138, %ge3A : i32
      %convert_element_type3A = arith.extui %ge3A_139 : i1 to i32
      %cond3A = arith.constant 0 : i32
      %cond3A_140 = arith.cmpi ne, %convert_element_type3A, %cond3A : i32
      scf.if %cond3A_140 {
        %sub3A_266 = arith.constant 3 : i32
        %sub3A_267 = arith.subi %add3A_138, %sub3A_266 : i32
        %mul3A_268 = arith.constant 160 : i32
        %mul3A_269 = arith.muli %sub3A_267, %mul3A_268 : i32
        %add3A_270 = arith.addi %mul3A_2, %mul3A_269 : i32
        %dma_wait3A_271 = arith.constant 0 : i32
        %dma_wait3A_272 = tpu.memref_slice %arg4[%add3A_270, %dma_wait3A_271] : memref<819200x64xf32, #tpu.memory_space<hbm>> -> memref<160x64xf32, #tpu.memory_space<hbm>>
        %dma_wait3A_273 = arith.constant 0 : i32
        %dma_wait3A_274 = tpu.memref_slice %arg4[%add3A_270, %dma_wait3A_273] : memref<819200x64xf32, #tpu.memory_space<hbm>> -> memref<160x64xf32, #tpu.memory_space<hbm>>
        tpu.wait_dma2 semaphore(%arg15 : memref<!tpu.dma_semaphore, #tpu.memory_space<semaphore_mem>>) src(%arg9 : memref<160x64xf32, #tpu.memory_space<vmem>>) dst(%dma_wait3A_274 : memref<160x64xf32, #tpu.memory_space<hbm>>)
      } else {
      }
      %mul3A_141 = arith.constant 160 : i32
      %mul3A_142 = arith.muli %add3A_138, %mul3A_141 : i32
      %add3A_143 = arith.addi %mul3A_2, %mul3A_142 : i32
      %dma_wait3A_144 = tpu.memref_slice %arg2[%add3A_143] : memref<819200xi32, #tpu.memory_space<hbm>> -> memref<160xi32, #tpu.memory_space<hbm>>
      %dma_wait3A_145 = tpu.memref_slice %arg2[%add3A_143] : memref<819200xi32, #tpu.memory_space<hbm>> -> memref<160xi32, #tpu.memory_space<hbm>>
      tpu.wait_dma2 semaphore(%arg12 : memref<!tpu.dma_semaphore, #tpu.memory_space<semaphore_mem>>) src(%dma_wait3A_145 : memref<160xi32, #tpu.memory_space<hbm>>) dst(%arg6 : memref<160xi32, #tpu.memory_space<vmem>>)
      %dma_start3A_146 = arith.constant 0 : i32
      %dma_start3A_147 = arith.constant 0 : i32
      %dma_start3A_148 = tpu.memref_slice %arg8[%dma_start3A_146, %dma_start3A_147] : memref<160x128xf32, #tpu.memory_space<vmem>> -> memref<80x128xf32, #tpu.memory_space<vmem>>
      %dma_start3A_149 = arith.constant 0 : i32
      %dma_start3A_150 = tpu.memref_slice %arg6[%dma_start3A_149] : memref<160xi32, #tpu.memory_space<vmem>> -> memref<80xi32, #tpu.memory_space<vmem>>
      %dma_start3A_151 = arith.constant 0 : i32
      %dma_start3A_152 = arith.constant 0 : i32
      %dma_start3A_153 = tpu.memref_slice %arg3[%dma_start3A_151, %dma_start3A_152] : memref<1000000x128xf32, #tpu.memory_space<hbm>> -> memref<1000000x128xf32, #tpu.memory_space<hbm>>
      tpu.enqueue_indirect_dma source(%dma_start3A_153 : memref<1000000x128xf32, #tpu.memory_space<hbm>>) target(%dma_start3A_148 : memref<80x128xf32, #tpu.memory_space<vmem>>) offsets(%dma_start3A_150 : memref<80xi32, #tpu.memory_space<vmem>>) semaphore(%arg14 : memref<!tpu.dma_semaphore, #tpu.memory_space<semaphore_mem>>)
      %dma_start3A_154 = arith.constant 80 : i32
      %dma_start3A_155 = arith.constant 0 : i32
      %dma_start3A_156 = tpu.memref_slice %arg8[%dma_start3A_154, %dma_start3A_155] : memref<160x128xf32, #tpu.memory_space<vmem>> -> memref<80x128xf32, #tpu.memory_space<vmem>>
      %dma_start3A_157 = arith.constant 80 : i32
      %dma_start3A_158 = tpu.memref_slice %arg6[%dma_start3A_157] : memref<160xi32, #tpu.memory_space<vmem>> -> memref<80xi32, #tpu.memory_space<vmem>>
      %dma_start3A_159 = arith.constant 0 : i32
      %dma_start3A_160 = arith.constant 0 : i32
      %dma_start3A_161 = tpu.memref_slice %arg3[%dma_start3A_159, %dma_start3A_160] : memref<1000000x128xf32, #tpu.memory_space<hbm>> -> memref<1000000x128xf32, #tpu.memory_space<hbm>>
      tpu.enqueue_indirect_dma source(%dma_start3A_161 : memref<1000000x128xf32, #tpu.memory_space<hbm>>) target(%dma_start3A_156 : memref<80x128xf32, #tpu.memory_space<vmem>>) offsets(%dma_start3A_158 : memref<80xi32, #tpu.memory_space<vmem>>) semaphore(%arg14 : memref<!tpu.dma_semaphore, #tpu.memory_space<semaphore_mem>>)
      %dma_wait3A_162 = arith.constant 0 : i32
      %dma_wait3A_163 = arith.constant 0 : i32
      %dma_wait3A_164 = tpu.memref_slice %arg7[%dma_wait3A_162, %dma_wait3A_163] : memref<160x128xf32, #tpu.memory_space<vmem>> -> memref<80x128xf32, #tpu.memory_space<vmem>>
      %dma_wait3A_165 = arith.constant 0 : i32
      %dma_wait3A_166 = tpu.memref_slice %arg5[%dma_wait3A_165] : memref<160xi32, #tpu.memory_space<vmem>> -> memref<80xi32, #tpu.memory_space<vmem>>
      %dma_wait3A_167 = arith.constant 0 : i32
      %dma_wait3A_168 = arith.constant 0 : i32
      %dma_wait3A_169 = tpu.memref_slice %arg3[%dma_wait3A_167, %dma_wait3A_168] : memref<1000000x128xf32, #tpu.memory_space<hbm>> -> memref<1000000x128xf32, #tpu.memory_space<hbm>>
      tpu.wait_indirect_dma semaphore(%arg13 : memref<!tpu.dma_semaphore, #tpu.memory_space<semaphore_mem>>) src(%dma_wait3A_169 : memref<1000000x128xf32, #tpu.memory_space<hbm>>) dst(%dma_wait3A_164 : memref<80x128xf32, #tpu.memory_space<vmem>>)
      %dma_wait3A_170 = arith.constant 80 : i32
      %dma_wait3A_171 = arith.constant 0 : i32
      %dma_wait3A_172 = tpu.memref_slice %arg7[%dma_wait3A_170, %dma_wait3A_171] : memref<160x128xf32, #tpu.memory_space<vmem>> -> memref<80x128xf32, #tpu.memory_space<vmem>>
      %dma_wait3A_173 = arith.constant 80 : i32
      %dma_wait3A_174 = tpu.memref_slice %arg5[%dma_wait3A_173] : memref<160xi32, #tpu.memory_space<vmem>> -> memref<80xi32, #tpu.memory_space<vmem>>
      %dma_wait3A_175 = arith.constant 0 : i32
      %dma_wait3A_176 = arith.constant 0 : i32
      %dma_wait3A_177 = tpu.memref_slice %arg3[%dma_wait3A_175, %dma_wait3A_176] : memref<1000000x128xf32, #tpu.memory_space<hbm>> -> memref<1000000x128xf32, #tpu.memory_space<hbm>>
      tpu.wait_indirect_dma semaphore(%arg13 : memref<!tpu.dma_semaphore, #tpu.memory_space<semaphore_mem>>) src(%dma_wait3A_177 : memref<1000000x128xf32, #tpu.memory_space<hbm>>) dst(%dma_wait3A_172 : memref<80x128xf32, #tpu.memory_space<vmem>>)
      %add3A_178 = arith.constant 1 : i32
      %add3A_179 = arith.addi %add3A_138, %add3A_178 : i32
      %lt3A = arith.constant 160 : i32
      %lt3A_180 = arith.cmpi slt, %add3A_179, %lt3A : i32
      %convert_element_type3A_181 = arith.extui %lt3A_180 : i1 to i32
      %cond3A_182 = arith.constant 0 : i32
      %cond3A_183 = arith.cmpi ne, %convert_element_type3A_181, %cond3A_182 : i32
      scf.if %cond3A_183 {
        %add3A_266 = arith.constant 1 : i32
        %add3A_267 = arith.addi %add3A_138, %add3A_266 : i32
        %mul3A_268 = arith.constant 160 : i32
        %mul3A_269 = arith.muli %add3A_267, %mul3A_268 : i32
        %add3A_270 = arith.addi %mul3A_2, %mul3A_269 : i32
        %dma_start3A_271 = tpu.memref_slice %arg2[%add3A_270] : memref<819200xi32, #tpu.memory_space<hbm>> -> memref<160xi32, #tpu.memory_space<hbm>>
        %dma_start3A_272 = tpu.memref_slice %arg2[%add3A_270] : memref<819200xi32, #tpu.memory_space<hbm>> -> memref<160xi32, #tpu.memory_space<hbm>>
        tpu.enqueue_dma source(%dma_start3A_272 : memref<160xi32, #tpu.memory_space<hbm>>) target(%arg5 : memref<160xi32, #tpu.memory_space<vmem>>) target_semaphore(%arg11 : memref<!tpu.dma_semaphore, #tpu.memory_space<semaphore_mem>>)
      } else {
      }
      %scan3A_184 = arith.constant 0 : i32
      %scan3A_185 = arith.constant 0 : i32
      %scan3A_186 = arith.constant 20 : i32
      %scan3A_187 = arith.addi %scan3A_185, %scan3A_186 : i32
      %scan3A_188 = arith.constant 1 : i32
      scf.for %scan3A_266 = %scan3A_185 to %scan3A_187 step %scan3A_188  : i32 {
        %mul3A_267 = arith.constant 8 : i32
        %mul3A_268 = arith.muli %scan3A_266, %mul3A_267 : i32
        %add3A_269 = arith.constant 0 : i32
        %add3A_270 = arith.addi %mul3A_268, %add3A_269 : i32
        %get3A = arith.index_cast %add3A_270 : i32 to index
        %get3A_271 = arith.constant 0 : index
        %get3A_272 = tpu.vector_load %arg7[%get3A, %get3A_271] {strides = array<i32>} : memref<160x128xf32, #tpu.memory_space<vmem>>, vector<1x16xf32>,
        %get3A_273 = vector.shape_cast %get3A_272 : vector<1x16xf32> to vector<16xf32>
        %swap3A = arith.index_cast %add3A_270 : i32 to index
        %swap3A_274 = arith.constant 0 : index
        %swap3A_275 = tpu.vector_load %arg9[%swap3A, %swap3A_274] {strides = array<i32>} : memref<160x64xf32, #tpu.memory_space<vmem>>, vector<1x16xf32>,
        %swap3A_276 = vector.shape_cast %swap3A_275 : vector<1x16xf32> to vector<16xf32>
        %swap3A_277 = vector.shape_cast %get3A_273 : vector<16xf32> to vector<1x16xf32>
        tpu.vector_store %arg9[%swap3A, %swap3A_274], %swap3A_277 {strides = array<i32>} : memref<160x64xf32, #tpu.memory_space<vmem>>, vector<1x16xf32>,
        %get3A_278 = arith.index_cast %add3A_270 : i32 to index
        %get3A_279 = arith.constant 16 : index
        %get3A_280 = tpu.vector_load %arg7[%get3A_278, %get3A_279] {strides = array<i32>} : memref<160x128xf32, #tpu.memory_space<vmem>>, vector<1x16xf32>,
        %get3A_281 = vector.shape_cast %get3A_280 : vector<1x16xf32> to vector<16xf32>
        %swap3A_282 = arith.index_cast %add3A_270 : i32 to index
        %swap3A_283 = arith.constant 16 : index
        %swap3A_284 = tpu.vector_load %arg9[%swap3A_282, %swap3A_283] {strides = array<i32>} : memref<160x64xf32, #tpu.memory_space<vmem>>, vector<1x16xf32>,
        %swap3A_285 = vector.shape_cast %swap3A_284 : vector<1x16xf32> to vector<16xf32>
        %swap3A_286 = vector.shape_cast %get3A_281 : vector<16xf32> to vector<1x16xf32>
        tpu.vector_store %arg9[%swap3A_282, %swap3A_283], %swap3A_286 {strides = array<i32>} : memref<160x64xf32, #tpu.memory_space<vmem>>, vector<1x16xf32>,
        %get3A_287 = arith.index_cast %add3A_270 : i32 to index
        %get3A_288 = arith.constant 32 : index
        %get3A_289 = tpu.vector_load %arg7[%get3A_287, %get3A_288] {strides = array<i32>} : memref<160x128xf32, #tpu.memory_space<vmem>>, vector<1x16xf32>,
        %get3A_290 = vector.shape_cast %get3A_289 : vector<1x16xf32> to vector<16xf32>
        %swap3A_291 = arith.index_cast %add3A_270 : i32 to index
        %swap3A_292 = arith.constant 32 : index
        %swap3A_293 = tpu.vector_load %arg9[%swap3A_291, %swap3A_292] {strides = array<i32>} : memref<160x64xf32, #tpu.memory_space<vmem>>, vector<1x16xf32>,
        %swap3A_294 = vector.shape_cast %swap3A_293 : vector<1x16xf32> to vector<16xf32>
        %swap3A_295 = vector.shape_cast %get3A_290 : vector<16xf32> to vector<1x16xf32>
        tpu.vector_store %arg9[%swap3A_291, %swap3A_292], %swap3A_295 {strides = array<i32>} : memref<160x64xf32, #tpu.memory_space<vmem>>, vector<1x16xf32>,
        %get3A_296 = arith.index_cast %add3A_270 : i32 to index
        %get3A_297 = arith.constant 48 : index
        %get3A_298 = tpu.vector_load %arg7[%get3A_296, %get3A_297] {strides = array<i32>} : memref<160x128xf32, #tpu.memory_space<vmem>>, vector<1x16xf32>,
        %get3A_299 = vector.shape_cast %get3A_298 : vector<1x16xf32> to vector<16xf32>
        %swap3A_300 = arith.index_cast %add3A_270 : i32 to index
        %swap3A_301 = arith.constant 48 : index
        %swap3A_302 = tpu.vector_load %arg9[%swap3A_300, %swap3A_301] {strides = array<i32>} : memref<160x64xf32, #tpu.memory_space<vmem>>, vector<1x16xf32>,
        %swap3A_303 = vector.shape_cast %swap3A_302 : vector<1x16xf32> to vector<16xf32>
        %swap3A_304 = vector.shape_cast %get3A_299 : vector<16xf32> to vector<1x16xf32>
        tpu.vector_store %arg9[%swap3A_300, %swap3A_301], %swap3A_304 {strides = array<i32>} : memref<160x64xf32, #tpu.memory_space<vmem>>, vector<1x16xf32>,
        %mul3A_305 = arith.constant 8 : i32
        %mul3A_306 = arith.muli %scan3A_266, %mul3A_305 : i32
        %add3A_307 = arith.constant 1 : i32
        %add3A_308 = arith.addi %mul3A_306, %add3A_307 : i32
        %get3A_309 = arith.index_cast %add3A_308 : i32 to index
        %get3A_310 = arith.constant 0 : index
        %get3A_311 = tpu.vector_load %arg7[%get3A_309, %get3A_310] {strides = array<i32>} : memref<160x128xf32, #tpu.memory_space<vmem>>, vector<1x16xf32>,
        %get3A_312 = vector.shape_cast %get3A_311 : vector<1x16xf32> to vector<16xf32>
        %swap3A_313 = arith.index_cast %add3A_308 : i32 to index
        %swap3A_314 = arith.constant 0 : index
        %swap3A_315 = tpu.vector_load %arg9[%swap3A_313, %swap3A_314] {strides = array<i32>} : memref<160x64xf32, #tpu.memory_space<vmem>>, vector<1x16xf32>,
        %swap3A_316 = vector.shape_cast %swap3A_315 : vector<1x16xf32> to vector<16xf32>
        %swap3A_317 = vector.shape_cast %get3A_312 : vector<16xf32> to vector<1x16xf32>
        tpu.vector_store %arg9[%swap3A_313, %swap3A_314], %swap3A_317 {strides = array<i32>} : memref<160x64xf32, #tpu.memory_space<vmem>>, vector<1x16xf32>,
        %get3A_318 = arith.index_cast %add3A_308 : i32 to index
        %get3A_319 = arith.constant 16 : index
        %get3A_320 = tpu.vector_load %arg7[%get3A_318, %get3A_319] {strides = array<i32>} : memref<160x128xf32, #tpu.memory_space<vmem>>, vector<1x16xf32>,
        %get3A_321 = vector.shape_cast %get3A_320 : vector<1x16xf32> to vector<16xf32>
        %swap3A_322 = arith.index_cast %add3A_308 : i32 to index
        %swap3A_323 = arith.constant 16 : index
        %swap3A_324 = tpu.vector_load %arg9[%swap3A_322, %swap3A_323] {strides = array<i32>} : memref<160x64xf32, #tpu.memory_space<vmem>>, vector<1x16xf32>,
        %swap3A_325 = vector.shape_cast %swap3A_324 : vector<1x16xf32> to vector<16xf32>
        %swap3A_326 = vector.shape_cast %get3A_321 : vector<16xf32> to vector<1x16xf32>
        tpu.vector_store %arg9[%swap3A_322, %swap3A_323], %swap3A_326 {strides = array<i32>} : memref<160x64xf32, #tpu.memory_space<vmem>>, vector<1x16xf32>,
        %get3A_327 = arith.index_cast %add3A_308 : i32 to index
        %get3A_328 = arith.constant 32 : index
        %get3A_329 = tpu.vector_load %arg7[%get3A_327, %get3A_328] {strides = array<i32>} : memref<160x128xf32, #tpu.memory_space<vmem>>, vector<1x16xf32>,
        %get3A_330 = vector.shape_cast %get3A_329 : vector<1x16xf32> to vector<16xf32>
        %swap3A_331 = arith.index_cast %add3A_308 : i32 to index
        %swap3A_332 = arith.constant 32 : index
        %swap3A_333 = tpu.vector_load %arg9[%swap3A_331, %swap3A_332] {strides = array<i32>} : memref<160x64xf32, #tpu.memory_space<vmem>>, vector<1x16xf32>,
        %swap3A_334 = vector.shape_cast %swap3A_333 : vector<1x16xf32> to vector<16xf32>
        %swap3A_335 = vector.shape_cast %get3A_330 : vector<16xf32> to vector<1x16xf32>
        tpu.vector_store %arg9[%swap3A_331, %swap3A_332], %swap3A_335 {strides = array<i32>} : memref<160x64xf32, #tpu.memory_space<vmem>>, vector<1x16xf32>,
        %get3A_336 = arith.index_cast %add3A_308 : i32 to index
        %get3A_337 = arith.constant 48 : index
        %get3A_338 = tpu.vector_load %arg7[%get3A_336, %get3A_337] {strides = array<i32>} : memref<160x128xf32, #tpu.memory_space<vmem>>, vector<1x16xf32>,
        %get3A_339 = vector.shape_cast %get3A_338 : vector<1x16xf32> to vector<16xf32>
        %swap3A_340 = arith.index_cast %add3A_308 : i32 to index
        %swap3A_341 = arith.constant 48 : index
        %swap3A_342 = tpu.vector_load %arg9[%swap3A_340, %swap3A_341] {strides = array<i32>} : memref<160x64xf32, #tpu.memory_space<vmem>>, vector<1x16xf32>,
        %swap3A_343 = vector.shape_cast %swap3A_342 : vector<1x16xf32> to vector<16xf32>
        %swap3A_344 = vector.shape_cast %get3A_339 : vector<16xf32> to vector<1x16xf32>
        tpu.vector_store %arg9[%swap3A_340, %swap3A_341], %swap3A_344 {strides = array<i32>} : memref<160x64xf32, #tpu.memory_space<vmem>>, vector<1x16xf32>,
        %mul3A_345 = arith.constant 8 : i32
        %mul3A_346 = arith.muli %scan3A_266, %mul3A_345 : i32
        %add3A_347 = arith.constant 2 : i32
        %add3A_348 = arith.addi %mul3A_346, %add3A_347 : i32
        %get3A_349 = arith.index_cast %add3A_348 : i32 to index
        %get3A_350 = arith.constant 0 : index
        %get3A_351 = tpu.vector_load %arg7[%get3A_349, %get3A_350] {strides = array<i32>} : memref<160x128xf32, #tpu.memory_space<vmem>>, vector<1x16xf32>,
        %get3A_352 = vector.shape_cast %get3A_351 : vector<1x16xf32> to vector<16xf32>
        %swap3A_353 = arith.index_cast %add3A_348 : i32 to index
        %swap3A_354 = arith.constant 0 : index
        %swap3A_355 = tpu.vector_load %arg9[%swap3A_353, %swap3A_354] {strides = array<i32>} : memref<160x64xf32, #tpu.memory_space<vmem>>, vector<1x16xf32>,
        %swap3A_356 = vector.shape_cast %swap3A_355 : vector<1x16xf32> to vector<16xf32>
        %swap3A_357 = vector.shape_cast %get3A_352 : vector<16xf32> to vector<1x16xf32>
        tpu.vector_store %arg9[%swap3A_353, %swap3A_354], %swap3A_357 {strides = array<i32>} : memref<160x64xf32, #tpu.memory_space<vmem>>, vector<1x16xf32>,
        %get3A_358 = arith.index_cast %add3A_348 : i32 to index
        %get3A_359 = arith.constant 16 : index
        %get3A_360 = tpu.vector_load %arg7[%get3A_358, %get3A_359] {strides = array<i32>} : memref<160x128xf32, #tpu.memory_space<vmem>>, vector<1x16xf32>,
        %get3A_361 = vector.shape_cast %get3A_360 : vector<1x16xf32> to vector<16xf32>
        %swap3A_362 = arith.index_cast %add3A_348 : i32 to index
        %swap3A_363 = arith.constant 16 : index
        %swap3A_364 = tpu.vector_load %arg9[%swap3A_362, %swap3A_363] {strides = array<i32>} : memref<160x64xf32, #tpu.memory_space<vmem>>, vector<1x16xf32>,
        %swap3A_365 = vector.shape_cast %swap3A_364 : vector<1x16xf32> to vector<16xf32>
        %swap3A_366 = vector.shape_cast %get3A_361 : vector<16xf32> to vector<1x16xf32>
        tpu.vector_store %arg9[%swap3A_362, %swap3A_363], %swap3A_366 {strides = array<i32>} : memref<160x64xf32, #tpu.memory_space<vmem>>, vector<1x16xf32>,
        %get3A_367 = arith.index_cast %add3A_348 : i32 to index
        %get3A_368 = arith.constant 32 : index
        %get3A_369 = tpu.vector_load %arg7[%get3A_367, %get3A_368] {strides = array<i32>} : memref<160x128xf32, #tpu.memory_space<vmem>>, vector<1x16xf32>,
        %get3A_370 = vector.shape_cast %get3A_369 : vector<1x16xf32> to vector<16xf32>
        %swap3A_371 = arith.index_cast %add3A_348 : i32 to index
        %swap3A_372 = arith.constant 32 : index
        %swap3A_373 = tpu.vector_load %arg9[%swap3A_371, %swap3A_372] {strides = array<i32>} : memref<160x64xf32, #tpu.memory_space<vmem>>, vector<1x16xf32>,
        %swap3A_374 = vector.shape_cast %swap3A_373 : vector<1x16xf32> to vector<16xf32>
        %swap3A_375 = vector.shape_cast %get3A_370 : vector<16xf32> to vector<1x16xf32>
        tpu.vector_store %arg9[%swap3A_371, %swap3A_372], %swap3A_375 {strides = array<i32>} : memref<160x64xf32, #tpu.memory_space<vmem>>, vector<1x16xf32>,
        %get3A_376 = arith.index_cast %add3A_348 : i32 to index
        %get3A_377 = arith.constant 48 : index
        %get3A_378 = tpu.vector_load %arg7[%get3A_376, %get3A_377] {strides = array<i32>} : memref<160x128xf32, #tpu.memory_space<vmem>>, vector<1x16xf32>,
        %get3A_379 = vector.shape_cast %get3A_378 : vector<1x16xf32> to vector<16xf32>
        %swap3A_380 = arith.index_cast %add3A_348 : i32 to index
        %swap3A_381 = arith.constant 48 : index
        %swap3A_382 = tpu.vector_load %arg9[%swap3A_380, %swap3A_381] {strides = array<i32>} : memref<160x64xf32, #tpu.memory_space<vmem>>, vector<1x16xf32>,
        %swap3A_383 = vector.shape_cast %swap3A_382 : vector<1x16xf32> to vector<16xf32>
        %swap3A_384 = vector.shape_cast %get3A_379 : vector<16xf32> to vector<1x16xf32>
        tpu.vector_store %arg9[%swap3A_380, %swap3A_381], %swap3A_384 {strides = array<i32>} : memref<160x64xf32, #tpu.memory_space<vmem>>, vector<1x16xf32>,
        %mul3A_385 = arith.constant 8 : i32
        %mul3A_386 = arith.muli %scan3A_266, %mul3A_385 : i32
        %add3A_387 = arith.constant 3 : i32
        %add3A_388 = arith.addi %mul3A_386, %add3A_387 : i32
        %get3A_389 = arith.index_cast %add3A_388 : i32 to index
        %get3A_390 = arith.constant 0 : index
        %get3A_391 = tpu.vector_load %arg7[%get3A_389, %get3A_390] {strides = array<i32>} : memref<160x128xf32, #tpu.memory_space<vmem>>, vector<1x16xf32>,
        %get3A_392 = vector.shape_cast %get3A_391 : vector<1x16xf32> to vector<16xf32>
        %swap3A_393 = arith.index_cast %add3A_388 : i32 to index
        %swap3A_394 = arith.constant 0 : index
        %swap3A_395 = tpu.vector_load %arg9[%swap3A_393, %swap3A_394] {strides = array<i32>} : memref<160x64xf32, #tpu.memory_space<vmem>>, vector<1x16xf32>,
        %swap3A_396 = vector.shape_cast %swap3A_395 : vector<1x16xf32> to vector<16xf32>
        %swap3A_397 = vector.shape_cast %get3A_392 : vector<16xf32> to vector<1x16xf32>
        tpu.vector_store %arg9[%swap3A_393, %swap3A_394], %swap3A_397 {strides = array<i32>} : memref<160x64xf32, #tpu.memory_space<vmem>>, vector<1x16xf32>,
        %get3A_398 = arith.index_cast %add3A_388 : i32 to index
        %get3A_399 = arith.constant 16 : index
        %get3A_400 = tpu.vector_load %arg7[%get3A_398, %get3A_399] {strides = array<i32>} : memref<160x128xf32, #tpu.memory_space<vmem>>, vector<1x16xf32>,
        %get3A_401 = vector.shape_cast %get3A_400 : vector<1x16xf32> to vector<16xf32>
        %swap3A_402 = arith.index_cast %add3A_388 : i32 to index
        %swap3A_403 = arith.constant 16 : index
        %swap3A_404 = tpu.vector_load %arg9[%swap3A_402, %swap3A_403] {strides = array<i32>} : memref<160x64xf32, #tpu.memory_space<vmem>>, vector<1x16xf32>,
        %swap3A_405 = vector.shape_cast %swap3A_404 : vector<1x16xf32> to vector<16xf32>
        %swap3A_406 = vector.shape_cast %get3A_401 : vector<16xf32> to vector<1x16xf32>
        tpu.vector_store %arg9[%swap3A_402, %swap3A_403], %swap3A_406 {strides = array<i32>} : memref<160x64xf32, #tpu.memory_space<vmem>>, vector<1x16xf32>,
        %get3A_407 = arith.index_cast %add3A_388 : i32 to index
        %get3A_408 = arith.constant 32 : index
        %get3A_409 = tpu.vector_load %arg7[%get3A_407, %get3A_408] {strides = array<i32>} : memref<160x128xf32, #tpu.memory_space<vmem>>, vector<1x16xf32>,
        %get3A_410 = vector.shape_cast %get3A_409 : vector<1x16xf32> to vector<16xf32>
        %swap3A_411 = arith.index_cast %add3A_388 : i32 to index
        %swap3A_412 = arith.constant 32 : index
        %swap3A_413 = tpu.vector_load %arg9[%swap3A_411, %swap3A_412] {strides = array<i32>} : memref<160x64xf32, #tpu.memory_space<vmem>>, vector<1x16xf32>,
        %swap3A_414 = vector.shape_cast %swap3A_413 : vector<1x16xf32> to vector<16xf32>
        %swap3A_415 = vector.shape_cast %get3A_410 : vector<16xf32> to vector<1x16xf32>
        tpu.vector_store %arg9[%swap3A_411, %swap3A_412], %swap3A_415 {strides = array<i32>} : memref<160x64xf32, #tpu.memory_space<vmem>>, vector<1x16xf32>,
        %get3A_416 = arith.index_cast %add3A_388 : i32 to index
        %get3A_417 = arith.constant 48 : index
        %get3A_418 = tpu.vector_load %arg7[%get3A_416, %get3A_417] {strides = array<i32>} : memref<160x128xf32, #tpu.memory_space<vmem>>, vector<1x16xf32>,
        %get3A_419 = vector.shape_cast %get3A_418 : vector<1x16xf32> to vector<16xf32>
        %swap3A_420 = arith.index_cast %add3A_388 : i32 to index
        %swap3A_421 = arith.constant 48 : index
        %swap3A_422 = tpu.vector_load %arg9[%swap3A_420, %swap3A_421] {strides = array<i32>} : memref<160x64xf32, #tpu.memory_space<vmem>>, vector<1x16xf32>,
        %swap3A_423 = vector.shape_cast %swap3A_422 : vector<1x16xf32> to vector<16xf32>
        %swap3A_424 = vector.shape_cast %get3A_419 : vector<16xf32> to vector<1x16xf32>
        tpu.vector_store %arg9[%swap3A_420, %swap3A_421], %swap3A_424 {strides = array<i32>} : memref<160x64xf32, #tpu.memory_space<vmem>>, vector<1x16xf32>,
        %mul3A_425 = arith.constant 8 : i32
        %mul3A_426 = arith.muli %scan3A_266, %mul3A_425 : i32
        %add3A_427 = arith.constant 4 : i32
        %add3A_428 = arith.addi %mul3A_426, %add3A_427 : i32
        %get3A_429 = arith.index_cast %add3A_428 : i32 to index
        %get3A_430 = arith.constant 0 : index
        %get3A_431 = tpu.vector_load %arg7[%get3A_429, %get3A_430] {strides = array<i32>} : memref<160x128xf32, #tpu.memory_space<vmem>>, vector<1x16xf32>,
        %get3A_432 = vector.shape_cast %get3A_431 : vector<1x16xf32> to vector<16xf32>
        %swap3A_433 = arith.index_cast %add3A_428 : i32 to index
        %swap3A_434 = arith.constant 0 : index
        %swap3A_435 = tpu.vector_load %arg9[%swap3A_433, %swap3A_434] {strides = array<i32>} : memref<160x64xf32, #tpu.memory_space<vmem>>, vector<1x16xf32>,
        %swap3A_436 = vector.shape_cast %swap3A_435 : vector<1x16xf32> to vector<16xf32>
        %swap3A_437 = vector.shape_cast %get3A_432 : vector<16xf32> to vector<1x16xf32>
        tpu.vector_store %arg9[%swap3A_433, %swap3A_434], %swap3A_437 {strides = array<i32>} : memref<160x64xf32, #tpu.memory_space<vmem>>, vector<1x16xf32>,
        %get3A_438 = arith.index_cast %add3A_428 : i32 to index
        %get3A_439 = arith.constant 16 : index
        %get3A_440 = tpu.vector_load %arg7[%get3A_438, %get3A_439] {strides = array<i32>} : memref<160x128xf32, #tpu.memory_space<vmem>>, vector<1x16xf32>,
        %get3A_441 = vector.shape_cast %get3A_440 : vector<1x16xf32> to vector<16xf32>
        %swap3A_442 = arith.index_cast %add3A_428 : i32 to index
        %swap3A_443 = arith.constant 16 : index
        %swap3A_444 = tpu.vector_load %arg9[%swap3A_442, %swap3A_443] {strides = array<i32>} : memref<160x64xf32, #tpu.memory_space<vmem>>, vector<1x16xf32>,
        %swap3A_445 = vector.shape_cast %swap3A_444 : vector<1x16xf32> to vector<16xf32>
        %swap3A_446 = vector.shape_cast %get3A_441 : vector<16xf32> to vector<1x16xf32>
        tpu.vector_store %arg9[%swap3A_442, %swap3A_443], %swap3A_446 {strides = array<i32>} : memref<160x64xf32, #tpu.memory_space<vmem>>, vector<1x16xf32>,
        %get3A_447 = arith.index_cast %add3A_428 : i32 to index
        %get3A_448 = arith.constant 32 : index
        %get3A_449 = tpu.vector_load %arg7[%get3A_447, %get3A_448] {strides = array<i32>} : memref<160x128xf32, #tpu.memory_space<vmem>>, vector<1x16xf32>,
        %get3A_450 = vector.shape_cast %get3A_449 : vector<1x16xf32> to vector<16xf32>
        %swap3A_451 = arith.index_cast %add3A_428 : i32 to index
        %swap3A_452 = arith.constant 32 : index
        %swap3A_453 = tpu.vector_load %arg9[%swap3A_451, %swap3A_452] {strides = array<i32>} : memref<160x64xf32, #tpu.memory_space<vmem>>, vector<1x16xf32>,
        %swap3A_454 = vector.shape_cast %swap3A_453 : vector<1x16xf32> to vector<16xf32>
        %swap3A_455 = vector.shape_cast %get3A_450 : vector<16xf32> to vector<1x16xf32>
        tpu.vector_store %arg9[%swap3A_451, %swap3A_452], %swap3A_455 {strides = array<i32>} : memref<160x64xf32, #tpu.memory_space<vmem>>, vector<1x16xf32>,
        %get3A_456 = arith.index_cast %add3A_428 : i32 to index
        %get3A_457 = arith.constant 48 : index
        %get3A_458 = tpu.vector_load %arg7[%get3A_456, %get3A_457] {strides = array<i32>} : memref<160x128xf32, #tpu.memory_space<vmem>>, vector<1x16xf32>,
        %get3A_459 = vector.shape_cast %get3A_458 : vector<1x16xf32> to vector<16xf32>
        %swap3A_460 = arith.index_cast %add3A_428 : i32 to index
        %swap3A_461 = arith.constant 48 : index
        %swap3A_462 = tpu.vector_load %arg9[%swap3A_460, %swap3A_461] {strides = array<i32>} : memref<160x64xf32, #tpu.memory_space<vmem>>, vector<1x16xf32>,
        %swap3A_463 = vector.shape_cast %swap3A_462 : vector<1x16xf32> to vector<16xf32>
        %swap3A_464 = vector.shape_cast %get3A_459 : vector<16xf32> to vector<1x16xf32>
        tpu.vector_store %arg9[%swap3A_460, %swap3A_461], %swap3A_464 {strides = array<i32>} : memref<160x64xf32, #tpu.memory_space<vmem>>, vector<1x16xf32>,
        %mul3A_465 = arith.constant 8 : i32
        %mul3A_466 = arith.muli %scan3A_266, %mul3A_465 : i32
        %add3A_467 = arith.constant 5 : i32
        %add3A_468 = arith.addi %mul3A_466, %add3A_467 : i32
        %get3A_469 = arith.index_cast %add3A_468 : i32 to index
        %get3A_470 = arith.constant 0 : index
        %get3A_471 = tpu.vector_load %arg7[%get3A_469, %get3A_470] {strides = array<i32>} : memref<160x128xf32, #tpu.memory_space<vmem>>, vector<1x16xf32>,
        %get3A_472 = vector.shape_cast %get3A_471 : vector<1x16xf32> to vector<16xf32>
        %swap3A_473 = arith.index_cast %add3A_468 : i32 to index
        %swap3A_474 = arith.constant 0 : index
        %swap3A_475 = tpu.vector_load %arg9[%swap3A_473, %swap3A_474] {strides = array<i32>} : memref<160x64xf32, #tpu.memory_space<vmem>>, vector<1x16xf32>,
        %swap3A_476 = vector.shape_cast %swap3A_475 : vector<1x16xf32> to vector<16xf32>
        %swap3A_477 = vector.shape_cast %get3A_472 : vector<16xf32> to vector<1x16xf32>
        tpu.vector_store %arg9[%swap3A_473, %swap3A_474], %swap3A_477 {strides = array<i32>} : memref<160x64xf32, #tpu.memory_space<vmem>>, vector<1x16xf32>,
        %get3A_478 = arith.index_cast %add3A_468 : i32 to index
        %get3A_479 = arith.constant 16 : index
        %get3A_480 = tpu.vector_load %arg7[%get3A_478, %get3A_479] {strides = array<i32>} : memref<160x128xf32, #tpu.memory_space<vmem>>, vector<1x16xf32>,
        %get3A_481 = vector.shape_cast %get3A_480 : vector<1x16xf32> to vector<16xf32>
        %swap3A_482 = arith.index_cast %add3A_468 : i32 to index
        %swap3A_483 = arith.constant 16 : index
        %swap3A_484 = tpu.vector_load %arg9[%swap3A_482, %swap3A_483] {strides = array<i32>} : memref<160x64xf32, #tpu.memory_space<vmem>>, vector<1x16xf32>,
        %swap3A_485 = vector.shape_cast %swap3A_484 : vector<1x16xf32> to vector<16xf32>
        %swap3A_486 = vector.shape_cast %get3A_481 : vector<16xf32> to vector<1x16xf32>
        tpu.vector_store %arg9[%swap3A_482, %swap3A_483], %swap3A_486 {strides = array<i32>} : memref<160x64xf32, #tpu.memory_space<vmem>>, vector<1x16xf32>,
        %get3A_487 = arith.index_cast %add3A_468 : i32 to index
        %get3A_488 = arith.constant 32 : index
        %get3A_489 = tpu.vector_load %arg7[%get3A_487, %get3A_488] {strides = array<i32>} : memref<160x128xf32, #tpu.memory_space<vmem>>, vector<1x16xf32>,
        %get3A_490 = vector.shape_cast %get3A_489 : vector<1x16xf32> to vector<16xf32>
        %swap3A_491 = arith.index_cast %add3A_468 : i32 to index
        %swap3A_492 = arith.constant 32 : index
        %swap3A_493 = tpu.vector_load %arg9[%swap3A_491, %swap3A_492] {strides = array<i32>} : memref<160x64xf32, #tpu.memory_space<vmem>>, vector<1x16xf32>,
        %swap3A_494 = vector.shape_cast %swap3A_493 : vector<1x16xf32> to vector<16xf32>
        %swap3A_495 = vector.shape_cast %get3A_490 : vector<16xf32> to vector<1x16xf32>
        tpu.vector_store %arg9[%swap3A_491, %swap3A_492], %swap3A_495 {strides = array<i32>} : memref<160x64xf32, #tpu.memory_space<vmem>>, vector<1x16xf32>,
        %get3A_496 = arith.index_cast %add3A_468 : i32 to index
        %get3A_497 = arith.constant 48 : index
        %get3A_498 = tpu.vector_load %arg7[%get3A_496, %get3A_497] {strides = array<i32>} : memref<160x128xf32, #tpu.memory_space<vmem>>, vector<1x16xf32>,
        %get3A_499 = vector.shape_cast %get3A_498 : vector<1x16xf32> to vector<16xf32>
        %swap3A_500 = arith.index_cast %add3A_468 : i32 to index
        %swap3A_501 = arith.constant 48 : index
        %swap3A_502 = tpu.vector_load %arg9[%swap3A_500, %swap3A_501] {strides = array<i32>} : memref<160x64xf32, #tpu.memory_space<vmem>>, vector<1x16xf32>,
        %swap3A_503 = vector.shape_cast %swap3A_502 : vector<1x16xf32> to vector<16xf32>
        %swap3A_504 = vector.shape_cast %get3A_499 : vector<16xf32> to vector<1x16xf32>
        tpu.vector_store %arg9[%swap3A_500, %swap3A_501], %swap3A_504 {strides = array<i32>} : memref<160x64xf32, #tpu.memory_space<vmem>>, vector<1x16xf32>,
        %mul3A_505 = arith.constant 8 : i32
        %mul3A_506 = arith.muli %scan3A_266, %mul3A_505 : i32
        %add3A_507 = arith.constant 6 : i32
        %add3A_508 = arith.addi %mul3A_506, %add3A_507 : i32
        %get3A_509 = arith.index_cast %add3A_508 : i32 to index
        %get3A_510 = arith.constant 0 : index
        %get3A_511 = tpu.vector_load %arg7[%get3A_509, %get3A_510] {strides = array<i32>} : memref<160x128xf32, #tpu.memory_space<vmem>>, vector<1x16xf32>,
        %get3A_512 = vector.shape_cast %get3A_511 : vector<1x16xf32> to vector<16xf32>
        %swap3A_513 = arith.index_cast %add3A_508 : i32 to index
        %swap3A_514 = arith.constant 0 : index
        %swap3A_515 = tpu.vector_load %arg9[%swap3A_513, %swap3A_514] {strides = array<i32>} : memref<160x64xf32, #tpu.memory_space<vmem>>, vector<1x16xf32>,
        %swap3A_516 = vector.shape_cast %swap3A_515 : vector<1x16xf32> to vector<16xf32>
        %swap3A_517 = vector.shape_cast %get3A_512 : vector<16xf32> to vector<1x16xf32>
        tpu.vector_store %arg9[%swap3A_513, %swap3A_514], %swap3A_517 {strides = array<i32>} : memref<160x64xf32, #tpu.memory_space<vmem>>, vector<1x16xf32>,
        %get3A_518 = arith.index_cast %add3A_508 : i32 to index
        %get3A_519 = arith.constant 16 : index
        %get3A_520 = tpu.vector_load %arg7[%get3A_518, %get3A_519] {strides = array<i32>} : memref<160x128xf32, #tpu.memory_space<vmem>>, vector<1x16xf32>,
        %get3A_521 = vector.shape_cast %get3A_520 : vector<1x16xf32> to vector<16xf32>
        %swap3A_522 = arith.index_cast %add3A_508 : i32 to index
        %swap3A_523 = arith.constant 16 : index
        %swap3A_524 = tpu.vector_load %arg9[%swap3A_522, %swap3A_523] {strides = array<i32>} : memref<160x64xf32, #tpu.memory_space<vmem>>, vector<1x16xf32>,
        %swap3A_525 = vector.shape_cast %swap3A_524 : vector<1x16xf32> to vector<16xf32>
        %swap3A_526 = vector.shape_cast %get3A_521 : vector<16xf32> to vector<1x16xf32>
        tpu.vector_store %arg9[%swap3A_522, %swap3A_523], %swap3A_526 {strides = array<i32>} : memref<160x64xf32, #tpu.memory_space<vmem>>, vector<1x16xf32>,
        %get3A_527 = arith.index_cast %add3A_508 : i32 to index
        %get3A_528 = arith.constant 32 : index
        %get3A_529 = tpu.vector_load %arg7[%get3A_527, %get3A_528] {strides = array<i32>} : memref<160x128xf32, #tpu.memory_space<vmem>>, vector<1x16xf32>,
        %get3A_530 = vector.shape_cast %get3A_529 : vector<1x16xf32> to vector<16xf32>
        %swap3A_531 = arith.index_cast %add3A_508 : i32 to index
        %swap3A_532 = arith.constant 32 : index
        %swap3A_533 = tpu.vector_load %arg9[%swap3A_531, %swap3A_532] {strides = array<i32>} : memref<160x64xf32, #tpu.memory_space<vmem>>, vector<1x16xf32>,
        %swap3A_534 = vector.shape_cast %swap3A_533 : vector<1x16xf32> to vector<16xf32>
        %swap3A_535 = vector.shape_cast %get3A_530 : vector<16xf32> to vector<1x16xf32>
        tpu.vector_store %arg9[%swap3A_531, %swap3A_532], %swap3A_535 {strides = array<i32>} : memref<160x64xf32, #tpu.memory_space<vmem>>, vector<1x16xf32>,
        %get3A_536 = arith.index_cast %add3A_508 : i32 to index
        %get3A_537 = arith.constant 48 : index
        %get3A_538 = tpu.vector_load %arg7[%get3A_536, %get3A_537] {strides = array<i32>} : memref<160x128xf32, #tpu.memory_space<vmem>>, vector<1x16xf32>,
        %get3A_539 = vector.shape_cast %get3A_538 : vector<1x16xf32> to vector<16xf32>
        %swap3A_540 = arith.index_cast %add3A_508 : i32 to index
        %swap3A_541 = arith.constant 48 : index
        %swap3A_542 = tpu.vector_load %arg9[%swap3A_540, %swap3A_541] {strides = array<i32>} : memref<160x64xf32, #tpu.memory_space<vmem>>, vector<1x16xf32>,
        %swap3A_543 = vector.shape_cast %swap3A_542 : vector<1x16xf32> to vector<16xf32>
        %swap3A_544 = vector.shape_cast %get3A_539 : vector<16xf32> to vector<1x16xf32>
        tpu.vector_store %arg9[%swap3A_540, %swap3A_541], %swap3A_544 {strides = array<i32>} : memref<160x64xf32, #tpu.memory_space<vmem>>, vector<1x16xf32>,
        %mul3A_545 = arith.constant 8 : i32
        %mul3A_546 = arith.muli %scan3A_266, %mul3A_545 : i32
        %add3A_547 = arith.constant 7 : i32
        %add3A_548 = arith.addi %mul3A_546, %add3A_547 : i32
        %get3A_549 = arith.index_cast %add3A_548 : i32 to index
        %get3A_550 = arith.constant 0 : index
        %get3A_551 = tpu.vector_load %arg7[%get3A_549, %get3A_550] {strides = array<i32>} : memref<160x128xf32, #tpu.memory_space<vmem>>, vector<1x16xf32>,
        %get3A_552 = vector.shape_cast %get3A_551 : vector<1x16xf32> to vector<16xf32>
        %swap3A_553 = arith.index_cast %add3A_548 : i32 to index
        %swap3A_554 = arith.constant 0 : index
        %swap3A_555 = tpu.vector_load %arg9[%swap3A_553, %swap3A_554] {strides = array<i32>} : memref<160x64xf32, #tpu.memory_space<vmem>>, vector<1x16xf32>,
        %swap3A_556 = vector.shape_cast %swap3A_555 : vector<1x16xf32> to vector<16xf32>
        %swap3A_557 = vector.shape_cast %get3A_552 : vector<16xf32> to vector<1x16xf32>
        tpu.vector_store %arg9[%swap3A_553, %swap3A_554], %swap3A_557 {strides = array<i32>} : memref<160x64xf32, #tpu.memory_space<vmem>>, vector<1x16xf32>,
        %get3A_558 = arith.index_cast %add3A_548 : i32 to index
        %get3A_559 = arith.constant 16 : index
        %get3A_560 = tpu.vector_load %arg7[%get3A_558, %get3A_559] {strides = array<i32>} : memref<160x128xf32, #tpu.memory_space<vmem>>, vector<1x16xf32>,
        %get3A_561 = vector.shape_cast %get3A_560 : vector<1x16xf32> to vector<16xf32>
        %swap3A_562 = arith.index_cast %add3A_548 : i32 to index
        %swap3A_563 = arith.constant 16 : index
        %swap3A_564 = tpu.vector_load %arg9[%swap3A_562, %swap3A_563] {strides = array<i32>} : memref<160x64xf32, #tpu.memory_space<vmem>>, vector<1x16xf32>,
        %swap3A_565 = vector.shape_cast %swap3A_564 : vector<1x16xf32> to vector<16xf32>
        %swap3A_566 = vector.shape_cast %get3A_561 : vector<16xf32> to vector<1x16xf32>
        tpu.vector_store %arg9[%swap3A_562, %swap3A_563], %swap3A_566 {strides = array<i32>} : memref<160x64xf32, #tpu.memory_space<vmem>>, vector<1x16xf32>,
        %get3A_567 = arith.index_cast %add3A_548 : i32 to index
        %get3A_568 = arith.constant 32 : index
        %get3A_569 = tpu.vector_load %arg7[%get3A_567, %get3A_568] {strides = array<i32>} : memref<160x128xf32, #tpu.memory_space<vmem>>, vector<1x16xf32>,
        %get3A_570 = vector.shape_cast %get3A_569 : vector<1x16xf32> to vector<16xf32>
        %swap3A_571 = arith.index_cast %add3A_548 : i32 to index
        %swap3A_572 = arith.constant 32 : index
        %swap3A_573 = tpu.vector_load %arg9[%swap3A_571, %swap3A_572] {strides = array<i32>} : memref<160x64xf32, #tpu.memory_space<vmem>>, vector<1x16xf32>,
        %swap3A_574 = vector.shape_cast %swap3A_573 : vector<1x16xf32> to vector<16xf32>
        %swap3A_575 = vector.shape_cast %get3A_570 : vector<16xf32> to vector<1x16xf32>
        tpu.vector_store %arg9[%swap3A_571, %swap3A_572], %swap3A_575 {strides = array<i32>} : memref<160x64xf32, #tpu.memory_space<vmem>>, vector<1x16xf32>,
        %get3A_576 = arith.index_cast %add3A_548 : i32 to index
        %get3A_577 = arith.constant 48 : index
        %get3A_578 = tpu.vector_load %arg7[%get3A_576, %get3A_577] {strides = array<i32>} : memref<160x128xf32, #tpu.memory_space<vmem>>, vector<1x16xf32>,
        %get3A_579 = vector.shape_cast %get3A_578 : vector<1x16xf32> to vector<16xf32>
        %swap3A_580 = arith.index_cast %add3A_548 : i32 to index
        %swap3A_581 = arith.constant 48 : index
        %swap3A_582 = tpu.vector_load %arg9[%swap3A_580, %swap3A_581] {strides = array<i32>} : memref<160x64xf32, #tpu.memory_space<vmem>>, vector<1x16xf32>,
        %swap3A_583 = vector.shape_cast %swap3A_582 : vector<1x16xf32> to vector<16xf32>
        %swap3A_584 = vector.shape_cast %get3A_579 : vector<16xf32> to vector<1x16xf32>
        tpu.vector_store %arg9[%swap3A_580, %swap3A_581], %swap3A_584 {strides = array<i32>} : memref<160x64xf32, #tpu.memory_space<vmem>>, vector<1x16xf32>,
      }
      %scan3A_189 = arith.constant 20 : i32
      %sub3A = arith.constant 1 : i32
      %sub3A_190 = arith.subi %add3A_138, %sub3A : i32
      %mul3A_191 = arith.constant 160 : i32
      %mul3A_192 = arith.muli %sub3A_190, %mul3A_191 : i32
      %add3A_193 = arith.addi %mul3A_2, %mul3A_192 : i32
      %dma_start3A_194 = arith.constant 0 : i32
      %dma_start3A_195 = tpu.memref_slice %arg4[%add3A_193, %dma_start3A_194] : memref<819200x64xf32, #tpu.memory_space<hbm>> -> memref<160x64xf32, #tpu.memory_space<hbm>>
      %dma_start3A_196 = arith.constant 0 : i32
      %dma_start3A_197 = tpu.memref_slice %arg4[%add3A_193, %dma_start3A_196] : memref<819200x64xf32, #tpu.memory_space<hbm>> -> memref<160x64xf32, #tpu.memory_space<hbm>>
      tpu.enqueue_dma source(%arg9 : memref<160x64xf32, #tpu.memory_space<vmem>>) target(%dma_start3A_197 : memref<160x64xf32, #tpu.memory_space<hbm>>) target_semaphore(%arg15 : memref<!tpu.dma_semaphore, #tpu.memory_space<semaphore_mem>>)
      %mul3A_198 = arith.constant 2 : i32
      %mul3A_199 = arith.muli %mul3A_198, %scan3A_134 : i32
      %add3A_200 = arith.constant 2 : i32
      %add3A_201 = arith.addi %mul3A_199, %add3A_200 : i32
      %ge3A_202 = arith.constant 3 : i32
      %ge3A_203 = arith.cmpi sge, %add3A_201, %ge3A_202 : i32
      %convert_element_type3A_204 = arith.extui %ge3A_203 : i1 to i32
      %cond3A_205 = arith.constant 0 : i32
      %cond3A_206 = arith.cmpi ne, %convert_element_type3A_204, %cond3A_205 : i32
      scf.if %cond3A_206 {
        %sub3A_266 = arith.constant 3 : i32
        %sub3A_267 = arith.subi %add3A_201, %sub3A_266 : i32
        %mul3A_268 = arith.constant 160 : i32
        %mul3A_269 = arith.muli %sub3A_267, %mul3A_268 : i32
        %add3A_270 = arith.addi %mul3A_2, %mul3A_269 : i32
        %dma_wait3A_271 = arith.constant 0 : i32
        %dma_wait3A_272 = tpu.memref_slice %arg4[%add3A_270, %dma_wait3A_271] : memref<819200x64xf32, #tpu.memory_space<hbm>> -> memref<160x64xf32, #tpu.memory_space<hbm>>
        %dma_wait3A_273 = arith.constant 0 : i32
        %dma_wait3A_274 = tpu.memref_slice %arg4[%add3A_270, %dma_wait3A_273] : memref<819200x64xf32, #tpu.memory_space<hbm>> -> memref<160x64xf32, #tpu.memory_space<hbm>>
        tpu.wait_dma2 semaphore(%arg16 : memref<!tpu.dma_semaphore, #tpu.memory_space<semaphore_mem>>) src(%arg10 : memref<160x64xf32, #tpu.memory_space<vmem>>) dst(%dma_wait3A_274 : memref<160x64xf32, #tpu.memory_space<hbm>>)
      } else {
      }
      %mul3A_207 = arith.constant 160 : i32
      %mul3A_208 = arith.muli %add3A_201, %mul3A_207 : i32
      %add3A_209 = arith.addi %mul3A_2, %mul3A_208 : i32
      %dma_wait3A_210 = tpu.memref_slice %arg2[%add3A_209] : memref<819200xi32, #tpu.memory_space<hbm>> -> memref<160xi32, #tpu.memory_space<hbm>>
      %dma_wait3A_211 = tpu.memref_slice %arg2[%add3A_209] : memref<819200xi32, #tpu.memory_space<hbm>> -> memref<160xi32, #tpu.memory_space<hbm>>
      tpu.wait_dma2 semaphore(%arg11 : memref<!tpu.dma_semaphore, #tpu.memory_space<semaphore_mem>>) src(%dma_wait3A_211 : memref<160xi32, #tpu.memory_space<hbm>>) dst(%arg5 : memref<160xi32, #tpu.memory_space<vmem>>)
      %dma_start3A_212 = arith.constant 0 : i32
      %dma_start3A_213 = arith.constant 0 : i32
      %dma_start3A_214 = tpu.memref_slice %arg7[%dma_start3A_212, %dma_start3A_213] : memref<160x128xf32, #tpu.memory_space<vmem>> -> memref<80x128xf32, #tpu.memory_space<vmem>>
      %dma_start3A_215 = arith.constant 0 : i32
      %dma_start3A_216 = tpu.memref_slice %arg5[%dma_start3A_215] : memref<160xi32, #tpu.memory_space<vmem>> -> memref<80xi32, #tpu.memory_space<vmem>>
      %dma_start3A_217 = arith.constant 0 : i32
      %dma_start3A_218 = arith.constant 0 : i32
      %dma_start3A_219 = tpu.memref_slice %arg3[%dma_start3A_217, %dma_start3A_218] : memref<1000000x128xf32, #tpu.memory_space<hbm>> -> memref<1000000x128xf32, #tpu.memory_space<hbm>>
      tpu.enqueue_indirect_dma source(%dma_start3A_219 : memref<1000000x128xf32, #tpu.memory_space<hbm>>) target(%dma_start3A_214 : memref<80x128xf32, #tpu.memory_space<vmem>>) offsets(%dma_start3A_216 : memref<80xi32, #tpu.memory_space<vmem>>) semaphore(%arg13 : memref<!tpu.dma_semaphore, #tpu.memory_space<semaphore_mem>>)
      %dma_start3A_220 = arith.constant 80 : i32
      %dma_start3A_221 = arith.constant 0 : i32
      %dma_start3A_222 = tpu.memref_slice %arg7[%dma_start3A_220, %dma_start3A_221] : memref<160x128xf32, #tpu.memory_space<vmem>> -> memref<80x128xf32, #tpu.memory_space<vmem>>
      %dma_start3A_223 = arith.constant 80 : i32
      %dma_start3A_224 = tpu.memref_slice %arg5[%dma_start3A_223] : memref<160xi32, #tpu.memory_space<vmem>> -> memref<80xi32, #tpu.memory_space<vmem>>
      %dma_start3A_225 = arith.constant 0 : i32
      %dma_start3A_226 = arith.constant 0 : i32
      %dma_start3A_227 = tpu.memref_slice %arg3[%dma_start3A_225, %dma_start3A_226] : memref<1000000x128xf32, #tpu.memory_space<hbm>> -> memref<1000000x128xf32, #tpu.memory_space<hbm>>
      tpu.enqueue_indirect_dma source(%dma_start3A_227 : memref<1000000x128xf32, #tpu.memory_space<hbm>>) target(%dma_start3A_222 : memref<80x128xf32, #tpu.memory_space<vmem>>) offsets(%dma_start3A_224 : memref<80xi32, #tpu.memory_space<vmem>>) semaphore(%arg13 : memref<!tpu.dma_semaphore, #tpu.memory_space<semaphore_mem>>)
      %dma_wait3A_228 = arith.constant 0 : i32
      %dma_wait3A_229 = arith.constant 0 : i32
      %dma_wait3A_230 = tpu.memref_slice %arg8[%dma_wait3A_228, %dma_wait3A_229] : memref<160x128xf32, #tpu.memory_space<vmem>> -> memref<80x128xf32, #tpu.memory_space<vmem>>
      %dma_wait3A_231 = arith.constant 0 : i32
      %dma_wait3A_232 = tpu.memref_slice %arg6[%dma_wait3A_231] : memref<160xi32, #tpu.memory_space<vmem>> -> memref<80xi32, #tpu.memory_space<vmem>>
      %dma_wait3A_233 = arith.constant 0 : i32
      %dma_wait3A_234 = arith.constant 0 : i32
      %dma_wait3A_235 = tpu.memref_slice %arg3[%dma_wait3A_233, %dma_wait3A_234] : memref<1000000x128xf32, #tpu.memory_space<hbm>> -> memref<1000000x128xf32, #tpu.memory_space<hbm>>
      tpu.wait_indirect_dma semaphore(%arg14 : memref<!tpu.dma_semaphore, #tpu.memory_space<semaphore_mem>>) src(%dma_wait3A_235 : memref<1000000x128xf32, #tpu.memory_space<hbm>>) dst(%dma_wait3A_230 : memref<80x128xf32, #tpu.memory_space<vmem>>)
      %dma_wait3A_236 = arith.constant 80 : i32
      %dma_wait3A_237 = arith.constant 0 : i32
      %dma_wait3A_238 = tpu.memref_slice %arg8[%dma_wait3A_236, %dma_wait3A_237] : memref<160x128xf32, #tpu.memory_space<vmem>> -> memref<80x128xf32, #tpu.memory_space<vmem>>
      %dma_wait3A_239 = arith.constant 80 : i32
      %dma_wait3A_240 = tpu.memref_slice %arg6[%dma_wait3A_239] : memref<160xi32, #tpu.memory_space<vmem>> -> memref<80xi32, #tpu.memory_space<vmem>>
      %dma_wait3A_241 = arith.constant 0 : i32
      %dma_wait3A_242 = arith.constant 0 : i32
      %dma_wait3A_243 = tpu.memref_slice %arg3[%dma_wait3A_241, %dma_wait3A_242] : memref<1000000x128xf32, #tpu.memory_space<hbm>> -> memref<1000000x128xf32, #tpu.memory_space<hbm>>
      tpu.wait_indirect_dma semaphore(%arg14 : memref<!tpu.dma_semaphore, #tpu.memory_space<semaphore_mem>>) src(%dma_wait3A_243 : memref<1000000x128xf32, #tpu.memory_space<hbm>>) dst(%dma_wait3A_238 : memref<80x128xf32, #tpu.memory_space<vmem>>)
      %add3A_244 = arith.constant 1 : i32
      %add3A_245 = arith.addi %add3A_201, %add3A_244 : i32
      %lt3A_246 = arith.constant 160 : i32
      %lt3A_247 = arith.cmpi slt, %add3A_245, %lt3A_246 : i32
      %convert_element_type3A_248 = arith.extui %lt3A_247 : i1 to i32
      %cond3A_249 = arith.constant 0 : i32
      %cond3A_250 = arith.cmpi ne, %convert_element_type3A_248, %cond3A_249 : i32
      scf.if %cond3A_250 {
        %add3A_266 = arith.constant 1 : i32
        %add3A_267 = arith.addi %add3A_201, %add3A_266 : i32
        %mul3A_268 = arith.constant 160 : i32
        %mul3A_269 = arith.muli %add3A_267, %mul3A_268 : i32
        %add3A_270 = arith.addi %mul3A_2, %mul3A_269 : i32
        %dma_start3A_271 = tpu.memref_slice %arg2[%add3A_270] : memref<819200xi32, #tpu.memory_space<hbm>> -> memref<160xi32, #tpu.memory_space<hbm>>
        %dma_start3A_272 = tpu.memref_slice %arg2[%add3A_270] : memref<819200xi32, #tpu.memory_space<hbm>> -> memref<160xi32, #tpu.memory_space<hbm>>
        tpu.enqueue_dma source(%dma_start3A_272 : memref<160xi32, #tpu.memory_space<hbm>>) target(%arg6 : memref<160xi32, #tpu.memory_space<vmem>>) target_semaphore(%arg12 : memref<!tpu.dma_semaphore, #tpu.memory_space<semaphore_mem>>)
      } else {
      }
      %scan3A_251 = arith.constant 0 : i32
      %scan3A_252 = arith.constant 0 : i32
      %scan3A_253 = arith.constant 20 : i32
      %scan3A_254 = arith.addi %scan3A_252, %scan3A_253 : i32
      %scan3A_255 = arith.constant 1 : i32
      scf.for %scan3A_266 = %scan3A_252 to %scan3A_254 step %scan3A_255  : i32 {
        %mul3A_267 = arith.constant 8 : i32
        %mul3A_268 = arith.muli %scan3A_266, %mul3A_267 : i32
        %add3A_269 = arith.constant 0 : i32
        %add3A_270 = arith.addi %mul3A_268, %add3A_269 : i32
        %get3A = arith.index_cast %add3A_270 : i32 to index
        %get3A_271 = arith.constant 0 : index
        %get3A_272 = tpu.vector_load %arg8[%get3A, %get3A_271] {strides = array<i32>} : memref<160x128xf32, #tpu.memory_space<vmem>>, vector<1x16xf32>,
        %get3A_273 = vector.shape_cast %get3A_272 : vector<1x16xf32> to vector<16xf32>
        %swap3A = arith.index_cast %add3A_270 : i32 to index
        %swap3A_274 = arith.constant 0 : index
        %swap3A_275 = tpu.vector_load %arg10[%swap3A, %swap3A_274] {strides = array<i32>} : memref<160x64xf32, #tpu.memory_space<vmem>>, vector<1x16xf32>,
        %swap3A_276 = vector.shape_cast %swap3A_275 : vector<1x16xf32> to vector<16xf32>
        %swap3A_277 = vector.shape_cast %get3A_273 : vector<16xf32> to vector<1x16xf32>
        tpu.vector_store %arg10[%swap3A, %swap3A_274], %swap3A_277 {strides = array<i32>} : memref<160x64xf32, #tpu.memory_space<vmem>>, vector<1x16xf32>,
        %get3A_278 = arith.index_cast %add3A_270 : i32 to index
        %get3A_279 = arith.constant 16 : index
        %get3A_280 = tpu.vector_load %arg8[%get3A_278, %get3A_279] {strides = array<i32>} : memref<160x128xf32, #tpu.memory_space<vmem>>, vector<1x16xf32>,
        %get3A_281 = vector.shape_cast %get3A_280 : vector<1x16xf32> to vector<16xf32>
        %swap3A_282 = arith.index_cast %add3A_270 : i32 to index
        %swap3A_283 = arith.constant 16 : index
        %swap3A_284 = tpu.vector_load %arg10[%swap3A_282, %swap3A_283] {strides = array<i32>} : memref<160x64xf32, #tpu.memory_space<vmem>>, vector<1x16xf32>,
        %swap3A_285 = vector.shape_cast %swap3A_284 : vector<1x16xf32> to vector<16xf32>
        %swap3A_286 = vector.shape_cast %get3A_281 : vector<16xf32> to vector<1x16xf32>
        tpu.vector_store %arg10[%swap3A_282, %swap3A_283], %swap3A_286 {strides = array<i32>} : memref<160x64xf32, #tpu.memory_space<vmem>>, vector<1x16xf32>,
        %get3A_287 = arith.index_cast %add3A_270 : i32 to index
        %get3A_288 = arith.constant 32 : index
        %get3A_289 = tpu.vector_load %arg8[%get3A_287, %get3A_288] {strides = array<i32>} : memref<160x128xf32, #tpu.memory_space<vmem>>, vector<1x16xf32>,
        %get3A_290 = vector.shape_cast %get3A_289 : vector<1x16xf32> to vector<16xf32>
        %swap3A_291 = arith.index_cast %add3A_270 : i32 to index
        %swap3A_292 = arith.constant 32 : index
        %swap3A_293 = tpu.vector_load %arg10[%swap3A_291, %swap3A_292] {strides = array<i32>} : memref<160x64xf32, #tpu.memory_space<vmem>>, vector<1x16xf32>,
        %swap3A_294 = vector.shape_cast %swap3A_293 : vector<1x16xf32> to vector<16xf32>
        %swap3A_295 = vector.shape_cast %get3A_290 : vector<16xf32> to vector<1x16xf32>
        tpu.vector_store %arg10[%swap3A_291, %swap3A_292], %swap3A_295 {strides = array<i32>} : memref<160x64xf32, #tpu.memory_space<vmem>>, vector<1x16xf32>,
        %get3A_296 = arith.index_cast %add3A_270 : i32 to index
        %get3A_297 = arith.constant 48 : index
        %get3A_298 = tpu.vector_load %arg8[%get3A_296, %get3A_297] {strides = array<i32>} : memref<160x128xf32, #tpu.memory_space<vmem>>, vector<1x16xf32>,
        %get3A_299 = vector.shape_cast %get3A_298 : vector<1x16xf32> to vector<16xf32>
        %swap3A_300 = arith.index_cast %add3A_270 : i32 to index
        %swap3A_301 = arith.constant 48 : index
        %swap3A_302 = tpu.vector_load %arg10[%swap3A_300, %swap3A_301] {strides = array<i32>} : memref<160x64xf32, #tpu.memory_space<vmem>>, vector<1x16xf32>,
        %swap3A_303 = vector.shape_cast %swap3A_302 : vector<1x16xf32> to vector<16xf32>
        %swap3A_304 = vector.shape_cast %get3A_299 : vector<16xf32> to vector<1x16xf32>
        tpu.vector_store %arg10[%swap3A_300, %swap3A_301], %swap3A_304 {strides = array<i32>} : memref<160x64xf32, #tpu.memory_space<vmem>>, vector<1x16xf32>,
        %mul3A_305 = arith.constant 8 : i32
        %mul3A_306 = arith.muli %scan3A_266, %mul3A_305 : i32
        %add3A_307 = arith.constant 1 : i32
        %add3A_308 = arith.addi %mul3A_306, %add3A_307 : i32
        %get3A_309 = arith.index_cast %add3A_308 : i32 to index
        %get3A_310 = arith.constant 0 : index
        %get3A_311 = tpu.vector_load %arg8[%get3A_309, %get3A_310] {strides = array<i32>} : memref<160x128xf32, #tpu.memory_space<vmem>>, vector<1x16xf32>,
        %get3A_312 = vector.shape_cast %get3A_311 : vector<1x16xf32> to vector<16xf32>
        %swap3A_313 = arith.index_cast %add3A_308 : i32 to index
        %swap3A_314 = arith.constant 0 : index
        %swap3A_315 = tpu.vector_load %arg10[%swap3A_313, %swap3A_314] {strides = array<i32>} : memref<160x64xf32, #tpu.memory_space<vmem>>, vector<1x16xf32>,
        %swap3A_316 = vector.shape_cast %swap3A_315 : vector<1x16xf32> to vector<16xf32>
        %swap3A_317 = vector.shape_cast %get3A_312 : vector<16xf32> to vector<1x16xf32>
        tpu.vector_store %arg10[%swap3A_313, %swap3A_314], %swap3A_317 {strides = array<i32>} : memref<160x64xf32, #tpu.memory_space<vmem>>, vector<1x16xf32>,
        %get3A_318 = arith.index_cast %add3A_308 : i32 to index
        %get3A_319 = arith.constant 16 : index
        %get3A_320 = tpu.vector_load %arg8[%get3A_318, %get3A_319] {strides = array<i32>} : memref<160x128xf32, #tpu.memory_space<vmem>>, vector<1x16xf32>,
        %get3A_321 = vector.shape_cast %get3A_320 : vector<1x16xf32> to vector<16xf32>
        %swap3A_322 = arith.index_cast %add3A_308 : i32 to index
        %swap3A_323 = arith.constant 16 : index
        %swap3A_324 = tpu.vector_load %arg10[%swap3A_322, %swap3A_323] {strides = array<i32>} : memref<160x64xf32, #tpu.memory_space<vmem>>, vector<1x16xf32>,
        %swap3A_325 = vector.shape_cast %swap3A_324 : vector<1x16xf32> to vector<16xf32>
        %swap3A_326 = vector.shape_cast %get3A_321 : vector<16xf32> to vector<1x16xf32>
        tpu.vector_store %arg10[%swap3A_322, %swap3A_323], %swap3A_326 {strides = array<i32>} : memref<160x64xf32, #tpu.memory_space<vmem>>, vector<1x16xf32>,
        %get3A_327 = arith.index_cast %add3A_308 : i32 to index
        %get3A_328 = arith.constant 32 : index
        %get3A_329 = tpu.vector_load %arg8[%get3A_327, %get3A_328] {strides = array<i32>} : memref<160x128xf32, #tpu.memory_space<vmem>>, vector<1x16xf32>,
        %get3A_330 = vector.shape_cast %get3A_329 : vector<1x16xf32> to vector<16xf32>
        %swap3A_331 = arith.index_cast %add3A_308 : i32 to index
        %swap3A_332 = arith.constant 32 : index
        %swap3A_333 = tpu.vector_load %arg10[%swap3A_331, %swap3A_332] {strides = array<i32>} : memref<160x64xf32, #tpu.memory_space<vmem>>, vector<1x16xf32>,
        %swap3A_334 = vector.shape_cast %swap3A_333 : vector<1x16xf32> to vector<16xf32>
        %swap3A_335 = vector.shape_cast %get3A_330 : vector<16xf32> to vector<1x16xf32>
        tpu.vector_store %arg10[%swap3A_331, %swap3A_332], %swap3A_335 {strides = array<i32>} : memref<160x64xf32, #tpu.memory_space<vmem>>, vector<1x16xf32>,
        %get3A_336 = arith.index_cast %add3A_308 : i32 to index
        %get3A_337 = arith.constant 48 : index
        %get3A_338 = tpu.vector_load %arg8[%get3A_336, %get3A_337] {strides = array<i32>} : memref<160x128xf32, #tpu.memory_space<vmem>>, vector<1x16xf32>,
        %get3A_339 = vector.shape_cast %get3A_338 : vector<1x16xf32> to vector<16xf32>
        %swap3A_340 = arith.index_cast %add3A_308 : i32 to index
        %swap3A_341 = arith.constant 48 : index
        %swap3A_342 = tpu.vector_load %arg10[%swap3A_340, %swap3A_341] {strides = array<i32>} : memref<160x64xf32, #tpu.memory_space<vmem>>, vector<1x16xf32>,
        %swap3A_343 = vector.shape_cast %swap3A_342 : vector<1x16xf32> to vector<16xf32>
        %swap3A_344 = vector.shape_cast %get3A_339 : vector<16xf32> to vector<1x16xf32>
        tpu.vector_store %arg10[%swap3A_340, %swap3A_341], %swap3A_344 {strides = array<i32>} : memref<160x64xf32, #tpu.memory_space<vmem>>, vector<1x16xf32>,
        %mul3A_345 = arith.constant 8 : i32
        %mul3A_346 = arith.muli %scan3A_266, %mul3A_345 : i32
        %add3A_347 = arith.constant 2 : i32
        %add3A_348 = arith.addi %mul3A_346, %add3A_347 : i32
        %get3A_349 = arith.index_cast %add3A_348 : i32 to index
        %get3A_350 = arith.constant 0 : index
        %get3A_351 = tpu.vector_load %arg8[%get3A_349, %get3A_350] {strides = array<i32>} : memref<160x128xf32, #tpu.memory_space<vmem>>, vector<1x16xf32>,
        %get3A_352 = vector.shape_cast %get3A_351 : vector<1x16xf32> to vector<16xf32>
        %swap3A_353 = arith.index_cast %add3A_348 : i32 to index
        %swap3A_354 = arith.constant 0 : index
        %swap3A_355 = tpu.vector_load %arg10[%swap3A_353, %swap3A_354] {strides = array<i32>} : memref<160x64xf32, #tpu.memory_space<vmem>>, vector<1x16xf32>,
        %swap3A_356 = vector.shape_cast %swap3A_355 : vector<1x16xf32> to vector<16xf32>
        %swap3A_357 = vector.shape_cast %get3A_352 : vector<16xf32> to vector<1x16xf32>
        tpu.vector_store %arg10[%swap3A_353, %swap3A_354], %swap3A_357 {strides = array<i32>} : memref<160x64xf32, #tpu.memory_space<vmem>>, vector<1x16xf32>,
        %get3A_358 = arith.index_cast %add3A_348 : i32 to index
        %get3A_359 = arith.constant 16 : index
        %get3A_360 = tpu.vector_load %arg8[%get3A_358, %get3A_359] {strides = array<i32>} : memref<160x128xf32, #tpu.memory_space<vmem>>, vector<1x16xf32>,
        %get3A_361 = vector.shape_cast %get3A_360 : vector<1x16xf32> to vector<16xf32>
        %swap3A_362 = arith.index_cast %add3A_348 : i32 to index
        %swap3A_363 = arith.constant 16 : index
        %swap3A_364 = tpu.vector_load %arg10[%swap3A_362, %swap3A_363] {strides = array<i32>} : memref<160x64xf32, #tpu.memory_space<vmem>>, vector<1x16xf32>,
        %swap3A_365 = vector.shape_cast %swap3A_364 : vector<1x16xf32> to vector<16xf32>
        %swap3A_366 = vector.shape_cast %get3A_361 : vector<16xf32> to vector<1x16xf32>
        tpu.vector_store %arg10[%swap3A_362, %swap3A_363], %swap3A_366 {strides = array<i32>} : memref<160x64xf32, #tpu.memory_space<vmem>>, vector<1x16xf32>,
        %get3A_367 = arith.index_cast %add3A_348 : i32 to index
        %get3A_368 = arith.constant 32 : index
        %get3A_369 = tpu.vector_load %arg8[%get3A_367, %get3A_368] {strides = array<i32>} : memref<160x128xf32, #tpu.memory_space<vmem>>, vector<1x16xf32>,
        %get3A_370 = vector.shape_cast %get3A_369 : vector<1x16xf32> to vector<16xf32>
        %swap3A_371 = arith.index_cast %add3A_348 : i32 to index
        %swap3A_372 = arith.constant 32 : index
        %swap3A_373 = tpu.vector_load %arg10[%swap3A_371, %swap3A_372] {strides = array<i32>} : memref<160x64xf32, #tpu.memory_space<vmem>>, vector<1x16xf32>,
        %swap3A_374 = vector.shape_cast %swap3A_373 : vector<1x16xf32> to vector<16xf32>
        %swap3A_375 = vector.shape_cast %get3A_370 : vector<16xf32> to vector<1x16xf32>
        tpu.vector_store %arg10[%swap3A_371, %swap3A_372], %swap3A_375 {strides = array<i32>} : memref<160x64xf32, #tpu.memory_space<vmem>>, vector<1x16xf32>,
        %get3A_376 = arith.index_cast %add3A_348 : i32 to index
        %get3A_377 = arith.constant 48 : index
        %get3A_378 = tpu.vector_load %arg8[%get3A_376, %get3A_377] {strides = array<i32>} : memref<160x128xf32, #tpu.memory_space<vmem>>, vector<1x16xf32>,
        %get3A_379 = vector.shape_cast %get3A_378 : vector<1x16xf32> to vector<16xf32>
        %swap3A_380 = arith.index_cast %add3A_348 : i32 to index
        %swap3A_381 = arith.constant 48 : index
        %swap3A_382 = tpu.vector_load %arg10[%swap3A_380, %swap3A_381] {strides = array<i32>} : memref<160x64xf32, #tpu.memory_space<vmem>>, vector<1x16xf32>,
        %swap3A_383 = vector.shape_cast %swap3A_382 : vector<1x16xf32> to vector<16xf32>
        %swap3A_384 = vector.shape_cast %get3A_379 : vector<16xf32> to vector<1x16xf32>
        tpu.vector_store %arg10[%swap3A_380, %swap3A_381], %swap3A_384 {strides = array<i32>} : memref<160x64xf32, #tpu.memory_space<vmem>>, vector<1x16xf32>,
        %mul3A_385 = arith.constant 8 : i32
        %mul3A_386 = arith.muli %scan3A_266, %mul3A_385 : i32
        %add3A_387 = arith.constant 3 : i32
        %add3A_388 = arith.addi %mul3A_386, %add3A_387 : i32
        %get3A_389 = arith.index_cast %add3A_388 : i32 to index
        %get3A_390 = arith.constant 0 : index
        %get3A_391 = tpu.vector_load %arg8[%get3A_389, %get3A_390] {strides = array<i32>} : memref<160x128xf32, #tpu.memory_space<vmem>>, vector<1x16xf32>,
        %get3A_392 = vector.shape_cast %get3A_391 : vector<1x16xf32> to vector<16xf32>
        %swap3A_393 = arith.index_cast %add3A_388 : i32 to index
        %swap3A_394 = arith.constant 0 : index
        %swap3A_395 = tpu.vector_load %arg10[%swap3A_393, %swap3A_394] {strides = array<i32>} : memref<160x64xf32, #tpu.memory_space<vmem>>, vector<1x16xf32>,
        %swap3A_396 = vector.shape_cast %swap3A_395 : vector<1x16xf32> to vector<16xf32>
        %swap3A_397 = vector.shape_cast %get3A_392 : vector<16xf32> to vector<1x16xf32>
        tpu.vector_store %arg10[%swap3A_393, %swap3A_394], %swap3A_397 {strides = array<i32>} : memref<160x64xf32, #tpu.memory_space<vmem>>, vector<1x16xf32>,
        %get3A_398 = arith.index_cast %add3A_388 : i32 to index
        %get3A_399 = arith.constant 16 : index
        %get3A_400 = tpu.vector_load %arg8[%get3A_398, %get3A_399] {strides = array<i32>} : memref<160x128xf32, #tpu.memory_space<vmem>>, vector<1x16xf32>,
        %get3A_401 = vector.shape_cast %get3A_400 : vector<1x16xf32> to vector<16xf32>
        %swap3A_402 = arith.index_cast %add3A_388 : i32 to index
        %swap3A_403 = arith.constant 16 : index
        %swap3A_404 = tpu.vector_load %arg10[%swap3A_402, %swap3A_403] {strides = array<i32>} : memref<160x64xf32, #tpu.memory_space<vmem>>, vector<1x16xf32>,
        %swap3A_405 = vector.shape_cast %swap3A_404 : vector<1x16xf32> to vector<16xf32>
        %swap3A_406 = vector.shape_cast %get3A_401 : vector<16xf32> to vector<1x16xf32>
        tpu.vector_store %arg10[%swap3A_402, %swap3A_403], %swap3A_406 {strides = array<i32>} : memref<160x64xf32, #tpu.memory_space<vmem>>, vector<1x16xf32>,
        %get3A_407 = arith.index_cast %add3A_388 : i32 to index
        %get3A_408 = arith.constant 32 : index
        %get3A_409 = tpu.vector_load %arg8[%get3A_407, %get3A_408] {strides = array<i32>} : memref<160x128xf32, #tpu.memory_space<vmem>>, vector<1x16xf32>,
        %get3A_410 = vector.shape_cast %get3A_409 : vector<1x16xf32> to vector<16xf32>
        %swap3A_411 = arith.index_cast %add3A_388 : i32 to index
        %swap3A_412 = arith.constant 32 : index
        %swap3A_413 = tpu.vector_load %arg10[%swap3A_411, %swap3A_412] {strides = array<i32>} : memref<160x64xf32, #tpu.memory_space<vmem>>, vector<1x16xf32>,
        %swap3A_414 = vector.shape_cast %swap3A_413 : vector<1x16xf32> to vector<16xf32>
        %swap3A_415 = vector.shape_cast %get3A_410 : vector<16xf32> to vector<1x16xf32>
        tpu.vector_store %arg10[%swap3A_411, %swap3A_412], %swap3A_415 {strides = array<i32>} : memref<160x64xf32, #tpu.memory_space<vmem>>, vector<1x16xf32>,
        %get3A_416 = arith.index_cast %add3A_388 : i32 to index
        %get3A_417 = arith.constant 48 : index
        %get3A_418 = tpu.vector_load %arg8[%get3A_416, %get3A_417] {strides = array<i32>} : memref<160x128xf32, #tpu.memory_space<vmem>>, vector<1x16xf32>,
        %get3A_419 = vector.shape_cast %get3A_418 : vector<1x16xf32> to vector<16xf32>
        %swap3A_420 = arith.index_cast %add3A_388 : i32 to index
        %swap3A_421 = arith.constant 48 : index
        %swap3A_422 = tpu.vector_load %arg10[%swap3A_420, %swap3A_421] {strides = array<i32>} : memref<160x64xf32, #tpu.memory_space<vmem>>, vector<1x16xf32>,
        %swap3A_423 = vector.shape_cast %swap3A_422 : vector<1x16xf32> to vector<16xf32>
        %swap3A_424 = vector.shape_cast %get3A_419 : vector<16xf32> to vector<1x16xf32>
        tpu.vector_store %arg10[%swap3A_420, %swap3A_421], %swap3A_424 {strides = array<i32>} : memref<160x64xf32, #tpu.memory_space<vmem>>, vector<1x16xf32>,
        %mul3A_425 = arith.constant 8 : i32
        %mul3A_426 = arith.muli %scan3A_266, %mul3A_425 : i32
        %add3A_427 = arith.constant 4 : i32
        %add3A_428 = arith.addi %mul3A_426, %add3A_427 : i32
        %get3A_429 = arith.index_cast %add3A_428 : i32 to index
        %get3A_430 = arith.constant 0 : index
        %get3A_431 = tpu.vector_load %arg8[%get3A_429, %get3A_430] {strides = array<i32>} : memref<160x128xf32, #tpu.memory_space<vmem>>, vector<1x16xf32>,
        %get3A_432 = vector.shape_cast %get3A_431 : vector<1x16xf32> to vector<16xf32>
        %swap3A_433 = arith.index_cast %add3A_428 : i32 to index
        %swap3A_434 = arith.constant 0 : index
        %swap3A_435 = tpu.vector_load %arg10[%swap3A_433, %swap3A_434] {strides = array<i32>} : memref<160x64xf32, #tpu.memory_space<vmem>>, vector<1x16xf32>,
        %swap3A_436 = vector.shape_cast %swap3A_435 : vector<1x16xf32> to vector<16xf32>
        %swap3A_437 = vector.shape_cast %get3A_432 : vector<16xf32> to vector<1x16xf32>
        tpu.vector_store %arg10[%swap3A_433, %swap3A_434], %swap3A_437 {strides = array<i32>} : memref<160x64xf32, #tpu.memory_space<vmem>>, vector<1x16xf32>,
        %get3A_438 = arith.index_cast %add3A_428 : i32 to index
        %get3A_439 = arith.constant 16 : index
        %get3A_440 = tpu.vector_load %arg8[%get3A_438, %get3A_439] {strides = array<i32>} : memref<160x128xf32, #tpu.memory_space<vmem>>, vector<1x16xf32>,
        %get3A_441 = vector.shape_cast %get3A_440 : vector<1x16xf32> to vector<16xf32>
        %swap3A_442 = arith.index_cast %add3A_428 : i32 to index
        %swap3A_443 = arith.constant 16 : index
        %swap3A_444 = tpu.vector_load %arg10[%swap3A_442, %swap3A_443] {strides = array<i32>} : memref<160x64xf32, #tpu.memory_space<vmem>>, vector<1x16xf32>,
        %swap3A_445 = vector.shape_cast %swap3A_444 : vector<1x16xf32> to vector<16xf32>
        %swap3A_446 = vector.shape_cast %get3A_441 : vector<16xf32> to vector<1x16xf32>
        tpu.vector_store %arg10[%swap3A_442, %swap3A_443], %swap3A_446 {strides = array<i32>} : memref<160x64xf32, #tpu.memory_space<vmem>>, vector<1x16xf32>,
        %get3A_447 = arith.index_cast %add3A_428 : i32 to index
        %get3A_448 = arith.constant 32 : index
        %get3A_449 = tpu.vector_load %arg8[%get3A_447, %get3A_448] {strides = array<i32>} : memref<160x128xf32, #tpu.memory_space<vmem>>, vector<1x16xf32>,
        %get3A_450 = vector.shape_cast %get3A_449 : vector<1x16xf32> to vector<16xf32>
        %swap3A_451 = arith.index_cast %add3A_428 : i32 to index
        %swap3A_452 = arith.constant 32 : index
        %swap3A_453 = tpu.vector_load %arg10[%swap3A_451, %swap3A_452] {strides = array<i32>} : memref<160x64xf32, #tpu.memory_space<vmem>>, vector<1x16xf32>,
        %swap3A_454 = vector.shape_cast %swap3A_453 : vector<1x16xf32> to vector<16xf32>
        %swap3A_455 = vector.shape_cast %get3A_450 : vector<16xf32> to vector<1x16xf32>
        tpu.vector_store %arg10[%swap3A_451, %swap3A_452], %swap3A_455 {strides = array<i32>} : memref<160x64xf32, #tpu.memory_space<vmem>>, vector<1x16xf32>,
        %get3A_456 = arith.index_cast %add3A_428 : i32 to index
        %get3A_457 = arith.constant 48 : index
        %get3A_458 = tpu.vector_load %arg8[%get3A_456, %get3A_457] {strides = array<i32>} : memref<160x128xf32, #tpu.memory_space<vmem>>, vector<1x16xf32>,
        %get3A_459 = vector.shape_cast %get3A_458 : vector<1x16xf32> to vector<16xf32>
        %swap3A_460 = arith.index_cast %add3A_428 : i32 to index
        %swap3A_461 = arith.constant 48 : index
        %swap3A_462 = tpu.vector_load %arg10[%swap3A_460, %swap3A_461] {strides = array<i32>} : memref<160x64xf32, #tpu.memory_space<vmem>>, vector<1x16xf32>,
        %swap3A_463 = vector.shape_cast %swap3A_462 : vector<1x16xf32> to vector<16xf32>
        %swap3A_464 = vector.shape_cast %get3A_459 : vector<16xf32> to vector<1x16xf32>
        tpu.vector_store %arg10[%swap3A_460, %swap3A_461], %swap3A_464 {strides = array<i32>} : memref<160x64xf32, #tpu.memory_space<vmem>>, vector<1x16xf32>,
        %mul3A_465 = arith.constant 8 : i32
        %mul3A_466 = arith.muli %scan3A_266, %mul3A_465 : i32
        %add3A_467 = arith.constant 5 : i32
        %add3A_468 = arith.addi %mul3A_466, %add3A_467 : i32
        %get3A_469 = arith.index_cast %add3A_468 : i32 to index
        %get3A_470 = arith.constant 0 : index
        %get3A_471 = tpu.vector_load %arg8[%get3A_469, %get3A_470] {strides = array<i32>} : memref<160x128xf32, #tpu.memory_space<vmem>>, vector<1x16xf32>,
        %get3A_472 = vector.shape_cast %get3A_471 : vector<1x16xf32> to vector<16xf32>
        %swap3A_473 = arith.index_cast %add3A_468 : i32 to index
        %swap3A_474 = arith.constant 0 : index
        %swap3A_475 = tpu.vector_load %arg10[%swap3A_473, %swap3A_474] {strides = array<i32>} : memref<160x64xf32, #tpu.memory_space<vmem>>, vector<1x16xf32>,
        %swap3A_476 = vector.shape_cast %swap3A_475 : vector<1x16xf32> to vector<16xf32>
        %swap3A_477 = vector.shape_cast %get3A_472 : vector<16xf32> to vector<1x16xf32>
        tpu.vector_store %arg10[%swap3A_473, %swap3A_474], %swap3A_477 {strides = array<i32>} : memref<160x64xf32, #tpu.memory_space<vmem>>, vector<1x16xf32>,
        %get3A_478 = arith.index_cast %add3A_468 : i32 to index
        %get3A_479 = arith.constant 16 : index
        %get3A_480 = tpu.vector_load %arg8[%get3A_478, %get3A_479] {strides = array<i32>} : memref<160x128xf32, #tpu.memory_space<vmem>>, vector<1x16xf32>,
        %get3A_481 = vector.shape_cast %get3A_480 : vector<1x16xf32> to vector<16xf32>
        %swap3A_482 = arith.index_cast %add3A_468 : i32 to index
        %swap3A_483 = arith.constant 16 : index
        %swap3A_484 = tpu.vector_load %arg10[%swap3A_482, %swap3A_483] {strides = array<i32>} : memref<160x64xf32, #tpu.memory_space<vmem>>, vector<1x16xf32>,
        %swap3A_485 = vector.shape_cast %swap3A_484 : vector<1x16xf32> to vector<16xf32>
        %swap3A_486 = vector.shape_cast %get3A_481 : vector<16xf32> to vector<1x16xf32>
        tpu.vector_store %arg10[%swap3A_482, %swap3A_483], %swap3A_486 {strides = array<i32>} : memref<160x64xf32, #tpu.memory_space<vmem>>, vector<1x16xf32>,
        %get3A_487 = arith.index_cast %add3A_468 : i32 to index
        %get3A_488 = arith.constant 32 : index
        %get3A_489 = tpu.vector_load %arg8[%get3A_487, %get3A_488] {strides = array<i32>} : memref<160x128xf32, #tpu.memory_space<vmem>>, vector<1x16xf32>,
        %get3A_490 = vector.shape_cast %get3A_489 : vector<1x16xf32> to vector<16xf32>
        %swap3A_491 = arith.index_cast %add3A_468 : i32 to index
        %swap3A_492 = arith.constant 32 : index
        %swap3A_493 = tpu.vector_load %arg10[%swap3A_491, %swap3A_492] {strides = array<i32>} : memref<160x64xf32, #tpu.memory_space<vmem>>, vector<1x16xf32>,
        %swap3A_494 = vector.shape_cast %swap3A_493 : vector<1x16xf32> to vector<16xf32>
        %swap3A_495 = vector.shape_cast %get3A_490 : vector<16xf32> to vector<1x16xf32>
        tpu.vector_store %arg10[%swap3A_491, %swap3A_492], %swap3A_495 {strides = array<i32>} : memref<160x64xf32, #tpu.memory_space<vmem>>, vector<1x16xf32>,
        %get3A_496 = arith.index_cast %add3A_468 : i32 to index
        %get3A_497 = arith.constant 48 : index
        %get3A_498 = tpu.vector_load %arg8[%get3A_496, %get3A_497] {strides = array<i32>} : memref<160x128xf32, #tpu.memory_space<vmem>>, vector<1x16xf32>,
        %get3A_499 = vector.shape_cast %get3A_498 : vector<1x16xf32> to vector<16xf32>
        %swap3A_500 = arith.index_cast %add3A_468 : i32 to index
        %swap3A_501 = arith.constant 48 : index
        %swap3A_502 = tpu.vector_load %arg10[%swap3A_500, %swap3A_501] {strides = array<i32>} : memref<160x64xf32, #tpu.memory_space<vmem>>, vector<1x16xf32>,
        %swap3A_503 = vector.shape_cast %swap3A_502 : vector<1x16xf32> to vector<16xf32>
        %swap3A_504 = vector.shape_cast %get3A_499 : vector<16xf32> to vector<1x16xf32>
        tpu.vector_store %arg10[%swap3A_500, %swap3A_501], %swap3A_504 {strides = array<i32>} : memref<160x64xf32, #tpu.memory_space<vmem>>, vector<1x16xf32>,
        %mul3A_505 = arith.constant 8 : i32
        %mul3A_506 = arith.muli %scan3A_266, %mul3A_505 : i32
        %add3A_507 = arith.constant 6 : i32
        %add3A_508 = arith.addi %mul3A_506, %add3A_507 : i32
        %get3A_509 = arith.index_cast %add3A_508 : i32 to index
        %get3A_510 = arith.constant 0 : index
        %get3A_511 = tpu.vector_load %arg8[%get3A_509, %get3A_510] {strides = array<i32>} : memref<160x128xf32, #tpu.memory_space<vmem>>, vector<1x16xf32>,
        %get3A_512 = vector.shape_cast %get3A_511 : vector<1x16xf32> to vector<16xf32>
        %swap3A_513 = arith.index_cast %add3A_508 : i32 to index
        %swap3A_514 = arith.constant 0 : index
        %swap3A_515 = tpu.vector_load %arg10[%swap3A_513, %swap3A_514] {strides = array<i32>} : memref<160x64xf32, #tpu.memory_space<vmem>>, vector<1x16xf32>,
        %swap3A_516 = vector.shape_cast %swap3A_515 : vector<1x16xf32> to vector<16xf32>
        %swap3A_517 = vector.shape_cast %get3A_512 : vector<16xf32> to vector<1x16xf32>
        tpu.vector_store %arg10[%swap3A_513, %swap3A_514], %swap3A_517 {strides = array<i32>} : memref<160x64xf32, #tpu.memory_space<vmem>>, vector<1x16xf32>,
        %get3A_518 = arith.index_cast %add3A_508 : i32 to index
        %get3A_519 = arith.constant 16 : index
        %get3A_520 = tpu.vector_load %arg8[%get3A_518, %get3A_519] {strides = array<i32>} : memref<160x128xf32, #tpu.memory_space<vmem>>, vector<1x16xf32>,
        %get3A_521 = vector.shape_cast %get3A_520 : vector<1x16xf32> to vector<16xf32>
        %swap3A_522 = arith.index_cast %add3A_508 : i32 to index
        %swap3A_523 = arith.constant 16 : index
        %swap3A_524 = tpu.vector_load %arg10[%swap3A_522, %swap3A_523] {strides = array<i32>} : memref<160x64xf32, #tpu.memory_space<vmem>>, vector<1x16xf32>,
        %swap3A_525 = vector.shape_cast %swap3A_524 : vector<1x16xf32> to vector<16xf32>
        %swap3A_526 = vector.shape_cast %get3A_521 : vector<16xf32> to vector<1x16xf32>
        tpu.vector_store %arg10[%swap3A_522, %swap3A_523], %swap3A_526 {strides = array<i32>} : memref<160x64xf32, #tpu.memory_space<vmem>>, vector<1x16xf32>,
        %get3A_527 = arith.index_cast %add3A_508 : i32 to index
        %get3A_528 = arith.constant 32 : index
        %get3A_529 = tpu.vector_load %arg8[%get3A_527, %get3A_528] {strides = array<i32>} : memref<160x128xf32, #tpu.memory_space<vmem>>, vector<1x16xf32>,
        %get3A_530 = vector.shape_cast %get3A_529 : vector<1x16xf32> to vector<16xf32>
        %swap3A_531 = arith.index_cast %add3A_508 : i32 to index
        %swap3A_532 = arith.constant 32 : index
        %swap3A_533 = tpu.vector_load %arg10[%swap3A_531, %swap3A_532] {strides = array<i32>} : memref<160x64xf32, #tpu.memory_space<vmem>>, vector<1x16xf32>,
        %swap3A_534 = vector.shape_cast %swap3A_533 : vector<1x16xf32> to vector<16xf32>
        %swap3A_535 = vector.shape_cast %get3A_530 : vector<16xf32> to vector<1x16xf32>
        tpu.vector_store %arg10[%swap3A_531, %swap3A_532], %swap3A_535 {strides = array<i32>} : memref<160x64xf32, #tpu.memory_space<vmem>>, vector<1x16xf32>,
        %get3A_536 = arith.index_cast %add3A_508 : i32 to index
        %get3A_537 = arith.constant 48 : index
        %get3A_538 = tpu.vector_load %arg8[%get3A_536, %get3A_537] {strides = array<i32>} : memref<160x128xf32, #tpu.memory_space<vmem>>, vector<1x16xf32>,
        %get3A_539 = vector.shape_cast %get3A_538 : vector<1x16xf32> to vector<16xf32>
        %swap3A_540 = arith.index_cast %add3A_508 : i32 to index
        %swap3A_541 = arith.constant 48 : index
        %swap3A_542 = tpu.vector_load %arg10[%swap3A_540, %swap3A_541] {strides = array<i32>} : memref<160x64xf32, #tpu.memory_space<vmem>>, vector<1x16xf32>,
        %swap3A_543 = vector.shape_cast %swap3A_542 : vector<1x16xf32> to vector<16xf32>
        %swap3A_544 = vector.shape_cast %get3A_539 : vector<16xf32> to vector<1x16xf32>
        tpu.vector_store %arg10[%swap3A_540, %swap3A_541], %swap3A_544 {strides = array<i32>} : memref<160x64xf32, #tpu.memory_space<vmem>>, vector<1x16xf32>,
        %mul3A_545 = arith.constant 8 : i32
        %mul3A_546 = arith.muli %scan3A_266, %mul3A_545 : i32
        %add3A_547 = arith.constant 7 : i32
        %add3A_548 = arith.addi %mul3A_546, %add3A_547 : i32
        %get3A_549 = arith.index_cast %add3A_548 : i32 to index
        %get3A_550 = arith.constant 0 : index
        %get3A_551 = tpu.vector_load %arg8[%get3A_549, %get3A_550] {strides = array<i32>} : memref<160x128xf32, #tpu.memory_space<vmem>>, vector<1x16xf32>,
        %get3A_552 = vector.shape_cast %get3A_551 : vector<1x16xf32> to vector<16xf32>
        %swap3A_553 = arith.index_cast %add3A_548 : i32 to index
        %swap3A_554 = arith.constant 0 : index
        %swap3A_555 = tpu.vector_load %arg10[%swap3A_553, %swap3A_554] {strides = array<i32>} : memref<160x64xf32, #tpu.memory_space<vmem>>, vector<1x16xf32>,
        %swap3A_556 = vector.shape_cast %swap3A_555 : vector<1x16xf32> to vector<16xf32>
        %swap3A_557 = vector.shape_cast %get3A_552 : vector<16xf32> to vector<1x16xf32>
        tpu.vector_store %arg10[%swap3A_553, %swap3A_554], %swap3A_557 {strides = array<i32>} : memref<160x64xf32, #tpu.memory_space<vmem>>, vector<1x16xf32>,
        %get3A_558 = arith.index_cast %add3A_548 : i32 to index
        %get3A_559 = arith.constant 16 : index
        %get3A_560 = tpu.vector_load %arg8[%get3A_558, %get3A_559] {strides = array<i32>} : memref<160x128xf32, #tpu.memory_space<vmem>>, vector<1x16xf32>,
        %get3A_561 = vector.shape_cast %get3A_560 : vector<1x16xf32> to vector<16xf32>
        %swap3A_562 = arith.index_cast %add3A_548 : i32 to index
        %swap3A_563 = arith.constant 16 : index
        %swap3A_564 = tpu.vector_load %arg10[%swap3A_562, %swap3A_563] {strides = array<i32>} : memref<160x64xf32, #tpu.memory_space<vmem>>, vector<1x16xf32>,
        %swap3A_565 = vector.shape_cast %swap3A_564 : vector<1x16xf32> to vector<16xf32>
        %swap3A_566 = vector.shape_cast %get3A_561 : vector<16xf32> to vector<1x16xf32>
        tpu.vector_store %arg10[%swap3A_562, %swap3A_563], %swap3A_566 {strides = array<i32>} : memref<160x64xf32, #tpu.memory_space<vmem>>, vector<1x16xf32>,
        %get3A_567 = arith.index_cast %add3A_548 : i32 to index
        %get3A_568 = arith.constant 32 : index
        %get3A_569 = tpu.vector_load %arg8[%get3A_567, %get3A_568] {strides = array<i32>} : memref<160x128xf32, #tpu.memory_space<vmem>>, vector<1x16xf32>,
        %get3A_570 = vector.shape_cast %get3A_569 : vector<1x16xf32> to vector<16xf32>
        %swap3A_571 = arith.index_cast %add3A_548 : i32 to index
        %swap3A_572 = arith.constant 32 : index
        %swap3A_573 = tpu.vector_load %arg10[%swap3A_571, %swap3A_572] {strides = array<i32>} : memref<160x64xf32, #tpu.memory_space<vmem>>, vector<1x16xf32>,
        %swap3A_574 = vector.shape_cast %swap3A_573 : vector<1x16xf32> to vector<16xf32>
        %swap3A_575 = vector.shape_cast %get3A_570 : vector<16xf32> to vector<1x16xf32>
        tpu.vector_store %arg10[%swap3A_571, %swap3A_572], %swap3A_575 {strides = array<i32>} : memref<160x64xf32, #tpu.memory_space<vmem>>, vector<1x16xf32>,
        %get3A_576 = arith.index_cast %add3A_548 : i32 to index
        %get3A_577 = arith.constant 48 : index
        %get3A_578 = tpu.vector_load %arg8[%get3A_576, %get3A_577] {strides = array<i32>} : memref<160x128xf32, #tpu.memory_space<vmem>>, vector<1x16xf32>,
        %get3A_579 = vector.shape_cast %get3A_578 : vector<1x16xf32> to vector<16xf32>
        %swap3A_580 = arith.index_cast %add3A_548 : i32 to index
        %swap3A_581 = arith.constant 48 : index
        %swap3A_582 = tpu.vector_load %arg10[%swap3A_580, %swap3A_581] {strides = array<i32>} : memref<160x64xf32, #tpu.memory_space<vmem>>, vector<1x16xf32>,
        %swap3A_583 = vector.shape_cast %swap3A_582 : vector<1x16xf32> to vector<16xf32>
        %swap3A_584 = vector.shape_cast %get3A_579 : vector<16xf32> to vector<1x16xf32>
        tpu.vector_store %arg10[%swap3A_580, %swap3A_581], %swap3A_584 {strides = array<i32>} : memref<160x64xf32, #tpu.memory_space<vmem>>, vector<1x16xf32>,
      }
      %scan3A_256 = arith.constant 20 : i32
      %sub3A_257 = arith.constant 1 : i32
      %sub3A_258 = arith.subi %add3A_201, %sub3A_257 : i32
      %mul3A_259 = arith.constant 160 : i32
      %mul3A_260 = arith.muli %sub3A_258, %mul3A_259 : i32
      %add3A_261 = arith.addi %mul3A_2, %mul3A_260 : i32
      %dma_start3A_262 = arith.constant 0 : i32
      %dma_start3A_263 = tpu.memref_slice %arg4[%add3A_261, %dma_start3A_262] : memref<819200x64xf32, #tpu.memory_space<hbm>> -> memref<160x64xf32, #tpu.memory_space<hbm>>
      %dma_start3A_264 = arith.constant 0 : i32
      %dma_start3A_265 = tpu.memref_slice %arg4[%add3A_261, %dma_start3A_264] : memref<819200x64xf32, #tpu.memory_space<hbm>> -> memref<160x64xf32, #tpu.memory_space<hbm>>
      tpu.enqueue_dma source(%arg10 : memref<160x64xf32, #tpu.memory_space<vmem>>) target(%dma_start3A_265 : memref<160x64xf32, #tpu.memory_space<hbm>>) target_semaphore(%arg16 : memref<!tpu.dma_semaphore, #tpu.memory_space<semaphore_mem>>)
    }
    %scan3A_33 = arith.constant 79 : i32
    %add3A_34 = arith.constant 24960 : i32
    %add3A_35 = arith.addi %mul3A_2, %add3A_34 : i32
    %dma_wait3A_36 = arith.constant 0 : i32
    %dma_wait3A_37 = tpu.memref_slice %arg4[%add3A_35, %dma_wait3A_36] : memref<819200x64xf32, #tpu.memory_space<hbm>> -> memref<160x64xf32, #tpu.memory_space<hbm>>
    %dma_wait3A_38 = arith.constant 0 : i32
    %dma_wait3A_39 = tpu.memref_slice %arg4[%add3A_35, %dma_wait3A_38] : memref<819200x64xf32, #tpu.memory_space<hbm>> -> memref<160x64xf32, #tpu.memory_space<hbm>>
    tpu.wait_dma2 semaphore(%arg15 : memref<!tpu.dma_semaphore, #tpu.memory_space<semaphore_mem>>) src(%arg9 : memref<160x64xf32, #tpu.memory_space<vmem>>) dst(%dma_wait3A_39 : memref<160x64xf32, #tpu.memory_space<hbm>>)
    %add3A_40 = arith.constant 25440 : i32
    %add3A_41 = arith.addi %mul3A_2, %add3A_40 : i32
    %dma_wait3A_42 = tpu.memref_slice %arg2[%add3A_41] : memref<819200xi32, #tpu.memory_space<hbm>> -> memref<160xi32, #tpu.memory_space<hbm>>
    %dma_wait3A_43 = tpu.memref_slice %arg2[%add3A_41] : memref<819200xi32, #tpu.memory_space<hbm>> -> memref<160xi32, #tpu.memory_space<hbm>>
    tpu.wait_dma2 semaphore(%arg12 : memref<!tpu.dma_semaphore, #tpu.memory_space<semaphore_mem>>) src(%dma_wait3A_43 : memref<160xi32, #tpu.memory_space<hbm>>) dst(%arg6 : memref<160xi32, #tpu.memory_space<vmem>>)
    %dma_start3A_44 = arith.constant 0 : i32
    %dma_start3A_45 = arith.constant 0 : i32
    %dma_start3A_46 = tpu.memref_slice %arg8[%dma_start3A_44, %dma_start3A_45] : memref<160x128xf32, #tpu.memory_space<vmem>> -> memref<80x128xf32, #tpu.memory_space<vmem>>
    %dma_start3A_47 = arith.constant 0 : i32
    %dma_start3A_48 = tpu.memref_slice %arg6[%dma_start3A_47] : memref<160xi32, #tpu.memory_space<vmem>> -> memref<80xi32, #tpu.memory_space<vmem>>
    %dma_start3A_49 = arith.constant 0 : i32
    %dma_start3A_50 = arith.constant 0 : i32
    %dma_start3A_51 = tpu.memref_slice %arg3[%dma_start3A_49, %dma_start3A_50] : memref<1000000x128xf32, #tpu.memory_space<hbm>> -> memref<1000000x128xf32, #tpu.memory_space<hbm>>
    tpu.enqueue_indirect_dma source(%dma_start3A_51 : memref<1000000x128xf32, #tpu.memory_space<hbm>>) target(%dma_start3A_46 : memref<80x128xf32, #tpu.memory_space<vmem>>) offsets(%dma_start3A_48 : memref<80xi32, #tpu.memory_space<vmem>>) semaphore(%arg14 : memref<!tpu.dma_semaphore, #tpu.memory_space<semaphore_mem>>)
    %dma_start3A_52 = arith.constant 80 : i32
    %dma_start3A_53 = arith.constant 0 : i32
    %dma_start3A_54 = tpu.memref_slice %arg8[%dma_start3A_52, %dma_start3A_53] : memref<160x128xf32, #tpu.memory_space<vmem>> -> memref<80x128xf32, #tpu.memory_space<vmem>>
    %dma_start3A_55 = arith.constant 80 : i32
    %dma_start3A_56 = tpu.memref_slice %arg6[%dma_start3A_55] : memref<160xi32, #tpu.memory_space<vmem>> -> memref<80xi32, #tpu.memory_space<vmem>>
    %dma_start3A_57 = arith.constant 0 : i32
    %dma_start3A_58 = arith.constant 0 : i32
    %dma_start3A_59 = tpu.memref_slice %arg3[%dma_start3A_57, %dma_start3A_58] : memref<1000000x128xf32, #tpu.memory_space<hbm>> -> memref<1000000x128xf32, #tpu.memory_space<hbm>>
    tpu.enqueue_indirect_dma source(%dma_start3A_59 : memref<1000000x128xf32, #tpu.memory_space<hbm>>) target(%dma_start3A_54 : memref<80x128xf32, #tpu.memory_space<vmem>>) offsets(%dma_start3A_56 : memref<80xi32, #tpu.memory_space<vmem>>) semaphore(%arg14 : memref<!tpu.dma_semaphore, #tpu.memory_space<semaphore_mem>>)
    %dma_wait3A_60 = arith.constant 0 : i32
    %dma_wait3A_61 = arith.constant 0 : i32
    %dma_wait3A_62 = tpu.memref_slice %arg7[%dma_wait3A_60, %dma_wait3A_61] : memref<160x128xf32, #tpu.memory_space<vmem>> -> memref<80x128xf32, #tpu.memory_space<vmem>>
    %dma_wait3A_63 = arith.constant 0 : i32
    %dma_wait3A_64 = tpu.memref_slice %arg5[%dma_wait3A_63] : memref<160xi32, #tpu.memory_space<vmem>> -> memref<80xi32, #tpu.memory_space<vmem>>
    %dma_wait3A_65 = arith.constant 0 : i32
    %dma_wait3A_66 = arith.constant 0 : i32
    %dma_wait3A_67 = tpu.memref_slice %arg3[%dma_wait3A_65, %dma_wait3A_66] : memref<1000000x128xf32, #tpu.memory_space<hbm>> -> memref<1000000x128xf32, #tpu.memory_space<hbm>>
    tpu.wait_indirect_dma semaphore(%arg13 : memref<!tpu.dma_semaphore, #tpu.memory_space<semaphore_mem>>) src(%dma_wait3A_67 : memref<1000000x128xf32, #tpu.memory_space<hbm>>) dst(%dma_wait3A_62 : memref<80x128xf32, #tpu.memory_space<vmem>>)
    %dma_wait3A_68 = arith.constant 80 : i32
    %dma_wait3A_69 = arith.constant 0 : i32
    %dma_wait3A_70 = tpu.memref_slice %arg7[%dma_wait3A_68, %dma_wait3A_69] : memref<160x128xf32, #tpu.memory_space<vmem>> -> memref<80x128xf32, #tpu.memory_space<vmem>>
    %dma_wait3A_71 = arith.constant 80 : i32
    %dma_wait3A_72 = tpu.memref_slice %arg5[%dma_wait3A_71] : memref<160xi32, #tpu.memory_space<vmem>> -> memref<80xi32, #tpu.memory_space<vmem>>
    %dma_wait3A_73 = arith.constant 0 : i32
    %dma_wait3A_74 = arith.constant 0 : i32
    %dma_wait3A_75 = tpu.memref_slice %arg3[%dma_wait3A_73, %dma_wait3A_74] : memref<1000000x128xf32, #tpu.memory_space<hbm>> -> memref<1000000x128xf32, #tpu.memory_space<hbm>>
    tpu.wait_indirect_dma semaphore(%arg13 : memref<!tpu.dma_semaphore, #tpu.memory_space<semaphore_mem>>) src(%dma_wait3A_75 : memref<1000000x128xf32, #tpu.memory_space<hbm>>) dst(%dma_wait3A_70 : memref<80x128xf32, #tpu.memory_space<vmem>>)
    %scan3A_76 = arith.constant 0 : i32
    %scan3A_77 = arith.constant 0 : i32
    %scan3A_78 = arith.constant 20 : i32
    %scan3A_79 = arith.addi %scan3A_77, %scan3A_78 : i32
    %scan3A_80 = arith.constant 1 : i32
    scf.for %scan3A_134 = %scan3A_77 to %scan3A_79 step %scan3A_80  : i32 {
      %mul3A_135 = arith.constant 8 : i32
      %mul3A_136 = arith.muli %scan3A_134, %mul3A_135 : i32
      %add3A_137 = arith.constant 0 : i32
      %add3A_138 = arith.addi %mul3A_136, %add3A_137 : i32
      %get3A = arith.index_cast %add3A_138 : i32 to index
      %get3A_139 = arith.constant 0 : index
      %get3A_140 = tpu.vector_load %arg7[%get3A, %get3A_139] {strides = array<i32>} : memref<160x128xf32, #tpu.memory_space<vmem>>, vector<1x16xf32>,
      %get3A_141 = vector.shape_cast %get3A_140 : vector<1x16xf32> to vector<16xf32>
      %swap3A = arith.index_cast %add3A_138 : i32 to index
      %swap3A_142 = arith.constant 0 : index
      %swap3A_143 = tpu.vector_load %arg9[%swap3A, %swap3A_142] {strides = array<i32>} : memref<160x64xf32, #tpu.memory_space<vmem>>, vector<1x16xf32>,
      %swap3A_144 = vector.shape_cast %swap3A_143 : vector<1x16xf32> to vector<16xf32>
      %swap3A_145 = vector.shape_cast %get3A_141 : vector<16xf32> to vector<1x16xf32>
      tpu.vector_store %arg9[%swap3A, %swap3A_142], %swap3A_145 {strides = array<i32>} : memref<160x64xf32, #tpu.memory_space<vmem>>, vector<1x16xf32>,
      %get3A_146 = arith.index_cast %add3A_138 : i32 to index
      %get3A_147 = arith.constant 16 : index
      %get3A_148 = tpu.vector_load %arg7[%get3A_146, %get3A_147] {strides = array<i32>} : memref<160x128xf32, #tpu.memory_space<vmem>>, vector<1x16xf32>,
      %get3A_149 = vector.shape_cast %get3A_148 : vector<1x16xf32> to vector<16xf32>
      %swap3A_150 = arith.index_cast %add3A_138 : i32 to index
      %swap3A_151 = arith.constant 16 : index
      %swap3A_152 = tpu.vector_load %arg9[%swap3A_150, %swap3A_151] {strides = array<i32>} : memref<160x64xf32, #tpu.memory_space<vmem>>, vector<1x16xf32>,
      %swap3A_153 = vector.shape_cast %swap3A_152 : vector<1x16xf32> to vector<16xf32>
      %swap3A_154 = vector.shape_cast %get3A_149 : vector<16xf32> to vector<1x16xf32>
      tpu.vector_store %arg9[%swap3A_150, %swap3A_151], %swap3A_154 {strides = array<i32>} : memref<160x64xf32, #tpu.memory_space<vmem>>, vector<1x16xf32>,
      %get3A_155 = arith.index_cast %add3A_138 : i32 to index
      %get3A_156 = arith.constant 32 : index
      %get3A_157 = tpu.vector_load %arg7[%get3A_155, %get3A_156] {strides = array<i32>} : memref<160x128xf32, #tpu.memory_space<vmem>>, vector<1x16xf32>,
      %get3A_158 = vector.shape_cast %get3A_157 : vector<1x16xf32> to vector<16xf32>
      %swap3A_159 = arith.index_cast %add3A_138 : i32 to index
      %swap3A_160 = arith.constant 32 : index
      %swap3A_161 = tpu.vector_load %arg9[%swap3A_159, %swap3A_160] {strides = array<i32>} : memref<160x64xf32, #tpu.memory_space<vmem>>, vector<1x16xf32>,
      %swap3A_162 = vector.shape_cast %swap3A_161 : vector<1x16xf32> to vector<16xf32>
      %swap3A_163 = vector.shape_cast %get3A_158 : vector<16xf32> to vector<1x16xf32>
      tpu.vector_store %arg9[%swap3A_159, %swap3A_160], %swap3A_163 {strides = array<i32>} : memref<160x64xf32, #tpu.memory_space<vmem>>, vector<1x16xf32>,
      %get3A_164 = arith.index_cast %add3A_138 : i32 to index
      %get3A_165 = arith.constant 48 : index
      %get3A_166 = tpu.vector_load %arg7[%get3A_164, %get3A_165] {strides = array<i32>} : memref<160x128xf32, #tpu.memory_space<vmem>>, vector<1x16xf32>,
      %get3A_167 = vector.shape_cast %get3A_166 : vector<1x16xf32> to vector<16xf32>
      %swap3A_168 = arith.index_cast %add3A_138 : i32 to index
      %swap3A_169 = arith.constant 48 : index
      %swap3A_170 = tpu.vector_load %arg9[%swap3A_168, %swap3A_169] {strides = array<i32>} : memref<160x64xf32, #tpu.memory_space<vmem>>, vector<1x16xf32>,
      %swap3A_171 = vector.shape_cast %swap3A_170 : vector<1x16xf32> to vector<16xf32>
      %swap3A_172 = vector.shape_cast %get3A_167 : vector<16xf32> to vector<1x16xf32>
      tpu.vector_store %arg9[%swap3A_168, %swap3A_169], %swap3A_172 {strides = array<i32>} : memref<160x64xf32, #tpu.memory_space<vmem>>, vector<1x16xf32>,
      %mul3A_173 = arith.constant 8 : i32
      %mul3A_174 = arith.muli %scan3A_134, %mul3A_173 : i32
      %add3A_175 = arith.constant 1 : i32
      %add3A_176 = arith.addi %mul3A_174, %add3A_175 : i32
      %get3A_177 = arith.index_cast %add3A_176 : i32 to index
      %get3A_178 = arith.constant 0 : index
      %get3A_179 = tpu.vector_load %arg7[%get3A_177, %get3A_178] {strides = array<i32>} : memref<160x128xf32, #tpu.memory_space<vmem>>, vector<1x16xf32>,
      %get3A_180 = vector.shape_cast %get3A_179 : vector<1x16xf32> to vector<16xf32>
      %swap3A_181 = arith.index_cast %add3A_176 : i32 to index
      %swap3A_182 = arith.constant 0 : index
      %swap3A_183 = tpu.vector_load %arg9[%swap3A_181, %swap3A_182] {strides = array<i32>} : memref<160x64xf32, #tpu.memory_space<vmem>>, vector<1x16xf32>,
      %swap3A_184 = vector.shape_cast %swap3A_183 : vector<1x16xf32> to vector<16xf32>
      %swap3A_185 = vector.shape_cast %get3A_180 : vector<16xf32> to vector<1x16xf32>
      tpu.vector_store %arg9[%swap3A_181, %swap3A_182], %swap3A_185 {strides = array<i32>} : memref<160x64xf32, #tpu.memory_space<vmem>>, vector<1x16xf32>,
      %get3A_186 = arith.index_cast %add3A_176 : i32 to index
      %get3A_187 = arith.constant 16 : index
      %get3A_188 = tpu.vector_load %arg7[%get3A_186, %get3A_187] {strides = array<i32>} : memref<160x128xf32, #tpu.memory_space<vmem>>, vector<1x16xf32>,
      %get3A_189 = vector.shape_cast %get3A_188 : vector<1x16xf32> to vector<16xf32>
      %swap3A_190 = arith.index_cast %add3A_176 : i32 to index
      %swap3A_191 = arith.constant 16 : index
      %swap3A_192 = tpu.vector_load %arg9[%swap3A_190, %swap3A_191] {strides = array<i32>} : memref<160x64xf32, #tpu.memory_space<vmem>>, vector<1x16xf32>,
      %swap3A_193 = vector.shape_cast %swap3A_192 : vector<1x16xf32> to vector<16xf32>
      %swap3A_194 = vector.shape_cast %get3A_189 : vector<16xf32> to vector<1x16xf32>
      tpu.vector_store %arg9[%swap3A_190, %swap3A_191], %swap3A_194 {strides = array<i32>} : memref<160x64xf32, #tpu.memory_space<vmem>>, vector<1x16xf32>,
      %get3A_195 = arith.index_cast %add3A_176 : i32 to index
      %get3A_196 = arith.constant 32 : index
      %get3A_197 = tpu.vector_load %arg7[%get3A_195, %get3A_196] {strides = array<i32>} : memref<160x128xf32, #tpu.memory_space<vmem>>, vector<1x16xf32>,
      %get3A_198 = vector.shape_cast %get3A_197 : vector<1x16xf32> to vector<16xf32>
      %swap3A_199 = arith.index_cast %add3A_176 : i32 to index
      %swap3A_200 = arith.constant 32 : index
      %swap3A_201 = tpu.vector_load %arg9[%swap3A_199, %swap3A_200] {strides = array<i32>} : memref<160x64xf32, #tpu.memory_space<vmem>>, vector<1x16xf32>,
      %swap3A_202 = vector.shape_cast %swap3A_201 : vector<1x16xf32> to vector<16xf32>
      %swap3A_203 = vector.shape_cast %get3A_198 : vector<16xf32> to vector<1x16xf32>
      tpu.vector_store %arg9[%swap3A_199, %swap3A_200], %swap3A_203 {strides = array<i32>} : memref<160x64xf32, #tpu.memory_space<vmem>>, vector<1x16xf32>,
      %get3A_204 = arith.index_cast %add3A_176 : i32 to index
      %get3A_205 = arith.constant 48 : index
      %get3A_206 = tpu.vector_load %arg7[%get3A_204, %get3A_205] {strides = array<i32>} : memref<160x128xf32, #tpu.memory_space<vmem>>, vector<1x16xf32>,
      %get3A_207 = vector.shape_cast %get3A_206 : vector<1x16xf32> to vector<16xf32>
      %swap3A_208 = arith.index_cast %add3A_176 : i32 to index
      %swap3A_209 = arith.constant 48 : index
      %swap3A_210 = tpu.vector_load %arg9[%swap3A_208, %swap3A_209] {strides = array<i32>} : memref<160x64xf32, #tpu.memory_space<vmem>>, vector<1x16xf32>,
      %swap3A_211 = vector.shape_cast %swap3A_210 : vector<1x16xf32> to vector<16xf32>
      %swap3A_212 = vector.shape_cast %get3A_207 : vector<16xf32> to vector<1x16xf32>
      tpu.vector_store %arg9[%swap3A_208, %swap3A_209], %swap3A_212 {strides = array<i32>} : memref<160x64xf32, #tpu.memory_space<vmem>>, vector<1x16xf32>,
      %mul3A_213 = arith.constant 8 : i32
      %mul3A_214 = arith.muli %scan3A_134, %mul3A_213 : i32
      %add3A_215 = arith.constant 2 : i32
      %add3A_216 = arith.addi %mul3A_214, %add3A_215 : i32
      %get3A_217 = arith.index_cast %add3A_216 : i32 to index
      %get3A_218 = arith.constant 0 : index
      %get3A_219 = tpu.vector_load %arg7[%get3A_217, %get3A_218] {strides = array<i32>} : memref<160x128xf32, #tpu.memory_space<vmem>>, vector<1x16xf32>,
      %get3A_220 = vector.shape_cast %get3A_219 : vector<1x16xf32> to vector<16xf32>
      %swap3A_221 = arith.index_cast %add3A_216 : i32 to index
      %swap3A_222 = arith.constant 0 : index
      %swap3A_223 = tpu.vector_load %arg9[%swap3A_221, %swap3A_222] {strides = array<i32>} : memref<160x64xf32, #tpu.memory_space<vmem>>, vector<1x16xf32>,
      %swap3A_224 = vector.shape_cast %swap3A_223 : vector<1x16xf32> to vector<16xf32>
      %swap3A_225 = vector.shape_cast %get3A_220 : vector<16xf32> to vector<1x16xf32>
      tpu.vector_store %arg9[%swap3A_221, %swap3A_222], %swap3A_225 {strides = array<i32>} : memref<160x64xf32, #tpu.memory_space<vmem>>, vector<1x16xf32>,
      %get3A_226 = arith.index_cast %add3A_216 : i32 to index
      %get3A_227 = arith.constant 16 : index
      %get3A_228 = tpu.vector_load %arg7[%get3A_226, %get3A_227] {strides = array<i32>} : memref<160x128xf32, #tpu.memory_space<vmem>>, vector<1x16xf32>,
      %get3A_229 = vector.shape_cast %get3A_228 : vector<1x16xf32> to vector<16xf32>
      %swap3A_230 = arith.index_cast %add3A_216 : i32 to index
      %swap3A_231 = arith.constant 16 : index
      %swap3A_232 = tpu.vector_load %arg9[%swap3A_230, %swap3A_231] {strides = array<i32>} : memref<160x64xf32, #tpu.memory_space<vmem>>, vector<1x16xf32>,
      %swap3A_233 = vector.shape_cast %swap3A_232 : vector<1x16xf32> to vector<16xf32>
      %swap3A_234 = vector.shape_cast %get3A_229 : vector<16xf32> to vector<1x16xf32>
      tpu.vector_store %arg9[%swap3A_230, %swap3A_231], %swap3A_234 {strides = array<i32>} : memref<160x64xf32, #tpu.memory_space<vmem>>, vector<1x16xf32>,
      %get3A_235 = arith.index_cast %add3A_216 : i32 to index
      %get3A_236 = arith.constant 32 : index
      %get3A_237 = tpu.vector_load %arg7[%get3A_235, %get3A_236] {strides = array<i32>} : memref<160x128xf32, #tpu.memory_space<vmem>>, vector<1x16xf32>,
      %get3A_238 = vector.shape_cast %get3A_237 : vector<1x16xf32> to vector<16xf32>
      %swap3A_239 = arith.index_cast %add3A_216 : i32 to index
      %swap3A_240 = arith.constant 32 : index
      %swap3A_241 = tpu.vector_load %arg9[%swap3A_239, %swap3A_240] {strides = array<i32>} : memref<160x64xf32, #tpu.memory_space<vmem>>, vector<1x16xf32>,
      %swap3A_242 = vector.shape_cast %swap3A_241 : vector<1x16xf32> to vector<16xf32>
      %swap3A_243 = vector.shape_cast %get3A_238 : vector<16xf32> to vector<1x16xf32>
      tpu.vector_store %arg9[%swap3A_239, %swap3A_240], %swap3A_243 {strides = array<i32>} : memref<160x64xf32, #tpu.memory_space<vmem>>, vector<1x16xf32>,
      %get3A_244 = arith.index_cast %add3A_216 : i32 to index
      %get3A_245 = arith.constant 48 : index
      %get3A_246 = tpu.vector_load %arg7[%get3A_244, %get3A_245] {strides = array<i32>} : memref<160x128xf32, #tpu.memory_space<vmem>>, vector<1x16xf32>,
      %get3A_247 = vector.shape_cast %get3A_246 : vector<1x16xf32> to vector<16xf32>
      %swap3A_248 = arith.index_cast %add3A_216 : i32 to index
      %swap3A_249 = arith.constant 48 : index
      %swap3A_250 = tpu.vector_load %arg9[%swap3A_248, %swap3A_249] {strides = array<i32>} : memref<160x64xf32, #tpu.memory_space<vmem>>, vector<1x16xf32>,
      %swap3A_251 = vector.shape_cast %swap3A_250 : vector<1x16xf32> to vector<16xf32>
      %swap3A_252 = vector.shape_cast %get3A_247 : vector<16xf32> to vector<1x16xf32>
      tpu.vector_store %arg9[%swap3A_248, %swap3A_249], %swap3A_252 {strides = array<i32>} : memref<160x64xf32, #tpu.memory_space<vmem>>, vector<1x16xf32>,
      %mul3A_253 = arith.constant 8 : i32
      %mul3A_254 = arith.muli %scan3A_134, %mul3A_253 : i32
      %add3A_255 = arith.constant 3 : i32
      %add3A_256 = arith.addi %mul3A_254, %add3A_255 : i32
      %get3A_257 = arith.index_cast %add3A_256 : i32 to index
      %get3A_258 = arith.constant 0 : index
      %get3A_259 = tpu.vector_load %arg7[%get3A_257, %get3A_258] {strides = array<i32>} : memref<160x128xf32, #tpu.memory_space<vmem>>, vector<1x16xf32>,
      %get3A_260 = vector.shape_cast %get3A_259 : vector<1x16xf32> to vector<16xf32>
      %swap3A_261 = arith.index_cast %add3A_256 : i32 to index
      %swap3A_262 = arith.constant 0 : index
      %swap3A_263 = tpu.vector_load %arg9[%swap3A_261, %swap3A_262] {strides = array<i32>} : memref<160x64xf32, #tpu.memory_space<vmem>>, vector<1x16xf32>,
      %swap3A_264 = vector.shape_cast %swap3A_263 : vector<1x16xf32> to vector<16xf32>
      %swap3A_265 = vector.shape_cast %get3A_260 : vector<16xf32> to vector<1x16xf32>
      tpu.vector_store %arg9[%swap3A_261, %swap3A_262], %swap3A_265 {strides = array<i32>} : memref<160x64xf32, #tpu.memory_space<vmem>>, vector<1x16xf32>,
      %get3A_266 = arith.index_cast %add3A_256 : i32 to index
      %get3A_267 = arith.constant 16 : index
      %get3A_268 = tpu.vector_load %arg7[%get3A_266, %get3A_267] {strides = array<i32>} : memref<160x128xf32, #tpu.memory_space<vmem>>, vector<1x16xf32>,
      %get3A_269 = vector.shape_cast %get3A_268 : vector<1x16xf32> to vector<16xf32>
      %swap3A_270 = arith.index_cast %add3A_256 : i32 to index
      %swap3A_271 = arith.constant 16 : index
      %swap3A_272 = tpu.vector_load %arg9[%swap3A_270, %swap3A_271] {strides = array<i32>} : memref<160x64xf32, #tpu.memory_space<vmem>>, vector<1x16xf32>,
      %swap3A_273 = vector.shape_cast %swap3A_272 : vector<1x16xf32> to vector<16xf32>
      %swap3A_274 = vector.shape_cast %get3A_269 : vector<16xf32> to vector<1x16xf32>
      tpu.vector_store %arg9[%swap3A_270, %swap3A_271], %swap3A_274 {strides = array<i32>} : memref<160x64xf32, #tpu.memory_space<vmem>>, vector<1x16xf32>,
      %get3A_275 = arith.index_cast %add3A_256 : i32 to index
      %get3A_276 = arith.constant 32 : index
      %get3A_277 = tpu.vector_load %arg7[%get3A_275, %get3A_276] {strides = array<i32>} : memref<160x128xf32, #tpu.memory_space<vmem>>, vector<1x16xf32>,
      %get3A_278 = vector.shape_cast %get3A_277 : vector<1x16xf32> to vector<16xf32>
      %swap3A_279 = arith.index_cast %add3A_256 : i32 to index
      %swap3A_280 = arith.constant 32 : index
      %swap3A_281 = tpu.vector_load %arg9[%swap3A_279, %swap3A_280] {strides = array<i32>} : memref<160x64xf32, #tpu.memory_space<vmem>>, vector<1x16xf32>,
      %swap3A_282 = vector.shape_cast %swap3A_281 : vector<1x16xf32> to vector<16xf32>
      %swap3A_283 = vector.shape_cast %get3A_278 : vector<16xf32> to vector<1x16xf32>
      tpu.vector_store %arg9[%swap3A_279, %swap3A_280], %swap3A_283 {strides = array<i32>} : memref<160x64xf32, #tpu.memory_space<vmem>>, vector<1x16xf32>,
      %get3A_284 = arith.index_cast %add3A_256 : i32 to index
      %get3A_285 = arith.constant 48 : index
      %get3A_286 = tpu.vector_load %arg7[%get3A_284, %get3A_285] {strides = array<i32>} : memref<160x128xf32, #tpu.memory_space<vmem>>, vector<1x16xf32>,
      %get3A_287 = vector.shape_cast %get3A_286 : vector<1x16xf32> to vector<16xf32>
      %swap3A_288 = arith.index_cast %add3A_256 : i32 to index
      %swap3A_289 = arith.constant 48 : index
      %swap3A_290 = tpu.vector_load %arg9[%swap3A_288, %swap3A_289] {strides = array<i32>} : memref<160x64xf32, #tpu.memory_space<vmem>>, vector<1x16xf32>,
      %swap3A_291 = vector.shape_cast %swap3A_290 : vector<1x16xf32> to vector<16xf32>
      %swap3A_292 = vector.shape_cast %get3A_287 : vector<16xf32> to vector<1x16xf32>
      tpu.vector_store %arg9[%swap3A_288, %swap3A_289], %swap3A_292 {strides = array<i32>} : memref<160x64xf32, #tpu.memory_space<vmem>>, vector<1x16xf32>,
      %mul3A_293 = arith.constant 8 : i32
      %mul3A_294 = arith.muli %scan3A_134, %mul3A_293 : i32
      %add3A_295 = arith.constant 4 : i32
      %add3A_296 = arith.addi %mul3A_294, %add3A_295 : i32
      %get3A_297 = arith.index_cast %add3A_296 : i32 to index
      %get3A_298 = arith.constant 0 : index
      %get3A_299 = tpu.vector_load %arg7[%get3A_297, %get3A_298] {strides = array<i32>} : memref<160x128xf32, #tpu.memory_space<vmem>>, vector<1x16xf32>,
      %get3A_300 = vector.shape_cast %get3A_299 : vector<1x16xf32> to vector<16xf32>
      %swap3A_301 = arith.index_cast %add3A_296 : i32 to index
      %swap3A_302 = arith.constant 0 : index
      %swap3A_303 = tpu.vector_load %arg9[%swap3A_301, %swap3A_302] {strides = array<i32>} : memref<160x64xf32, #tpu.memory_space<vmem>>, vector<1x16xf32>,
      %swap3A_304 = vector.shape_cast %swap3A_303 : vector<1x16xf32> to vector<16xf32>
      %swap3A_305 = vector.shape_cast %get3A_300 : vector<16xf32> to vector<1x16xf32>
      tpu.vector_store %arg9[%swap3A_301, %swap3A_302], %swap3A_305 {strides = array<i32>} : memref<160x64xf32, #tpu.memory_space<vmem>>, vector<1x16xf32>,
      %get3A_306 = arith.index_cast %add3A_296 : i32 to index
      %get3A_307 = arith.constant 16 : index
      %get3A_308 = tpu.vector_load %arg7[%get3A_306, %get3A_307] {strides = array<i32>} : memref<160x128xf32, #tpu.memory_space<vmem>>, vector<1x16xf32>,
      %get3A_309 = vector.shape_cast %get3A_308 : vector<1x16xf32> to vector<16xf32>
      %swap3A_310 = arith.index_cast %add3A_296 : i32 to index
      %swap3A_311 = arith.constant 16 : index
      %swap3A_312 = tpu.vector_load %arg9[%swap3A_310, %swap3A_311] {strides = array<i32>} : memref<160x64xf32, #tpu.memory_space<vmem>>, vector<1x16xf32>,
      %swap3A_313 = vector.shape_cast %swap3A_312 : vector<1x16xf32> to vector<16xf32>
      %swap3A_314 = vector.shape_cast %get3A_309 : vector<16xf32> to vector<1x16xf32>
      tpu.vector_store %arg9[%swap3A_310, %swap3A_311], %swap3A_314 {strides = array<i32>} : memref<160x64xf32, #tpu.memory_space<vmem>>, vector<1x16xf32>,
      %get3A_315 = arith.index_cast %add3A_296 : i32 to index
      %get3A_316 = arith.constant 32 : index
      %get3A_317 = tpu.vector_load %arg7[%get3A_315, %get3A_316] {strides = array<i32>} : memref<160x128xf32, #tpu.memory_space<vmem>>, vector<1x16xf32>,
      %get3A_318 = vector.shape_cast %get3A_317 : vector<1x16xf32> to vector<16xf32>
      %swap3A_319 = arith.index_cast %add3A_296 : i32 to index
      %swap3A_320 = arith.constant 32 : index
      %swap3A_321 = tpu.vector_load %arg9[%swap3A_319, %swap3A_320] {strides = array<i32>} : memref<160x64xf32, #tpu.memory_space<vmem>>, vector<1x16xf32>,
      %swap3A_322 = vector.shape_cast %swap3A_321 : vector<1x16xf32> to vector<16xf32>
      %swap3A_323 = vector.shape_cast %get3A_318 : vector<16xf32> to vector<1x16xf32>
      tpu.vector_store %arg9[%swap3A_319, %swap3A_320], %swap3A_323 {strides = array<i32>} : memref<160x64xf32, #tpu.memory_space<vmem>>, vector<1x16xf32>,
      %get3A_324 = arith.index_cast %add3A_296 : i32 to index
      %get3A_325 = arith.constant 48 : index
      %get3A_326 = tpu.vector_load %arg7[%get3A_324, %get3A_325] {strides = array<i32>} : memref<160x128xf32, #tpu.memory_space<vmem>>, vector<1x16xf32>,
      %get3A_327 = vector.shape_cast %get3A_326 : vector<1x16xf32> to vector<16xf32>
      %swap3A_328 = arith.index_cast %add3A_296 : i32 to index
      %swap3A_329 = arith.constant 48 : index
      %swap3A_330 = tpu.vector_load %arg9[%swap3A_328, %swap3A_329] {strides = array<i32>} : memref<160x64xf32, #tpu.memory_space<vmem>>, vector<1x16xf32>,
      %swap3A_331 = vector.shape_cast %swap3A_330 : vector<1x16xf32> to vector<16xf32>
      %swap3A_332 = vector.shape_cast %get3A_327 : vector<16xf32> to vector<1x16xf32>
      tpu.vector_store %arg9[%swap3A_328, %swap3A_329], %swap3A_332 {strides = array<i32>} : memref<160x64xf32, #tpu.memory_space<vmem>>, vector<1x16xf32>,
      %mul3A_333 = arith.constant 8 : i32
      %mul3A_334 = arith.muli %scan3A_134, %mul3A_333 : i32
      %add3A_335 = arith.constant 5 : i32
      %add3A_336 = arith.addi %mul3A_334, %add3A_335 : i32
      %get3A_337 = arith.index_cast %add3A_336 : i32 to index
      %get3A_338 = arith.constant 0 : index
      %get3A_339 = tpu.vector_load %arg7[%get3A_337, %get3A_338] {strides = array<i32>} : memref<160x128xf32, #tpu.memory_space<vmem>>, vector<1x16xf32>,
      %get3A_340 = vector.shape_cast %get3A_339 : vector<1x16xf32> to vector<16xf32>
      %swap3A_341 = arith.index_cast %add3A_336 : i32 to index
      %swap3A_342 = arith.constant 0 : index
      %swap3A_343 = tpu.vector_load %arg9[%swap3A_341, %swap3A_342] {strides = array<i32>} : memref<160x64xf32, #tpu.memory_space<vmem>>, vector<1x16xf32>,
      %swap3A_344 = vector.shape_cast %swap3A_343 : vector<1x16xf32> to vector<16xf32>
      %swap3A_345 = vector.shape_cast %get3A_340 : vector<16xf32> to vector<1x16xf32>
      tpu.vector_store %arg9[%swap3A_341, %swap3A_342], %swap3A_345 {strides = array<i32>} : memref<160x64xf32, #tpu.memory_space<vmem>>, vector<1x16xf32>,
      %get3A_346 = arith.index_cast %add3A_336 : i32 to index
      %get3A_347 = arith.constant 16 : index
      %get3A_348 = tpu.vector_load %arg7[%get3A_346, %get3A_347] {strides = array<i32>} : memref<160x128xf32, #tpu.memory_space<vmem>>, vector<1x16xf32>,
      %get3A_349 = vector.shape_cast %get3A_348 : vector<1x16xf32> to vector<16xf32>
      %swap3A_350 = arith.index_cast %add3A_336 : i32 to index
      %swap3A_351 = arith.constant 16 : index
      %swap3A_352 = tpu.vector_load %arg9[%swap3A_350, %swap3A_351] {strides = array<i32>} : memref<160x64xf32, #tpu.memory_space<vmem>>, vector<1x16xf32>,
      %swap3A_353 = vector.shape_cast %swap3A_352 : vector<1x16xf32> to vector<16xf32>
      %swap3A_354 = vector.shape_cast %get3A_349 : vector<16xf32> to vector<1x16xf32>
      tpu.vector_store %arg9[%swap3A_350, %swap3A_351], %swap3A_354 {strides = array<i32>} : memref<160x64xf32, #tpu.memory_space<vmem>>, vector<1x16xf32>,
      %get3A_355 = arith.index_cast %add3A_336 : i32 to index
      %get3A_356 = arith.constant 32 : index
      %get3A_357 = tpu.vector_load %arg7[%get3A_355, %get3A_356] {strides = array<i32>} : memref<160x128xf32, #tpu.memory_space<vmem>>, vector<1x16xf32>,
      %get3A_358 = vector.shape_cast %get3A_357 : vector<1x16xf32> to vector<16xf32>
      %swap3A_359 = arith.index_cast %add3A_336 : i32 to index
      %swap3A_360 = arith.constant 32 : index
      %swap3A_361 = tpu.vector_load %arg9[%swap3A_359, %swap3A_360] {strides = array<i32>} : memref<160x64xf32, #tpu.memory_space<vmem>>, vector<1x16xf32>,
      %swap3A_362 = vector.shape_cast %swap3A_361 : vector<1x16xf32> to vector<16xf32>
      %swap3A_363 = vector.shape_cast %get3A_358 : vector<16xf32> to vector<1x16xf32>
      tpu.vector_store %arg9[%swap3A_359, %swap3A_360], %swap3A_363 {strides = array<i32>} : memref<160x64xf32, #tpu.memory_space<vmem>>, vector<1x16xf32>,
      %get3A_364 = arith.index_cast %add3A_336 : i32 to index
      %get3A_365 = arith.constant 48 : index
      %get3A_366 = tpu.vector_load %arg7[%get3A_364, %get3A_365] {strides = array<i32>} : memref<160x128xf32, #tpu.memory_space<vmem>>, vector<1x16xf32>,
      %get3A_367 = vector.shape_cast %get3A_366 : vector<1x16xf32> to vector<16xf32>
      %swap3A_368 = arith.index_cast %add3A_336 : i32 to index
      %swap3A_369 = arith.constant 48 : index
      %swap3A_370 = tpu.vector_load %arg9[%swap3A_368, %swap3A_369] {strides = array<i32>} : memref<160x64xf32, #tpu.memory_space<vmem>>, vector<1x16xf32>,
      %swap3A_371 = vector.shape_cast %swap3A_370 : vector<1x16xf32> to vector<16xf32>
      %swap3A_372 = vector.shape_cast %get3A_367 : vector<16xf32> to vector<1x16xf32>
      tpu.vector_store %arg9[%swap3A_368, %swap3A_369], %swap3A_372 {strides = array<i32>} : memref<160x64xf32, #tpu.memory_space<vmem>>, vector<1x16xf32>,
      %mul3A_373 = arith.constant 8 : i32
      %mul3A_374 = arith.muli %scan3A_134, %mul3A_373 : i32
      %add3A_375 = arith.constant 6 : i32
      %add3A_376 = arith.addi %mul3A_374, %add3A_375 : i32
      %get3A_377 = arith.index_cast %add3A_376 : i32 to index
      %get3A_378 = arith.constant 0 : index
      %get3A_379 = tpu.vector_load %arg7[%get3A_377, %get3A_378] {strides = array<i32>} : memref<160x128xf32, #tpu.memory_space<vmem>>, vector<1x16xf32>,
      %get3A_380 = vector.shape_cast %get3A_379 : vector<1x16xf32> to vector<16xf32>
      %swap3A_381 = arith.index_cast %add3A_376 : i32 to index
      %swap3A_382 = arith.constant 0 : index
      %swap3A_383 = tpu.vector_load %arg9[%swap3A_381, %swap3A_382] {strides = array<i32>} : memref<160x64xf32, #tpu.memory_space<vmem>>, vector<1x16xf32>,
      %swap3A_384 = vector.shape_cast %swap3A_383 : vector<1x16xf32> to vector<16xf32>
      %swap3A_385 = vector.shape_cast %get3A_380 : vector<16xf32> to vector<1x16xf32>
      tpu.vector_store %arg9[%swap3A_381, %swap3A_382], %swap3A_385 {strides = array<i32>} : memref<160x64xf32, #tpu.memory_space<vmem>>, vector<1x16xf32>,
      %get3A_386 = arith.index_cast %add3A_376 : i32 to index
      %get3A_387 = arith.constant 16 : index
      %get3A_388 = tpu.vector_load %arg7[%get3A_386, %get3A_387] {strides = array<i32>} : memref<160x128xf32, #tpu.memory_space<vmem>>, vector<1x16xf32>,
      %get3A_389 = vector.shape_cast %get3A_388 : vector<1x16xf32> to vector<16xf32>
      %swap3A_390 = arith.index_cast %add3A_376 : i32 to index
      %swap3A_391 = arith.constant 16 : index
      %swap3A_392 = tpu.vector_load %arg9[%swap3A_390, %swap3A_391] {strides = array<i32>} : memref<160x64xf32, #tpu.memory_space<vmem>>, vector<1x16xf32>,
      %swap3A_393 = vector.shape_cast %swap3A_392 : vector<1x16xf32> to vector<16xf32>
      %swap3A_394 = vector.shape_cast %get3A_389 : vector<16xf32> to vector<1x16xf32>
      tpu.vector_store %arg9[%swap3A_390, %swap3A_391], %swap3A_394 {strides = array<i32>} : memref<160x64xf32, #tpu.memory_space<vmem>>, vector<1x16xf32>,
      %get3A_395 = arith.index_cast %add3A_376 : i32 to index
      %get3A_396 = arith.constant 32 : index
      %get3A_397 = tpu.vector_load %arg7[%get3A_395, %get3A_396] {strides = array<i32>} : memref<160x128xf32, #tpu.memory_space<vmem>>, vector<1x16xf32>,
      %get3A_398 = vector.shape_cast %get3A_397 : vector<1x16xf32> to vector<16xf32>
      %swap3A_399 = arith.index_cast %add3A_376 : i32 to index
      %swap3A_400 = arith.constant 32 : index
      %swap3A_401 = tpu.vector_load %arg9[%swap3A_399, %swap3A_400] {strides = array<i32>} : memref<160x64xf32, #tpu.memory_space<vmem>>, vector<1x16xf32>,
      %swap3A_402 = vector.shape_cast %swap3A_401 : vector<1x16xf32> to vector<16xf32>
      %swap3A_403 = vector.shape_cast %get3A_398 : vector<16xf32> to vector<1x16xf32>
      tpu.vector_store %arg9[%swap3A_399, %swap3A_400], %swap3A_403 {strides = array<i32>} : memref<160x64xf32, #tpu.memory_space<vmem>>, vector<1x16xf32>,
      %get3A_404 = arith.index_cast %add3A_376 : i32 to index
      %get3A_405 = arith.constant 48 : index
      %get3A_406 = tpu.vector_load %arg7[%get3A_404, %get3A_405] {strides = array<i32>} : memref<160x128xf32, #tpu.memory_space<vmem>>, vector<1x16xf32>,
      %get3A_407 = vector.shape_cast %get3A_406 : vector<1x16xf32> to vector<16xf32>
      %swap3A_408 = arith.index_cast %add3A_376 : i32 to index
      %swap3A_409 = arith.constant 48 : index
      %swap3A_410 = tpu.vector_load %arg9[%swap3A_408, %swap3A_409] {strides = array<i32>} : memref<160x64xf32, #tpu.memory_space<vmem>>, vector<1x16xf32>,
      %swap3A_411 = vector.shape_cast %swap3A_410 : vector<1x16xf32> to vector<16xf32>
      %swap3A_412 = vector.shape_cast %get3A_407 : vector<16xf32> to vector<1x16xf32>
      tpu.vector_store %arg9[%swap3A_408, %swap3A_409], %swap3A_412 {strides = array<i32>} : memref<160x64xf32, #tpu.memory_space<vmem>>, vector<1x16xf32>,
      %mul3A_413 = arith.constant 8 : i32
      %mul3A_414 = arith.muli %scan3A_134, %mul3A_413 : i32
      %add3A_415 = arith.constant 7 : i32
      %add3A_416 = arith.addi %mul3A_414, %add3A_415 : i32
      %get3A_417 = arith.index_cast %add3A_416 : i32 to index
      %get3A_418 = arith.constant 0 : index
      %get3A_419 = tpu.vector_load %arg7[%get3A_417, %get3A_418] {strides = array<i32>} : memref<160x128xf32, #tpu.memory_space<vmem>>, vector<1x16xf32>,
      %get3A_420 = vector.shape_cast %get3A_419 : vector<1x16xf32> to vector<16xf32>
      %swap3A_421 = arith.index_cast %add3A_416 : i32 to index
      %swap3A_422 = arith.constant 0 : index
      %swap3A_423 = tpu.vector_load %arg9[%swap3A_421, %swap3A_422] {strides = array<i32>} : memref<160x64xf32, #tpu.memory_space<vmem>>, vector<1x16xf32>,
      %swap3A_424 = vector.shape_cast %swap3A_423 : vector<1x16xf32> to vector<16xf32>
      %swap3A_425 = vector.shape_cast %get3A_420 : vector<16xf32> to vector<1x16xf32>
      tpu.vector_store %arg9[%swap3A_421, %swap3A_422], %swap3A_425 {strides = array<i32>} : memref<160x64xf32, #tpu.memory_space<vmem>>, vector<1x16xf32>,
      %get3A_426 = arith.index_cast %add3A_416 : i32 to index
      %get3A_427 = arith.constant 16 : index
      %get3A_428 = tpu.vector_load %arg7[%get3A_426, %get3A_427] {strides = array<i32>} : memref<160x128xf32, #tpu.memory_space<vmem>>, vector<1x16xf32>,
      %get3A_429 = vector.shape_cast %get3A_428 : vector<1x16xf32> to vector<16xf32>
      %swap3A_430 = arith.index_cast %add3A_416 : i32 to index
      %swap3A_431 = arith.constant 16 : index
      %swap3A_432 = tpu.vector_load %arg9[%swap3A_430, %swap3A_431] {strides = array<i32>} : memref<160x64xf32, #tpu.memory_space<vmem>>, vector<1x16xf32>,
      %swap3A_433 = vector.shape_cast %swap3A_432 : vector<1x16xf32> to vector<16xf32>
      %swap3A_434 = vector.shape_cast %get3A_429 : vector<16xf32> to vector<1x16xf32>
      tpu.vector_store %arg9[%swap3A_430, %swap3A_431], %swap3A_434 {strides = array<i32>} : memref<160x64xf32, #tpu.memory_space<vmem>>, vector<1x16xf32>,
      %get3A_435 = arith.index_cast %add3A_416 : i32 to index
      %get3A_436 = arith.constant 32 : index
      %get3A_437 = tpu.vector_load %arg7[%get3A_435, %get3A_436] {strides = array<i32>} : memref<160x128xf32, #tpu.memory_space<vmem>>, vector<1x16xf32>,
      %get3A_438 = vector.shape_cast %get3A_437 : vector<1x16xf32> to vector<16xf32>
      %swap3A_439 = arith.index_cast %add3A_416 : i32 to index
      %swap3A_440 = arith.constant 32 : index
      %swap3A_441 = tpu.vector_load %arg9[%swap3A_439, %swap3A_440] {strides = array<i32>} : memref<160x64xf32, #tpu.memory_space<vmem>>, vector<1x16xf32>,
      %swap3A_442 = vector.shape_cast %swap3A_441 : vector<1x16xf32> to vector<16xf32>
      %swap3A_443 = vector.shape_cast %get3A_438 : vector<16xf32> to vector<1x16xf32>
      tpu.vector_store %arg9[%swap3A_439, %swap3A_440], %swap3A_443 {strides = array<i32>} : memref<160x64xf32, #tpu.memory_space<vmem>>, vector<1x16xf32>,
      %get3A_444 = arith.index_cast %add3A_416 : i32 to index
      %get3A_445 = arith.constant 48 : index
      %get3A_446 = tpu.vector_load %arg7[%get3A_444, %get3A_445] {strides = array<i32>} : memref<160x128xf32, #tpu.memory_space<vmem>>, vector<1x16xf32>,
      %get3A_447 = vector.shape_cast %get3A_446 : vector<1x16xf32> to vector<16xf32>
      %swap3A_448 = arith.index_cast %add3A_416 : i32 to index
      %swap3A_449 = arith.constant 48 : index
      %swap3A_450 = tpu.vector_load %arg9[%swap3A_448, %swap3A_449] {strides = array<i32>} : memref<160x64xf32, #tpu.memory_space<vmem>>, vector<1x16xf32>,
      %swap3A_451 = vector.shape_cast %swap3A_450 : vector<1x16xf32> to vector<16xf32>
      %swap3A_452 = vector.shape_cast %get3A_447 : vector<16xf32> to vector<1x16xf32>
      tpu.vector_store %arg9[%swap3A_448, %swap3A_449], %swap3A_452 {strides = array<i32>} : memref<160x64xf32, #tpu.memory_space<vmem>>, vector<1x16xf32>,
    }
    %scan3A_81 = arith.constant 20 : i32
    %add3A_82 = arith.constant 25280 : i32
    %add3A_83 = arith.addi %mul3A_2, %add3A_82 : i32
    %dma_start3A_84 = arith.constant 0 : i32
    %dma_start3A_85 = tpu.memref_slice %arg4[%add3A_83, %dma_start3A_84] : memref<819200x64xf32, #tpu.memory_space<hbm>> -> memref<160x64xf32, #tpu.memory_space<hbm>>
    %dma_start3A_86 = arith.constant 0 : i32
    %dma_start3A_87 = tpu.memref_slice %arg4[%add3A_83, %dma_start3A_86] : memref<819200x64xf32, #tpu.memory_space<hbm>> -> memref<160x64xf32, #tpu.memory_space<hbm>>
    tpu.enqueue_dma source(%arg9 : memref<160x64xf32, #tpu.memory_space<vmem>>) target(%dma_start3A_87 : memref<160x64xf32, #tpu.memory_space<hbm>>) target_semaphore(%arg15 : memref<!tpu.dma_semaphore, #tpu.memory_space<semaphore_mem>>)
    %add3A_88 = arith.constant 25120 : i32
    %add3A_89 = arith.addi %mul3A_2, %add3A_88 : i32
    %dma_wait3A_90 = arith.constant 0 : i32
    %dma_wait3A_91 = tpu.memref_slice %arg4[%add3A_89, %dma_wait3A_90] : memref<819200x64xf32, #tpu.memory_space<hbm>> -> memref<160x64xf32, #tpu.memory_space<hbm>>
    %dma_wait3A_92 = arith.constant 0 : i32
    %dma_wait3A_93 = tpu.memref_slice %arg4[%add3A_89, %dma_wait3A_92] : memref<819200x64xf32, #tpu.memory_space<hbm>> -> memref<160x64xf32, #tpu.memory_space<hbm>>
    tpu.wait_dma2 semaphore(%arg16 : memref<!tpu.dma_semaphore, #tpu.memory_space<semaphore_mem>>) src(%arg10 : memref<160x64xf32, #tpu.memory_space<vmem>>) dst(%dma_wait3A_93 : memref<160x64xf32, #tpu.memory_space<hbm>>)
    %dma_wait3A_94 = arith.constant 0 : i32
    %dma_wait3A_95 = arith.constant 0 : i32
    %dma_wait3A_96 = tpu.memref_slice %arg8[%dma_wait3A_94, %dma_wait3A_95] : memref<160x128xf32, #tpu.memory_space<vmem>> -> memref<80x128xf32, #tpu.memory_space<vmem>>
    %dma_wait3A_97 = arith.constant 0 : i32
    %dma_wait3A_98 = tpu.memref_slice %arg6[%dma_wait3A_97] : memref<160xi32, #tpu.memory_space<vmem>> -> memref<80xi32, #tpu.memory_space<vmem>>
    %dma_wait3A_99 = arith.constant 0 : i32
    %dma_wait3A_100 = arith.constant 0 : i32
    %dma_wait3A_101 = tpu.memref_slice %arg3[%dma_wait3A_99, %dma_wait3A_100] : memref<1000000x128xf32, #tpu.memory_space<hbm>> -> memref<1000000x128xf32, #tpu.memory_space<hbm>>
    tpu.wait_indirect_dma semaphore(%arg14 : memref<!tpu.dma_semaphore, #tpu.memory_space<semaphore_mem>>) src(%dma_wait3A_101 : memref<1000000x128xf32, #tpu.memory_space<hbm>>) dst(%dma_wait3A_96 : memref<80x128xf32, #tpu.memory_space<vmem>>)
    %dma_wait3A_102 = arith.constant 80 : i32
    %dma_wait3A_103 = arith.constant 0 : i32
    %dma_wait3A_104 = tpu.memref_slice %arg8[%dma_wait3A_102, %dma_wait3A_103] : memref<160x128xf32, #tpu.memory_space<vmem>> -> memref<80x128xf32, #tpu.memory_space<vmem>>
    %dma_wait3A_105 = arith.constant 80 : i32
    %dma_wait3A_106 = tpu.memref_slice %arg6[%dma_wait3A_105] : memref<160xi32, #tpu.memory_space<vmem>> -> memref<80xi32, #tpu.memory_space<vmem>>
    %dma_wait3A_107 = arith.constant 0 : i32
    %dma_wait3A_108 = arith.constant 0 : i32
    %dma_wait3A_109 = tpu.memref_slice %arg3[%dma_wait3A_107, %dma_wait3A_108] : memref<1000000x128xf32, #tpu.memory_space<hbm>> -> memref<1000000x128xf32, #tpu.memory_space<hbm>>
    tpu.wait_indirect_dma semaphore(%arg14 : memref<!tpu.dma_semaphore, #tpu.memory_space<semaphore_mem>>) src(%dma_wait3A_109 : memref<1000000x128xf32, #tpu.memory_space<hbm>>) dst(%dma_wait3A_104 : memref<80x128xf32, #tpu.memory_space<vmem>>)
    %scan3A_110 = arith.constant 0 : i32
    %scan3A_111 = arith.constant 0 : i32
    %scan3A_112 = arith.constant 20 : i32
    %scan3A_113 = arith.addi %scan3A_111, %scan3A_112 : i32
    %scan3A_114 = arith.constant 1 : i32
    scf.for %scan3A_134 = %scan3A_111 to %scan3A_113 step %scan3A_114  : i32 {
      %mul3A_135 = arith.constant 8 : i32
      %mul3A_136 = arith.muli %scan3A_134, %mul3A_135 : i32
      %add3A_137 = arith.constant 0 : i32
      %add3A_138 = arith.addi %mul3A_136, %add3A_137 : i32
      %get3A = arith.index_cast %add3A_138 : i32 to index
      %get3A_139 = arith.constant 0 : index
      %get3A_140 = tpu.vector_load %arg8[%get3A, %get3A_139] {strides = array<i32>} : memref<160x128xf32, #tpu.memory_space<vmem>>, vector<1x16xf32>,
      %get3A_141 = vector.shape_cast %get3A_140 : vector<1x16xf32> to vector<16xf32>
      %swap3A = arith.index_cast %add3A_138 : i32 to index
      %swap3A_142 = arith.constant 0 : index
      %swap3A_143 = tpu.vector_load %arg10[%swap3A, %swap3A_142] {strides = array<i32>} : memref<160x64xf32, #tpu.memory_space<vmem>>, vector<1x16xf32>,
      %swap3A_144 = vector.shape_cast %swap3A_143 : vector<1x16xf32> to vector<16xf32>
      %swap3A_145 = vector.shape_cast %get3A_141 : vector<16xf32> to vector<1x16xf32>
      tpu.vector_store %arg10[%swap3A, %swap3A_142], %swap3A_145 {strides = array<i32>} : memref<160x64xf32, #tpu.memory_space<vmem>>, vector<1x16xf32>,
      %get3A_146 = arith.index_cast %add3A_138 : i32 to index
      %get3A_147 = arith.constant 16 : index
      %get3A_148 = tpu.vector_load %arg8[%get3A_146, %get3A_147] {strides = array<i32>} : memref<160x128xf32, #tpu.memory_space<vmem>>, vector<1x16xf32>,
      %get3A_149 = vector.shape_cast %get3A_148 : vector<1x16xf32> to vector<16xf32>
      %swap3A_150 = arith.index_cast %add3A_138 : i32 to index
      %swap3A_151 = arith.constant 16 : index
      %swap3A_152 = tpu.vector_load %arg10[%swap3A_150, %swap3A_151] {strides = array<i32>} : memref<160x64xf32, #tpu.memory_space<vmem>>, vector<1x16xf32>,
      %swap3A_153 = vector.shape_cast %swap3A_152 : vector<1x16xf32> to vector<16xf32>
      %swap3A_154 = vector.shape_cast %get3A_149 : vector<16xf32> to vector<1x16xf32>
      tpu.vector_store %arg10[%swap3A_150, %swap3A_151], %swap3A_154 {strides = array<i32>} : memref<160x64xf32, #tpu.memory_space<vmem>>, vector<1x16xf32>,
      %get3A_155 = arith.index_cast %add3A_138 : i32 to index
      %get3A_156 = arith.constant 32 : index
      %get3A_157 = tpu.vector_load %arg8[%get3A_155, %get3A_156] {strides = array<i32>} : memref<160x128xf32, #tpu.memory_space<vmem>>, vector<1x16xf32>,
      %get3A_158 = vector.shape_cast %get3A_157 : vector<1x16xf32> to vector<16xf32>
      %swap3A_159 = arith.index_cast %add3A_138 : i32 to index
      %swap3A_160 = arith.constant 32 : index
      %swap3A_161 = tpu.vector_load %arg10[%swap3A_159, %swap3A_160] {strides = array<i32>} : memref<160x64xf32, #tpu.memory_space<vmem>>, vector<1x16xf32>,
      %swap3A_162 = vector.shape_cast %swap3A_161 : vector<1x16xf32> to vector<16xf32>
      %swap3A_163 = vector.shape_cast %get3A_158 : vector<16xf32> to vector<1x16xf32>
      tpu.vector_store %arg10[%swap3A_159, %swap3A_160], %swap3A_163 {strides = array<i32>} : memref<160x64xf32, #tpu.memory_space<vmem>>, vector<1x16xf32>,
      %get3A_164 = arith.index_cast %add3A_138 : i32 to index
      %get3A_165 = arith.constant 48 : index
      %get3A_166 = tpu.vector_load %arg8[%get3A_164, %get3A_165] {strides = array<i32>} : memref<160x128xf32, #tpu.memory_space<vmem>>, vector<1x16xf32>,
      %get3A_167 = vector.shape_cast %get3A_166 : vector<1x16xf32> to vector<16xf32>
      %swap3A_168 = arith.index_cast %add3A_138 : i32 to index
      %swap3A_169 = arith.constant 48 : index
      %swap3A_170 = tpu.vector_load %arg10[%swap3A_168, %swap3A_169] {strides = array<i32>} : memref<160x64xf32, #tpu.memory_space<vmem>>, vector<1x16xf32>,
      %swap3A_171 = vector.shape_cast %swap3A_170 : vector<1x16xf32> to vector<16xf32>
      %swap3A_172 = vector.shape_cast %get3A_167 : vector<16xf32> to vector<1x16xf32>
      tpu.vector_store %arg10[%swap3A_168, %swap3A_169], %swap3A_172 {strides = array<i32>} : memref<160x64xf32, #tpu.memory_space<vmem>>, vector<1x16xf32>,
      %mul3A_173 = arith.constant 8 : i32
      %mul3A_174 = arith.muli %scan3A_134, %mul3A_173 : i32
      %add3A_175 = arith.constant 1 : i32
      %add3A_176 = arith.addi %mul3A_174, %add3A_175 : i32
      %get3A_177 = arith.index_cast %add3A_176 : i32 to index
      %get3A_178 = arith.constant 0 : index
      %get3A_179 = tpu.vector_load %arg8[%get3A_177, %get3A_178] {strides = array<i32>} : memref<160x128xf32, #tpu.memory_space<vmem>>, vector<1x16xf32>,
      %get3A_180 = vector.shape_cast %get3A_179 : vector<1x16xf32> to vector<16xf32>
      %swap3A_181 = arith.index_cast %add3A_176 : i32 to index
      %swap3A_182 = arith.constant 0 : index
      %swap3A_183 = tpu.vector_load %arg10[%swap3A_181, %swap3A_182] {strides = array<i32>} : memref<160x64xf32, #tpu.memory_space<vmem>>, vector<1x16xf32>,
      %swap3A_184 = vector.shape_cast %swap3A_183 : vector<1x16xf32> to vector<16xf32>
      %swap3A_185 = vector.shape_cast %get3A_180 : vector<16xf32> to vector<1x16xf32>
      tpu.vector_store %arg10[%swap3A_181, %swap3A_182], %swap3A_185 {strides = array<i32>} : memref<160x64xf32, #tpu.memory_space<vmem>>, vector<1x16xf32>,
      %get3A_186 = arith.index_cast %add3A_176 : i32 to index
      %get3A_187 = arith.constant 16 : index
      %get3A_188 = tpu.vector_load %arg8[%get3A_186, %get3A_187] {strides = array<i32>} : memref<160x128xf32, #tpu.memory_space<vmem>>, vector<1x16xf32>,
      %get3A_189 = vector.shape_cast %get3A_188 : vector<1x16xf32> to vector<16xf32>
      %swap3A_190 = arith.index_cast %add3A_176 : i32 to index
      %swap3A_191 = arith.constant 16 : index
      %swap3A_192 = tpu.vector_load %arg10[%swap3A_190, %swap3A_191] {strides = array<i32>} : memref<160x64xf32, #tpu.memory_space<vmem>>, vector<1x16xf32>,
      %swap3A_193 = vector.shape_cast %swap3A_192 : vector<1x16xf32> to vector<16xf32>
      %swap3A_194 = vector.shape_cast %get3A_189 : vector<16xf32> to vector<1x16xf32>
      tpu.vector_store %arg10[%swap3A_190, %swap3A_191], %swap3A_194 {strides = array<i32>} : memref<160x64xf32, #tpu.memory_space<vmem>>, vector<1x16xf32>,
      %get3A_195 = arith.index_cast %add3A_176 : i32 to index
      %get3A_196 = arith.constant 32 : index
      %get3A_197 = tpu.vector_load %arg8[%get3A_195, %get3A_196] {strides = array<i32>} : memref<160x128xf32, #tpu.memory_space<vmem>>, vector<1x16xf32>,
      %get3A_198 = vector.shape_cast %get3A_197 : vector<1x16xf32> to vector<16xf32>
      %swap3A_199 = arith.index_cast %add3A_176 : i32 to index
      %swap3A_200 = arith.constant 32 : index
      %swap3A_201 = tpu.vector_load %arg10[%swap3A_199, %swap3A_200] {strides = array<i32>} : memref<160x64xf32, #tpu.memory_space<vmem>>, vector<1x16xf32>,
      %swap3A_202 = vector.shape_cast %swap3A_201 : vector<1x16xf32> to vector<16xf32>
      %swap3A_203 = vector.shape_cast %get3A_198 : vector<16xf32> to vector<1x16xf32>
      tpu.vector_store %arg10[%swap3A_199, %swap3A_200], %swap3A_203 {strides = array<i32>} : memref<160x64xf32, #tpu.memory_space<vmem>>, vector<1x16xf32>,
      %get3A_204 = arith.index_cast %add3A_176 : i32 to index
      %get3A_205 = arith.constant 48 : index
      %get3A_206 = tpu.vector_load %arg8[%get3A_204, %get3A_205] {strides = array<i32>} : memref<160x128xf32, #tpu.memory_space<vmem>>, vector<1x16xf32>,
      %get3A_207 = vector.shape_cast %get3A_206 : vector<1x16xf32> to vector<16xf32>
      %swap3A_208 = arith.index_cast %add3A_176 : i32 to index
      %swap3A_209 = arith.constant 48 : index
      %swap3A_210 = tpu.vector_load %arg10[%swap3A_208, %swap3A_209] {strides = array<i32>} : memref<160x64xf32, #tpu.memory_space<vmem>>, vector<1x16xf32>,
      %swap3A_211 = vector.shape_cast %swap3A_210 : vector<1x16xf32> to vector<16xf32>
      %swap3A_212 = vector.shape_cast %get3A_207 : vector<16xf32> to vector<1x16xf32>
      tpu.vector_store %arg10[%swap3A_208, %swap3A_209], %swap3A_212 {strides = array<i32>} : memref<160x64xf32, #tpu.memory_space<vmem>>, vector<1x16xf32>,
      %mul3A_213 = arith.constant 8 : i32
      %mul3A_214 = arith.muli %scan3A_134, %mul3A_213 : i32
      %add3A_215 = arith.constant 2 : i32
      %add3A_216 = arith.addi %mul3A_214, %add3A_215 : i32
      %get3A_217 = arith.index_cast %add3A_216 : i32 to index
      %get3A_218 = arith.constant 0 : index
      %get3A_219 = tpu.vector_load %arg8[%get3A_217, %get3A_218] {strides = array<i32>} : memref<160x128xf32, #tpu.memory_space<vmem>>, vector<1x16xf32>,
      %get3A_220 = vector.shape_cast %get3A_219 : vector<1x16xf32> to vector<16xf32>
      %swap3A_221 = arith.index_cast %add3A_216 : i32 to index
      %swap3A_222 = arith.constant 0 : index
      %swap3A_223 = tpu.vector_load %arg10[%swap3A_221, %swap3A_222] {strides = array<i32>} : memref<160x64xf32, #tpu.memory_space<vmem>>, vector<1x16xf32>,
      %swap3A_224 = vector.shape_cast %swap3A_223 : vector<1x16xf32> to vector<16xf32>
      %swap3A_225 = vector.shape_cast %get3A_220 : vector<16xf32> to vector<1x16xf32>
      tpu.vector_store %arg10[%swap3A_221, %swap3A_222], %swap3A_225 {strides = array<i32>} : memref<160x64xf32, #tpu.memory_space<vmem>>, vector<1x16xf32>,
      %get3A_226 = arith.index_cast %add3A_216 : i32 to index
      %get3A_227 = arith.constant 16 : index
      %get3A_228 = tpu.vector_load %arg8[%get3A_226, %get3A_227] {strides = array<i32>} : memref<160x128xf32, #tpu.memory_space<vmem>>, vector<1x16xf32>,
      %get3A_229 = vector.shape_cast %get3A_228 : vector<1x16xf32> to vector<16xf32>
      %swap3A_230 = arith.index_cast %add3A_216 : i32 to index
      %swap3A_231 = arith.constant 16 : index
      %swap3A_232 = tpu.vector_load %arg10[%swap3A_230, %swap3A_231] {strides = array<i32>} : memref<160x64xf32, #tpu.memory_space<vmem>>, vector<1x16xf32>,
      %swap3A_233 = vector.shape_cast %swap3A_232 : vector<1x16xf32> to vector<16xf32>
      %swap3A_234 = vector.shape_cast %get3A_229 : vector<16xf32> to vector<1x16xf32>
      tpu.vector_store %arg10[%swap3A_230, %swap3A_231], %swap3A_234 {strides = array<i32>} : memref<160x64xf32, #tpu.memory_space<vmem>>, vector<1x16xf32>,
      %get3A_235 = arith.index_cast %add3A_216 : i32 to index
      %get3A_236 = arith.constant 32 : index
      %get3A_237 = tpu.vector_load %arg8[%get3A_235, %get3A_236] {strides = array<i32>} : memref<160x128xf32, #tpu.memory_space<vmem>>, vector<1x16xf32>,
      %get3A_238 = vector.shape_cast %get3A_237 : vector<1x16xf32> to vector<16xf32>
      %swap3A_239 = arith.index_cast %add3A_216 : i32 to index
      %swap3A_240 = arith.constant 32 : index
      %swap3A_241 = tpu.vector_load %arg10[%swap3A_239, %swap3A_240] {strides = array<i32>} : memref<160x64xf32, #tpu.memory_space<vmem>>, vector<1x16xf32>,
      %swap3A_242 = vector.shape_cast %swap3A_241 : vector<1x16xf32> to vector<16xf32>
      %swap3A_243 = vector.shape_cast %get3A_238 : vector<16xf32> to vector<1x16xf32>
      tpu.vector_store %arg10[%swap3A_239, %swap3A_240], %swap3A_243 {strides = array<i32>} : memref<160x64xf32, #tpu.memory_space<vmem>>, vector<1x16xf32>,
      %get3A_244 = arith.index_cast %add3A_216 : i32 to index
      %get3A_245 = arith.constant 48 : index
      %get3A_246 = tpu.vector_load %arg8[%get3A_244, %get3A_245] {strides = array<i32>} : memref<160x128xf32, #tpu.memory_space<vmem>>, vector<1x16xf32>,
      %get3A_247 = vector.shape_cast %get3A_246 : vector<1x16xf32> to vector<16xf32>
      %swap3A_248 = arith.index_cast %add3A_216 : i32 to index
      %swap3A_249 = arith.constant 48 : index
      %swap3A_250 = tpu.vector_load %arg10[%swap3A_248, %swap3A_249] {strides = array<i32>} : memref<160x64xf32, #tpu.memory_space<vmem>>, vector<1x16xf32>,
      %swap3A_251 = vector.shape_cast %swap3A_250 : vector<1x16xf32> to vector<16xf32>
      %swap3A_252 = vector.shape_cast %get3A_247 : vector<16xf32> to vector<1x16xf32>
      tpu.vector_store %arg10[%swap3A_248, %swap3A_249], %swap3A_252 {strides = array<i32>} : memref<160x64xf32, #tpu.memory_space<vmem>>, vector<1x16xf32>,
      %mul3A_253 = arith.constant 8 : i32
      %mul3A_254 = arith.muli %scan3A_134, %mul3A_253 : i32
      %add3A_255 = arith.constant 3 : i32
      %add3A_256 = arith.addi %mul3A_254, %add3A_255 : i32
      %get3A_257 = arith.index_cast %add3A_256 : i32 to index
      %get3A_258 = arith.constant 0 : index
      %get3A_259 = tpu.vector_load %arg8[%get3A_257, %get3A_258] {strides = array<i32>} : memref<160x128xf32, #tpu.memory_space<vmem>>, vector<1x16xf32>,
      %get3A_260 = vector.shape_cast %get3A_259 : vector<1x16xf32> to vector<16xf32>
      %swap3A_261 = arith.index_cast %add3A_256 : i32 to index
      %swap3A_262 = arith.constant 0 : index
      %swap3A_263 = tpu.vector_load %arg10[%swap3A_261, %swap3A_262] {strides = array<i32>} : memref<160x64xf32, #tpu.memory_space<vmem>>, vector<1x16xf32>,
      %swap3A_264 = vector.shape_cast %swap3A_263 : vector<1x16xf32> to vector<16xf32>
      %swap3A_265 = vector.shape_cast %get3A_260 : vector<16xf32> to vector<1x16xf32>
      tpu.vector_store %arg10[%swap3A_261, %swap3A_262], %swap3A_265 {strides = array<i32>} : memref<160x64xf32, #tpu.memory_space<vmem>>, vector<1x16xf32>,
      %get3A_266 = arith.index_cast %add3A_256 : i32 to index
      %get3A_267 = arith.constant 16 : index
      %get3A_268 = tpu.vector_load %arg8[%get3A_266, %get3A_267] {strides = array<i32>} : memref<160x128xf32, #tpu.memory_space<vmem>>, vector<1x16xf32>,
      %get3A_269 = vector.shape_cast %get3A_268 : vector<1x16xf32> to vector<16xf32>
      %swap3A_270 = arith.index_cast %add3A_256 : i32 to index
      %swap3A_271 = arith.constant 16 : index
      %swap3A_272 = tpu.vector_load %arg10[%swap3A_270, %swap3A_271] {strides = array<i32>} : memref<160x64xf32, #tpu.memory_space<vmem>>, vector<1x16xf32>,
      %swap3A_273 = vector.shape_cast %swap3A_272 : vector<1x16xf32> to vector<16xf32>
      %swap3A_274 = vector.shape_cast %get3A_269 : vector<16xf32> to vector<1x16xf32>
      tpu.vector_store %arg10[%swap3A_270, %swap3A_271], %swap3A_274 {strides = array<i32>} : memref<160x64xf32, #tpu.memory_space<vmem>>, vector<1x16xf32>,
      %get3A_275 = arith.index_cast %add3A_256 : i32 to index
      %get3A_276 = arith.constant 32 : index
      %get3A_277 = tpu.vector_load %arg8[%get3A_275, %get3A_276] {strides = array<i32>} : memref<160x128xf32, #tpu.memory_space<vmem>>, vector<1x16xf32>,
      %get3A_278 = vector.shape_cast %get3A_277 : vector<1x16xf32> to vector<16xf32>
      %swap3A_279 = arith.index_cast %add3A_256 : i32 to index
      %swap3A_280 = arith.constant 32 : index
      %swap3A_281 = tpu.vector_load %arg10[%swap3A_279, %swap3A_280] {strides = array<i32>} : memref<160x64xf32, #tpu.memory_space<vmem>>, vector<1x16xf32>,
      %swap3A_282 = vector.shape_cast %swap3A_281 : vector<1x16xf32> to vector<16xf32>
      %swap3A_283 = vector.shape_cast %get3A_278 : vector<16xf32> to vector<1x16xf32>
      tpu.vector_store %arg10[%swap3A_279, %swap3A_280], %swap3A_283 {strides = array<i32>} : memref<160x64xf32, #tpu.memory_space<vmem>>, vector<1x16xf32>,
      %get3A_284 = arith.index_cast %add3A_256 : i32 to index
      %get3A_285 = arith.constant 48 : index
      %get3A_286 = tpu.vector_load %arg8[%get3A_284, %get3A_285] {strides = array<i32>} : memref<160x128xf32, #tpu.memory_space<vmem>>, vector<1x16xf32>,
      %get3A_287 = vector.shape_cast %get3A_286 : vector<1x16xf32> to vector<16xf32>
      %swap3A_288 = arith.index_cast %add3A_256 : i32 to index
      %swap3A_289 = arith.constant 48 : index
      %swap3A_290 = tpu.vector_load %arg10[%swap3A_288, %swap3A_289] {strides = array<i32>} : memref<160x64xf32, #tpu.memory_space<vmem>>, vector<1x16xf32>,
      %swap3A_291 = vector.shape_cast %swap3A_290 : vector<1x16xf32> to vector<16xf32>
      %swap3A_292 = vector.shape_cast %get3A_287 : vector<16xf32> to vector<1x16xf32>
      tpu.vector_store %arg10[%swap3A_288, %swap3A_289], %swap3A_292 {strides = array<i32>} : memref<160x64xf32, #tpu.memory_space<vmem>>, vector<1x16xf32>,
      %mul3A_293 = arith.constant 8 : i32
      %mul3A_294 = arith.muli %scan3A_134, %mul3A_293 : i32
      %add3A_295 = arith.constant 4 : i32
      %add3A_296 = arith.addi %mul3A_294, %add3A_295 : i32
      %get3A_297 = arith.index_cast %add3A_296 : i32 to index
      %get3A_298 = arith.constant 0 : index
      %get3A_299 = tpu.vector_load %arg8[%get3A_297, %get3A_298] {strides = array<i32>} : memref<160x128xf32, #tpu.memory_space<vmem>>, vector<1x16xf32>,
      %get3A_300 = vector.shape_cast %get3A_299 : vector<1x16xf32> to vector<16xf32>
      %swap3A_301 = arith.index_cast %add3A_296 : i32 to index
      %swap3A_302 = arith.constant 0 : index
      %swap3A_303 = tpu.vector_load %arg10[%swap3A_301, %swap3A_302] {strides = array<i32>} : memref<160x64xf32, #tpu.memory_space<vmem>>, vector<1x16xf32>,
      %swap3A_304 = vector.shape_cast %swap3A_303 : vector<1x16xf32> to vector<16xf32>
      %swap3A_305 = vector.shape_cast %get3A_300 : vector<16xf32> to vector<1x16xf32>
      tpu.vector_store %arg10[%swap3A_301, %swap3A_302], %swap3A_305 {strides = array<i32>} : memref<160x64xf32, #tpu.memory_space<vmem>>, vector<1x16xf32>,
      %get3A_306 = arith.index_cast %add3A_296 : i32 to index
      %get3A_307 = arith.constant 16 : index
      %get3A_308 = tpu.vector_load %arg8[%get3A_306, %get3A_307] {strides = array<i32>} : memref<160x128xf32, #tpu.memory_space<vmem>>, vector<1x16xf32>,
      %get3A_309 = vector.shape_cast %get3A_308 : vector<1x16xf32> to vector<16xf32>
      %swap3A_310 = arith.index_cast %add3A_296 : i32 to index
      %swap3A_311 = arith.constant 16 : index
      %swap3A_312 = tpu.vector_load %arg10[%swap3A_310, %swap3A_311] {strides = array<i32>} : memref<160x64xf32, #tpu.memory_space<vmem>>, vector<1x16xf32>,
      %swap3A_313 = vector.shape_cast %swap3A_312 : vector<1x16xf32> to vector<16xf32>
      %swap3A_314 = vector.shape_cast %get3A_309 : vector<16xf32> to vector<1x16xf32>
      tpu.vector_store %arg10[%swap3A_310, %swap3A_311], %swap3A_314 {strides = array<i32>} : memref<160x64xf32, #tpu.memory_space<vmem>>, vector<1x16xf32>,
      %get3A_315 = arith.index_cast %add3A_296 : i32 to index
      %get3A_316 = arith.constant 32 : index
      %get3A_317 = tpu.vector_load %arg8[%get3A_315, %get3A_316] {strides = array<i32>} : memref<160x128xf32, #tpu.memory_space<vmem>>, vector<1x16xf32>,
      %get3A_318 = vector.shape_cast %get3A_317 : vector<1x16xf32> to vector<16xf32>
      %swap3A_319 = arith.index_cast %add3A_296 : i32 to index
      %swap3A_320 = arith.constant 32 : index
      %swap3A_321 = tpu.vector_load %arg10[%swap3A_319, %swap3A_320] {strides = array<i32>} : memref<160x64xf32, #tpu.memory_space<vmem>>, vector<1x16xf32>,
      %swap3A_322 = vector.shape_cast %swap3A_321 : vector<1x16xf32> to vector<16xf32>
      %swap3A_323 = vector.shape_cast %get3A_318 : vector<16xf32> to vector<1x16xf32>
      tpu.vector_store %arg10[%swap3A_319, %swap3A_320], %swap3A_323 {strides = array<i32>} : memref<160x64xf32, #tpu.memory_space<vmem>>, vector<1x16xf32>,
      %get3A_324 = arith.index_cast %add3A_296 : i32 to index
      %get3A_325 = arith.constant 48 : index
      %get3A_326 = tpu.vector_load %arg8[%get3A_324, %get3A_325] {strides = array<i32>} : memref<160x128xf32, #tpu.memory_space<vmem>>, vector<1x16xf32>,
      %get3A_327 = vector.shape_cast %get3A_326 : vector<1x16xf32> to vector<16xf32>
      %swap3A_328 = arith.index_cast %add3A_296 : i32 to index
      %swap3A_329 = arith.constant 48 : index
      %swap3A_330 = tpu.vector_load %arg10[%swap3A_328, %swap3A_329] {strides = array<i32>} : memref<160x64xf32, #tpu.memory_space<vmem>>, vector<1x16xf32>,
      %swap3A_331 = vector.shape_cast %swap3A_330 : vector<1x16xf32> to vector<16xf32>
      %swap3A_332 = vector.shape_cast %get3A_327 : vector<16xf32> to vector<1x16xf32>
      tpu.vector_store %arg10[%swap3A_328, %swap3A_329], %swap3A_332 {strides = array<i32>} : memref<160x64xf32, #tpu.memory_space<vmem>>, vector<1x16xf32>,
      %mul3A_333 = arith.constant 8 : i32
      %mul3A_334 = arith.muli %scan3A_134, %mul3A_333 : i32
      %add3A_335 = arith.constant 5 : i32
      %add3A_336 = arith.addi %mul3A_334, %add3A_335 : i32
      %get3A_337 = arith.index_cast %add3A_336 : i32 to index
      %get3A_338 = arith.constant 0 : index
      %get3A_339 = tpu.vector_load %arg8[%get3A_337, %get3A_338] {strides = array<i32>} : memref<160x128xf32, #tpu.memory_space<vmem>>, vector<1x16xf32>,
      %get3A_340 = vector.shape_cast %get3A_339 : vector<1x16xf32> to vector<16xf32>
      %swap3A_341 = arith.index_cast %add3A_336 : i32 to index
      %swap3A_342 = arith.constant 0 : index
      %swap3A_343 = tpu.vector_load %arg10[%swap3A_341, %swap3A_342] {strides = array<i32>} : memref<160x64xf32, #tpu.memory_space<vmem>>, vector<1x16xf32>,
      %swap3A_344 = vector.shape_cast %swap3A_343 : vector<1x16xf32> to vector<16xf32>
      %swap3A_345 = vector.shape_cast %get3A_340 : vector<16xf32> to vector<1x16xf32>
      tpu.vector_store %arg10[%swap3A_341, %swap3A_342], %swap3A_345 {strides = array<i32>} : memref<160x64xf32, #tpu.memory_space<vmem>>, vector<1x16xf32>,
      %get3A_346 = arith.index_cast %add3A_336 : i32 to index
      %get3A_347 = arith.constant 16 : index
      %get3A_348 = tpu.vector_load %arg8[%get3A_346, %get3A_347] {strides = array<i32>} : memref<160x128xf32, #tpu.memory_space<vmem>>, vector<1x16xf32>,
      %get3A_349 = vector.shape_cast %get3A_348 : vector<1x16xf32> to vector<16xf32>
      %swap3A_350 = arith.index_cast %add3A_336 : i32 to index
      %swap3A_351 = arith.constant 16 : index
      %swap3A_352 = tpu.vector_load %arg10[%swap3A_350, %swap3A_351] {strides = array<i32>} : memref<160x64xf32, #tpu.memory_space<vmem>>, vector<1x16xf32>,
      %swap3A_353 = vector.shape_cast %swap3A_352 : vector<1x16xf32> to vector<16xf32>
      %swap3A_354 = vector.shape_cast %get3A_349 : vector<16xf32> to vector<1x16xf32>
      tpu.vector_store %arg10[%swap3A_350, %swap3A_351], %swap3A_354 {strides = array<i32>} : memref<160x64xf32, #tpu.memory_space<vmem>>, vector<1x16xf32>,
      %get3A_355 = arith.index_cast %add3A_336 : i32 to index
      %get3A_356 = arith.constant 32 : index
      %get3A_357 = tpu.vector_load %arg8[%get3A_355, %get3A_356] {strides = array<i32>} : memref<160x128xf32, #tpu.memory_space<vmem>>, vector<1x16xf32>,
      %get3A_358 = vector.shape_cast %get3A_357 : vector<1x16xf32> to vector<16xf32>
      %swap3A_359 = arith.index_cast %add3A_336 : i32 to index
      %swap3A_360 = arith.constant 32 : index
      %swap3A_361 = tpu.vector_load %arg10[%swap3A_359, %swap3A_360] {strides = array<i32>} : memref<160x64xf32, #tpu.memory_space<vmem>>, vector<1x16xf32>,
      %swap3A_362 = vector.shape_cast %swap3A_361 : vector<1x16xf32> to vector<16xf32>
      %swap3A_363 = vector.shape_cast %get3A_358 : vector<16xf32> to vector<1x16xf32>
      tpu.vector_store %arg10[%swap3A_359, %swap3A_360], %swap3A_363 {strides = array<i32>} : memref<160x64xf32, #tpu.memory_space<vmem>>, vector<1x16xf32>,
      %get3A_364 = arith.index_cast %add3A_336 : i32 to index
      %get3A_365 = arith.constant 48 : index
      %get3A_366 = tpu.vector_load %arg8[%get3A_364, %get3A_365] {strides = array<i32>} : memref<160x128xf32, #tpu.memory_space<vmem>>, vector<1x16xf32>,
      %get3A_367 = vector.shape_cast %get3A_366 : vector<1x16xf32> to vector<16xf32>
      %swap3A_368 = arith.index_cast %add3A_336 : i32 to index
      %swap3A_369 = arith.constant 48 : index
      %swap3A_370 = tpu.vector_load %arg10[%swap3A_368, %swap3A_369] {strides = array<i32>} : memref<160x64xf32, #tpu.memory_space<vmem>>, vector<1x16xf32>,
      %swap3A_371 = vector.shape_cast %swap3A_370 : vector<1x16xf32> to vector<16xf32>
      %swap3A_372 = vector.shape_cast %get3A_367 : vector<16xf32> to vector<1x16xf32>
      tpu.vector_store %arg10[%swap3A_368, %swap3A_369], %swap3A_372 {strides = array<i32>} : memref<160x64xf32, #tpu.memory_space<vmem>>, vector<1x16xf32>,
      %mul3A_373 = arith.constant 8 : i32
      %mul3A_374 = arith.muli %scan3A_134, %mul3A_373 : i32
      %add3A_375 = arith.constant 6 : i32
      %add3A_376 = arith.addi %mul3A_374, %add3A_375 : i32
      %get3A_377 = arith.index_cast %add3A_376 : i32 to index
      %get3A_378 = arith.constant 0 : index
      %get3A_379 = tpu.vector_load %arg8[%get3A_377, %get3A_378] {strides = array<i32>} : memref<160x128xf32, #tpu.memory_space<vmem>>, vector<1x16xf32>,
      %get3A_380 = vector.shape_cast %get3A_379 : vector<1x16xf32> to vector<16xf32>
      %swap3A_381 = arith.index_cast %add3A_376 : i32 to index
      %swap3A_382 = arith.constant 0 : index
      %swap3A_383 = tpu.vector_load %arg10[%swap3A_381, %swap3A_382] {strides = array<i32>} : memref<160x64xf32, #tpu.memory_space<vmem>>, vector<1x16xf32>,
      %swap3A_384 = vector.shape_cast %swap3A_383 : vector<1x16xf32> to vector<16xf32>
      %swap3A_385 = vector.shape_cast %get3A_380 : vector<16xf32> to vector<1x16xf32>
      tpu.vector_store %arg10[%swap3A_381, %swap3A_382], %swap3A_385 {strides = array<i32>} : memref<160x64xf32, #tpu.memory_space<vmem>>, vector<1x16xf32>,
      %get3A_386 = arith.index_cast %add3A_376 : i32 to index
      %get3A_387 = arith.constant 16 : index
      %get3A_388 = tpu.vector_load %arg8[%get3A_386, %get3A_387] {strides = array<i32>} : memref<160x128xf32, #tpu.memory_space<vmem>>, vector<1x16xf32>,
      %get3A_389 = vector.shape_cast %get3A_388 : vector<1x16xf32> to vector<16xf32>
      %swap3A_390 = arith.index_cast %add3A_376 : i32 to index
      %swap3A_391 = arith.constant 16 : index
      %swap3A_392 = tpu.vector_load %arg10[%swap3A_390, %swap3A_391] {strides = array<i32>} : memref<160x64xf32, #tpu.memory_space<vmem>>, vector<1x16xf32>,
      %swap3A_393 = vector.shape_cast %swap3A_392 : vector<1x16xf32> to vector<16xf32>
      %swap3A_394 = vector.shape_cast %get3A_389 : vector<16xf32> to vector<1x16xf32>
      tpu.vector_store %arg10[%swap3A_390, %swap3A_391], %swap3A_394 {strides = array<i32>} : memref<160x64xf32, #tpu.memory_space<vmem>>, vector<1x16xf32>,
      %get3A_395 = arith.index_cast %add3A_376 : i32 to index
      %get3A_396 = arith.constant 32 : index
      %get3A_397 = tpu.vector_load %arg8[%get3A_395, %get3A_396] {strides = array<i32>} : memref<160x128xf32, #tpu.memory_space<vmem>>, vector<1x16xf32>,
      %get3A_398 = vector.shape_cast %get3A_397 : vector<1x16xf32> to vector<16xf32>
      %swap3A_399 = arith.index_cast %add3A_376 : i32 to index
      %swap3A_400 = arith.constant 32 : index
      %swap3A_401 = tpu.vector_load %arg10[%swap3A_399, %swap3A_400] {strides = array<i32>} : memref<160x64xf32, #tpu.memory_space<vmem>>, vector<1x16xf32>,
      %swap3A_402 = vector.shape_cast %swap3A_401 : vector<1x16xf32> to vector<16xf32>
      %swap3A_403 = vector.shape_cast %get3A_398 : vector<16xf32> to vector<1x16xf32>
      tpu.vector_store %arg10[%swap3A_399, %swap3A_400], %swap3A_403 {strides = array<i32>} : memref<160x64xf32, #tpu.memory_space<vmem>>, vector<1x16xf32>,
      %get3A_404 = arith.index_cast %add3A_376 : i32 to index
      %get3A_405 = arith.constant 48 : index
      %get3A_406 = tpu.vector_load %arg8[%get3A_404, %get3A_405] {strides = array<i32>} : memref<160x128xf32, #tpu.memory_space<vmem>>, vector<1x16xf32>,
      %get3A_407 = vector.shape_cast %get3A_406 : vector<1x16xf32> to vector<16xf32>
      %swap3A_408 = arith.index_cast %add3A_376 : i32 to index
      %swap3A_409 = arith.constant 48 : index
      %swap3A_410 = tpu.vector_load %arg10[%swap3A_408, %swap3A_409] {strides = array<i32>} : memref<160x64xf32, #tpu.memory_space<vmem>>, vector<1x16xf32>,
      %swap3A_411 = vector.shape_cast %swap3A_410 : vector<1x16xf32> to vector<16xf32>
      %swap3A_412 = vector.shape_cast %get3A_407 : vector<16xf32> to vector<1x16xf32>
      tpu.vector_store %arg10[%swap3A_408, %swap3A_409], %swap3A_412 {strides = array<i32>} : memref<160x64xf32, #tpu.memory_space<vmem>>, vector<1x16xf32>,
      %mul3A_413 = arith.constant 8 : i32
      %mul3A_414 = arith.muli %scan3A_134, %mul3A_413 : i32
      %add3A_415 = arith.constant 7 : i32
      %add3A_416 = arith.addi %mul3A_414, %add3A_415 : i32
      %get3A_417 = arith.index_cast %add3A_416 : i32 to index
      %get3A_418 = arith.constant 0 : index
      %get3A_419 = tpu.vector_load %arg8[%get3A_417, %get3A_418] {strides = array<i32>} : memref<160x128xf32, #tpu.memory_space<vmem>>, vector<1x16xf32>,
      %get3A_420 = vector.shape_cast %get3A_419 : vector<1x16xf32> to vector<16xf32>
      %swap3A_421 = arith.index_cast %add3A_416 : i32 to index
      %swap3A_422 = arith.constant 0 : index
      %swap3A_423 = tpu.vector_load %arg10[%swap3A_421, %swap3A_422] {strides = array<i32>} : memref<160x64xf32, #tpu.memory_space<vmem>>, vector<1x16xf32>,
      %swap3A_424 = vector.shape_cast %swap3A_423 : vector<1x16xf32> to vector<16xf32>
      %swap3A_425 = vector.shape_cast %get3A_420 : vector<16xf32> to vector<1x16xf32>
      tpu.vector_store %arg10[%swap3A_421, %swap3A_422], %swap3A_425 {strides = array<i32>} : memref<160x64xf32, #tpu.memory_space<vmem>>, vector<1x16xf32>,
      %get3A_426 = arith.index_cast %add3A_416 : i32 to index
      %get3A_427 = arith.constant 16 : index
      %get3A_428 = tpu.vector_load %arg8[%get3A_426, %get3A_427] {strides = array<i32>} : memref<160x128xf32, #tpu.memory_space<vmem>>, vector<1x16xf32>,
      %get3A_429 = vector.shape_cast %get3A_428 : vector<1x16xf32> to vector<16xf32>
      %swap3A_430 = arith.index_cast %add3A_416 : i32 to index
      %swap3A_431 = arith.constant 16 : index
      %swap3A_432 = tpu.vector_load %arg10[%swap3A_430, %swap3A_431] {strides = array<i32>} : memref<160x64xf32, #tpu.memory_space<vmem>>, vector<1x16xf32>,
      %swap3A_433 = vector.shape_cast %swap3A_432 : vector<1x16xf32> to vector<16xf32>
      %swap3A_434 = vector.shape_cast %get3A_429 : vector<16xf32> to vector<1x16xf32>
      tpu.vector_store %arg10[%swap3A_430, %swap3A_431], %swap3A_434 {strides = array<i32>} : memref<160x64xf32, #tpu.memory_space<vmem>>, vector<1x16xf32>,
      %get3A_435 = arith.index_cast %add3A_416 : i32 to index
      %get3A_436 = arith.constant 32 : index
      %get3A_437 = tpu.vector_load %arg8[%get3A_435, %get3A_436] {strides = array<i32>} : memref<160x128xf32, #tpu.memory_space<vmem>>, vector<1x16xf32>,
      %get3A_438 = vector.shape_cast %get3A_437 : vector<1x16xf32> to vector<16xf32>
      %swap3A_439 = arith.index_cast %add3A_416 : i32 to index
      %swap3A_440 = arith.constant 32 : index
      %swap3A_441 = tpu.vector_load %arg10[%swap3A_439, %swap3A_440] {strides = array<i32>} : memref<160x64xf32, #tpu.memory_space<vmem>>, vector<1x16xf32>,
      %swap3A_442 = vector.shape_cast %swap3A_441 : vector<1x16xf32> to vector<16xf32>
      %swap3A_443 = vector.shape_cast %get3A_438 : vector<16xf32> to vector<1x16xf32>
      tpu.vector_store %arg10[%swap3A_439, %swap3A_440], %swap3A_443 {strides = array<i32>} : memref<160x64xf32, #tpu.memory_space<vmem>>, vector<1x16xf32>,
      %get3A_444 = arith.index_cast %add3A_416 : i32 to index
      %get3A_445 = arith.constant 48 : index
      %get3A_446 = tpu.vector_load %arg8[%get3A_444, %get3A_445] {strides = array<i32>} : memref<160x128xf32, #tpu.memory_space<vmem>>, vector<1x16xf32>,
      %get3A_447 = vector.shape_cast %get3A_446 : vector<1x16xf32> to vector<16xf32>
      %swap3A_448 = arith.index_cast %add3A_416 : i32 to index
      %swap3A_449 = arith.constant 48 : index
      %swap3A_450 = tpu.vector_load %arg10[%swap3A_448, %swap3A_449] {strides = array<i32>} : memref<160x64xf32, #tpu.memory_space<vmem>>, vector<1x16xf32>,
      %swap3A_451 = vector.shape_cast %swap3A_450 : vector<1x16xf32> to vector<16xf32>
      %swap3A_452 = vector.shape_cast %get3A_447 : vector<16xf32> to vector<1x16xf32>
      tpu.vector_store %arg10[%swap3A_448, %swap3A_449], %swap3A_452 {strides = array<i32>} : memref<160x64xf32, #tpu.memory_space<vmem>>, vector<1x16xf32>,
    }
    %scan3A_115 = arith.constant 20 : i32
    %add3A_116 = arith.constant 25440 : i32
    %add3A_117 = arith.addi %mul3A_2, %add3A_116 : i32
    %dma_start3A_118 = arith.constant 0 : i32
    %dma_start3A_119 = tpu.memref_slice %arg4[%add3A_117, %dma_start3A_118] : memref<819200x64xf32, #tpu.memory_space<hbm>> -> memref<160x64xf32, #tpu.memory_space<hbm>>
    %dma_start3A_120 = arith.constant 0 : i32
    %dma_start3A_121 = tpu.memref_slice %arg4[%add3A_117, %dma_start3A_120] : memref<819200x64xf32, #tpu.memory_space<hbm>> -> memref<160x64xf32, #tpu.memory_space<hbm>>
    tpu.enqueue_dma source(%arg10 : memref<160x64xf32, #tpu.memory_space<vmem>>) target(%dma_start3A_121 : memref<160x64xf32, #tpu.memory_space<hbm>>) target_semaphore(%arg16 : memref<!tpu.dma_semaphore, #tpu.memory_space<semaphore_mem>>)
    %add3A_122 = arith.constant 25280 : i32
    %add3A_123 = arith.addi %mul3A_2, %add3A_122 : i32
    %dma_wait3A_124 = arith.constant 0 : i32
    %dma_wait3A_125 = tpu.memref_slice %arg4[%add3A_123, %dma_wait3A_124] : memref<819200x64xf32, #tpu.memory_space<hbm>> -> memref<160x64xf32, #tpu.memory_space<hbm>>
    %dma_wait3A_126 = arith.constant 0 : i32
    %dma_wait3A_127 = tpu.memref_slice %arg4[%add3A_123, %dma_wait3A_126] : memref<819200x64xf32, #tpu.memory_space<hbm>> -> memref<160x64xf32, #tpu.memory_space<hbm>>
    tpu.wait_dma2 semaphore(%arg15 : memref<!tpu.dma_semaphore, #tpu.memory_space<semaphore_mem>>) src(%arg9 : memref<160x64xf32, #tpu.memory_space<vmem>>) dst(%dma_wait3A_127 : memref<160x64xf32, #tpu.memory_space<hbm>>)
    %add3A_128 = arith.constant 25440 : i32
    %add3A_129 = arith.addi %mul3A_2, %add3A_128 : i32
    %dma_wait3A_130 = arith.constant 0 : i32
    %dma_wait3A_131 = tpu.memref_slice %arg4[%add3A_129, %dma_wait3A_130] : memref<819200x64xf32, #tpu.memory_space<hbm>> -> memref<160x64xf32, #tpu.memory_space<hbm>>
    %dma_wait3A_132 = arith.constant 0 : i32
    %dma_wait3A_133 = tpu.memref_slice %arg4[%add3A_129, %dma_wait3A_132] : memref<819200x64xf32, #tpu.memory_space<hbm>> -> memref<160x64xf32, #tpu.memory_space<hbm>>
    tpu.wait_dma2 semaphore(%arg16 : memref<!tpu.dma_semaphore, #tpu.memory_space<semaphore_mem>>) src(%arg10 : memref<160x64xf32, #tpu.memory_space<vmem>>) dst(%dma_wait3A_133 : memref<160x64xf32, #tpu.memory_space<hbm>>)
    return
  }
}

</mosaic_0001>

<sc_bundles>
// kernel: kernel.3.cloned.1.call-start
scs
__scs_entry_jumppad:
0x0: {  	(pc) =	sbr.rel $0x88, $3  }
0x1: {  	(tag) =	ssettag $0x0;
	lr =	simm.s32 $0x1  }
0x2: {  	[smem:$0x3F9F] =	sst lr;
	_ =	strace $0xD0000000  }
0x3: {  	_ = 	snop  }
0x4: {  	_ = 	snop  }
0x5: {  	_ = 	snop  }
0x6: {  	_ = 	snop  }
0x7: {  	_ = 	snop  }
__scs_overlays_trampoline_lowered:
0x8: {  	[smem:$0x3FAE] =	sst s0  }
0x9: {  	[smem:$0x3FAF] =	sst s1  }
0xa: {  	[smem:$0x3FB0] =	sst s2  }
0xb: {  	[smem:$0x3FB1] =	sst s3  }
0xc: {  	[smem:$0x3FB2] =	sst s4  }
0xd: {  	[smem:$0x3FB3] =	sst s5  }
0xe: {  	[smem:$0x3FB4] =	sst s6  }
0xf: {  	[smem:$0x3FB5] =	sst s7  }
0x10: {  	[smem:$0x3FB6] =	sst s8  }
0x11: {  	[smem:$0x3FB7] =	sst s9;
	s0 =	simm.s32 @!p0 $0x0  }
0x12: {  	s1 =	sld [smem:$0x3F9D];
	s0 =	simm.s32 @p0 $0x1  }
0x13: {  	[smem:$0x3FB8] =	sst s0;
	s0 =	simm.s32 @!p1 $0x0  }
0x14: {  	s2 =	sld [smem:$0x3F9C];
	s0 =	simm.s32 @p1 $0x1  }
0x15: {  	[smem:$0x3FB9] =	sst s0;
	s0 =	simm.s32 @!p2 $0x0  }
0x16: {  	s3 =	sld [smem:$0x3FDB];
	s0 =	simm.s32 @p2 $0x1  }
0x17: {  	s4 =	simm.s32 $0x1BF5;
	[smem:$0x3FBB] =	sst s0  }
0x18: {  	s0 =	sld [smem:$0x3F9E];
	_ =	swait.ge [sflag:s4], $0x0  }
0x19: {  	s7 =	sld [smem:$0x3F9F]  }
0x1a: {  	s8 =	sadd.s32 $0xFFFFE003, lr  }
0x1b: {  	s9 =	sadd.s32 $0xFFFFFEF7, lr;
	s5 =	simm.s32 $0xFFFFFFFF;
	p2 =	slt.u32 s8, $0xFFFFF086  }
0x1c: {  	p1 =	slt.u32 s9, $0xF7A;
	s5 =	simm.s32 @!p2 $0x0  }
0x1d: {  	s5 =	simm.s32 @p1 $0x1;
	p0 =	seq.s32 s7, s2  }
0x1e: {  	s7 =	smul.u32 @!p0 $0xF7A, s2;
	p2 =	seq.s32 @!p0 s5, $0x0  }
0x1f: {  	s9 =	smul.u32 $0xF7A, s1;
	s8 =	simm.s32 @!p0 $0x1BF5;
	p2 =	por !p2, p0  }
0x20: {  	[sflag:s8] =	ssyncset.s32 @!p0 $0xFFFFF086;
	s6 =	sadd.s32 @!p0 s3, s7;
	s7 =	simm.s32 @!p0 $0x108  }
0x21: {  	s3 =	sadd.s32 s3, s9;
	s6 =	sadd.s32 @!p0 $0x88, s6;
	s7 =	simm.s32 @p2 $0x1082  }
0x22: {  	[simem:s7], [sflag:s8] =	dma.local @!p0 [hbm:s6], $0xF7A  }
0x23: {  	s9 =	sor.u32 $0xD0000000, s2;
	s6 =	simm.s32 $0x108;
	_ =	swait.ge @!p0 [sflag:s8], $0x0  }
0x24: {  	s3 =	sadd.s32 $0x88, s3;
	s6 =	simm.s32 @!p1 $0x1082;
	[sflag:s4] =	ssyncset.s32 $0xFFFFF086  }
0x25: {  	[simem:s6], [sflag:s4] =	dma.local [hbm:s3], $0xF7A  }
0x26: {  	[smem:$0x3F9F] =	sst s1;
	(tag) =	ssettag s2;
	_ =	strace s9  }
0x27: {  	s1 =	sld [smem:$0x3FAF]  }
0x28: {  	s2 =	sld [smem:$0x3FB0]  }
0x29: {  	s4 =	sld [smem:$0x3FB2]  }
0x2a: {  	p0 =	seq.s32 s5, $0x0;
	s5 =	sld [smem:$0x3FB3]  }
0x2b: {  	s6 =	sld [smem:$0x3FB4]  }
0x2c: {  	s7 =	sld [smem:$0x3FB5]  }
0x2d: {  	s3 =	simm.s32 $0x108;
	s8 =	sld [smem:$0x3FB6]  }
0x2e: {  	s3 =	simm.s32 @!p0 $0x1082;
	s9 =	sld [smem:$0x3FB7]  }
0x2f: {  	lr =	sadd.s32 s0, s3;
	s0 =	sld [smem:$0x3FAE]  }
0x30: {  	s3 =	sld [smem:$0x3FB1]  }
0x31: {  	[smem:$0x3FBA] =	sst s10  }
0x32: {  	s10 =	sld [smem:$0x3FB8];
	_ =	sdelay $0x3  }
0x33: {  	p0 =	seq.s32 s10, $0x1;
	s10 =	sld [smem:$0x3FBA];
	_ =	sdelay $0x3  }
0x34: {  	[smem:$0x3FBA] =	sst s10  }
0x35: {  	s10 =	sld [smem:$0x3FB9];
	_ =	sdelay $0x3  }
0x36: {  	p1 =	seq.s32 s10, $0x1;
	s10 =	sld [smem:$0x3FBA];
	_ =	sdelay $0x3  }
0x37: {  	[smem:$0x3FBA] =	sst s10  }
0x38: {  	s10 =	sld [smem:$0x3FBB]  }
0x39: {  	_ = 	snop;
	(pc) =	sbr.ind lr, $3  }
0x3a: {  	_ = 	snop  }
0x3b: {  	_ = 	snop  }
0x3c: {  	p2 =	seq.s32 s10, $0x1;
	s10 =	sld [smem:$0x3FBA]  }
0x3d: {  	_ =	shalt  }
0x3e: {  	_ =	shalt  }
0x3f: {  	_ =	shalt  }
0x40: {  	_ =	shalt  }
0x41: {  	_ =	shalt  }
0x42: {  	_ =	shalt  }
0x43: {  	_ =	shalt  }
0x44: {  	_ =	shalt  }
0x45: {  	_ =	shalt  }
0x46: {  	_ =	shalt  }
0x47: {  	_ =	shalt  }
0x48: {  	_ =	shalt  }
0x49: {  	_ =	shalt  }
0x4a: {  	_ =	shalt  }
0x4b: {  	_ =	shalt  }
0x4c: {  	_ =	shalt  }
0x4d: {  	_ =	shalt  }
0x4e: {  	_ =	shalt  }
0x4f: {  	_ =	shalt  }
0x50: {  	_ =	shalt  }
0x51: {  	_ =	shalt  }
0x52: {  	_ =	shalt  }
0x53: {  	_ =	shalt  }
0x54: {  	_ =	shalt  }
0x55: {  	_ =	shalt  }
0x56: {  	_ =	shalt  }
0x57: {  	_ =	shalt  }
0x58: {  	_ =	shalt  }
0x59: {  	_ =	shalt  }
0x5a: {  	_ =	shalt  }
0x5b: {  	_ =	shalt  }
0x5c: {  	_ =	shalt  }
0x5d: {  	_ =	shalt  }
0x5e: {  	_ =	shalt  }
0x5f: {  	_ =	shalt  }
0x60: {  	_ =	shalt  }
0x61: {  	_ =	shalt  }
0x62: {  	_ =	shalt  }
0x63: {  	_ =	shalt  }
0x64: {  	_ =	shalt  }
0x65: {  	_ =	shalt  }
0x66: {  	_ =	shalt  }
0x67: {  	_ =	shalt  }
0x68: {  	_ =	shalt  }
0x69: {  	_ =	shalt  }
0x6a: {  	_ =	shalt  }
0x6b: {  	_ =	shalt  }
0x6c: {  	_ =	shalt  }
0x6d: {  	_ =	shalt  }
0x6e: {  	_ =	shalt  }
0x6f: {  	_ =	shalt  }
0x70: {  	_ =	shalt  }
0x71: {  	_ =	shalt  }
0x72: {  	_ =	shalt  }
0x73: {  	_ =	shalt  }
0x74: {  	_ =	shalt  }
0x75: {  	_ =	shalt  }
0x76: {  	_ =	shalt  }
0x77: {  	_ =	shalt  }
0x78: {  	_ =	shalt  }
0x79: {  	_ =	shalt  }
0x7a: {  	_ =	shalt  }
0x7b: {  	_ =	shalt  }
0x7c: {  	_ =	shalt  }
0x7d: {  	_ =	shalt  }
0x7e: {  	_ =	shalt  }
0x7f: {  	_ =	shalt  }
0x80: {  	_ =	shalt  }
0x81: {  	_ =	shalt  }
0x82: {  	_ =	shalt  }
0x83: {  	_ =	shalt  }
0x84: {  	_ =	shalt  }
0x85: {  	_ =	shalt  }
0x86: {  	_ =	shalt  }
0x87: {  	_ =	shalt  }
.Lfunc_end0:
.L_simem_size_0:
called_computation.1_lowered:
.L_overlay_start_0:
0x88: {  	s2 =	sld [smem:$0x3FD9]  }
0x89: {  	s3 =	sld [smem:$0x3FFE];
	_ =	sdelay $0x1  }
0x8a: {  	s1 =	srdreg.scid  }
0x8b: {  	s0 =	sand.u32 $0x1, s1  }
0x8c: {  	s17 =	sshll.u32 s0, $0xA;
	s2 =	sadd.s32 s3, s2  }
0x8d: {  	s2 =	sadd.s32 s2, s17  }
0x8e: {  	[smem:$0x3FC6] =	sst s2  }
0x8f: {  	_ = 	snop  }
0x90: {  	s2 =	sld [smem:$0x3FD0];
	(tm) =	ssettm $0x1  }
0x91: {  	s18 =	sld [smem:$0x3FFB];
	_ =	sdelay $0x3  }
0x92: {  	_ =	strace s18  }
0x93: {  	s3 =	sld [smem:$0x3FFC];
	_ =	sdelay $0x3  }
0x94: {  	_ =	strace s3  }
0x95: {  	s3 =	sld [smem:$0x3FFD];
	_ =	sdelay $0x3  }
0x96: {  	_ =	strace s3  }
0x97: {  	_ =	strace $0x8FFFFFFF  }
0x98: {  	s19 =	sld [smem:$0x3FDB];
	_ =	sdelay $0x1  }
0x99: {  	s4 =	simm.s32 $_scs_section_size  }
0x9a: {  	s5 =	simm.s32 $_size__tile_overlayer_lowered;
	s6 =	simm.s32 $_tile_overlayer_lowered  }
0x9b: {  	s22 =	simm.s32 $0x1BFF;
	s21 =	sshll.u32 s6, $0x1;
	s3 =	sadd.s32 s4, s19  }
0x9c: {  	s7 =	simm.s32 $0x0;
	s20 =	sshll.u32 s5, $0x1;
	s5 =	sadd.s32 s21, s3  }
0x9d: {  	[timem:s7], [sflag:s22] =	dma.local [hbm:s5], s20  }
0x9e: {  	_ =	swait.ge [sflag:s22], s20  }
0x9f: {  	s4 =	ssub.s32 $0x0, s20;
	[sflag:s22] =	ssyncset.done $0x0  }
0xa0: {  	[sflag:s22] =	ssyncadd.s32 s4;
	_ =	sdelay $0x1  }
0xa1: {  	s23 =	simm.s32 $0x1B8B  }
0xa2: {  	_ =	swait.ge [sflag:s23], $0x1  }
0xa3: {  	[sflag:s23] =	ssyncset.done $0x0  }
0xa4: {  	s25 =	simm.s32 $0x1B8E;
	s24 =	sld [smem:$0x3FFE];
	[sflag:s23] =	ssyncadd.s32 $0xFFFFFFFF  }
0xa5: {  	s26 =	simm.s32 $execute0_lowered;
	[smem:$0x3FD2] =	sst s25  }
0xa6: {  	s5 =	sshll.u32 s26, $0x1;
	_ =	strace $0x80000046;
	[dreg:$0x1] =	wrdreg $0xFFFFFFFF  }
0xa7: {  	s28 =	simm.s32 $_size_execute0_lowered;
	s3 =	sadd.s32 s3, s5;
	[dreg:$0x0] =	wrdreg $0x0  }
0xa8: {  	s5 =	sshll.u32 s28, $0x1;
	[dreg:$0x2] =	wrdreg s3  }
0xa9: {  	[dreg:$0x3] =	wrdreg s5  }
0xaa: {  	[dreg:$0x4] =	wrdreg $0xC0  }
0xab: {  	_ =	task [dreg:s7], $0x5FFFF  }
0xac: {  	[dreg:$0x1] =	wrdreg $0xFFFFFFFF  }
0xad: {  	[dreg:$0x0] =	wrdreg $0x60  }
0xae: {  	[dreg:$0x2] =	wrdreg s2  }
0xaf: {  	[dreg:$0x3] =	wrdreg s24  }
0xb0: {  	[dreg:$0x4] =	wrdreg $0x9  }
0xb1: {  	_ =	task.clear_ibuf [dreg:s7], $0x5FFFF;
	_ =	strace $0x90000046  }
0xb2: {  	s29 =	simm.s32 $0x9;
	_ =	strace $0x80000048  }
0xb3: {  	_ =	swait.ge [sflag:s29], $0x1  }
0xb4: {  	[sflag:s29] =	ssyncadd.s32 $0xFFFFFFFF  }
0xb5: {  	_ =	strace $0x90000048  }
0xb6: {  	_ =	sfence  }
0xb7: {  	s30 =	sld [smem:$0x0];
	_ =	sdelay $0x2  }
0xb8: {  	s31 =	sshll.u32 s1, $0xD;
	s1 =	sshrl.u32 s1, $0x2  }
0xb9: {  	s3 =	sand.u32 $0x4000, s31;
	s1 =	sadd.s32 s1, s30  }
0xba: {  	s0 =	sor.u32 s3, s0;
	s1 =	sshll.u32 s1, $0x11  }
0xbb: {  	s0 =	sor.u32 s1, s0  }
0xbc: {  	s0 =	sadd.s32 $0x8F2B, s0  }
0xbd: {  	[sflag:s0] =	ssyncadd.remote.s32 $0x1  }
0xbe: {  	_ =	sfence.sel $0xFFFF  }
0xbf: {  	[dreg:$0x0] =	wrdreg $0xFFFFFFFF;
	(pc) =	sbr.abs _section_cstart, $3  }
0xc0: {  	[dreg:$0x1] =	wrdreg $0xFFFFFFFF  }
0xc1: {  	_ =	task.clear_ibuf [dreg:s7], $0x2FFFF;
	_ =	strace $0x9FFFFFFF  }
0xc2: {  	(tm) =	ssettm $0x7FFFFFFF  }
0xc3: {  	_ =	shalt  }
tec
execute0_lowered:
.L_overlay_start_1:
0x0: {  	(tag) =	ssettag $0x1  }
0x1: {  	s2 =	rddreg [dreg:$0x0]  }
0x2: {  	s0 =	rddreg [dreg:$0x1]  }
0x3: {  	s1 =	srdreg.scid;
	s4 =	stileid.u32;
	s3 =	simm.s32 $0x0  }
0x4: {  	s15 =	simm.s32 $0x1;
	s16 =	simm.s32 $0x50;
	s17 =	simm.s32 $0x200  }
0x5: {  	s18 =	simm.s32 $0x2A00;
	s19 =	simm.s32 $0x100;
	s20 =	simm.s32 $0x2  }
0x6: {  	s21 =	simm.s32 $0x5200;
	s22 =	simm.s32 $0x150;
	s28 =	simm.s32 $0xF200  }
0x7: {  	s29 =	simm.s32 $0x5;
	s1 =	sand.u32 $0x1, s1;
	s4 =	sshll.u32 s4, $0x1  }
0x8: {  	s30 =	simm.s32 $0x6;
	s31 =	simm.s32 $0x0;
	s6 =	sor.u32 s1, s4  }
0x9: {  	[smem:$0x7FF] =	sst s3;
	s1 =	ssub.s32 $0x2, s1;
	s4 =	smul.u32 $0x6400, s6  }
0xa: {  	s5 =	sadd.s32 $0xF42E00, s0;
	s8 =	smul.u32 $0x320000, s6;
	s23 =	sshrl.u32 s1, $0x1  }
0xb: {  	_ =	strace $0x80000047;
	s6 =	sadd.s32 $0xA00, s0;
	s0 =	ssub.s32 s1, s23  }
0xc: {  	s23 =	simm.s32 $0x7A00;
	s7 =	sshrl.u32 s4, $0x3;
	s24 =	sshrl.u32 s8, $0x3  }
0xd: {  	s9 =	sor.u32 $0xA0, s4;
	s10 =	sor.u32 $0x140, s4;
	s7 =	sadd.s32 s2, s7  }
0xe: {  	s11 =	sor.u32 $0x1E0, s4;
	s1 =	sadd.s32 s6, s24;
	s25 =	sadd.s32 $0x14, s7  }
0xf: {  	s14 =	smax.u32 s0, $0x1;
	s26 =	sadd.s32 $0x62C00, s1;
	[dreg:$0x3] =	wrdreg s25  }
0x10: {  	s24 =	simm.s32 $0x3;
	s1 =	sadd.s32 $0x63600, s1;
	[dreg:$0x4] =	wrdreg s26  }
0x11: {  	[dreg:$0x5] =	wrdreg s1;
	s25 =	simm.s32 $0xA200;
	s26 =	simm.s32 $0x4  }
.LBB2_1:
0x12: {  	[tilespmem:s3], [sflag:$0x1] =	stream.linear.gather [hbm4b:s7+s3], $0xA0, $0x38;
	[tilespmem:$0x14200] =	vst v63  }
0x13: {  	_ =	swait.ge [sflag:s15], $0xA0  }
0x14: {  	[sflag:s15] =	ssyncset.done $0x0  }
0x15: {  	[sflag:s15] =	ssyncadd.s32 $0xFFFFFF60  }
0x16: {  	[tilespmem:s17], [sflag:$0x3] =	stream.indirect.gather [hbm4b:s5+s16], $0x80, s3, s16, $0xb8;
	[tilespmem:$0x14200] =	vst v63  }
0x17: {  	_ = 	snop  }
0x18: {  	[tilespmem:s18], [sflag:$0x3] =	stream.indirect.gather [hbm4b:s5+s16], $0x80, s16, s16, $0xb8;
	[tilespmem:$0x14200] =	vst v63  }
0x19: {  	s0 =	rddreg [dreg:$0x3]  }
0x1a: {  	[tilespmem:s19], [sflag:$0x2] =	stream.linear.gather [hbm4b:s0+s3], $0xA0, $0x38;
	[tilespmem:$0x14200] =	vst v63  }
0x1b: {  	s0 =	simm.s32 $0x0  }
.LBB2_2:
0x1c: {  	p0 =	seq.s32 s0, $0x0  }
0x1d: {  	s1 =	simm.s32 @!p0 $0x5  }
0x1e: {  	_ =	swait.ge @!p0 [sflag:s1], $0x5000  }
0x1f: {  	[sflag:s1] =	ssyncset.done @!p0 $0x0  }
0x20: {  	[sflag:s1] =	ssyncadd.s32 @!p0 $0xFFFFB000  }
0x21: {  	_ =	swait.ge [sflag:s20], $0xA0  }
0x22: {  	[sflag:s20] =	ssyncset.done $0x0  }
0x23: {  	[sflag:s20] =	ssyncadd.s32 $0xFFFFFF60  }
0x24: {  	[tilespmem:s21], [sflag:$0x4] =	stream.indirect.gather [hbm4b:s5+s16], $0x80, s19, s16, $0xb8;
	[tilespmem:$0x14200] =	vst v63  }
0x25: {  	_ = 	snop  }
0x26: {  	[tilespmem:s23], [sflag:$0x4] =	stream.indirect.gather [hbm4b:s5+s16], $0x80, s22, s16, $0xb8;
	[tilespmem:$0x14200] =	vst v63  }
0x27: {  	_ =	swait.ge [sflag:s24], $0x2800  }
0x28: {  	s1 =	smul.u32 $0x140, s0;
	[sflag:s24] =	ssyncset.done $0x0  }
0x29: {  	[sflag:s24] =	ssyncadd.s32 $0xFFFFD800  }
0x2a: {  	s8 =	sadd.s32 s1, s10;
	_ =	swait.ge [sflag:s24], $0x2800  }
0x2b: {  	s8 =	sshrl.u32 s8, $0x3;
	[sflag:s24] =	ssyncset.done $0x0  }
0x2c: {  	s12 =	simm.s32 $0x0;
	s8 =	sadd.s32 s2, s8;
	[sflag:s24] =	ssyncadd.s32 $0xFFFFD800  }
0x2d: {  	[tilespmem:s12], [sflag:$0x1] =	stream.linear.gather [hbm4b:s8+s12], $0xA0, $0x38;
	[tilespmem:$0x14200] =	vst v63  }
0x2e: {  	s8 =	simm.s32 $0x0  }
0x2f: {  	v0 =	vld [tilespmem:s8+$0x5B0]  }
0x30: {  	v1 =	vld [tilespmem:s8+$0x200]  }
0x31: {  	v2 =	vld [tilespmem:s8+$0x210]  }
0x32: {  	v3 =	vld [tilespmem:s8+$0x220]  }
0x33: {  	v4 =	vld [tilespmem:s8+$0x230]  }
0x34: {  	v5 =	vld [tilespmem:s8+$0x280];
	[tilespmem:s8+$0xA5B0] =	vst v0  }
0x35: {  	[tilespmem:s8+$0xA200] =	vst v1;
	v0 =	vld [tilespmem:s8+$0x290]  }
0x36: {  	[tilespmem:s8+$0xA210] =	vst v2;
	v1 =	vld [tilespmem:s8+$0x2A0]  }
0x37: {  	[tilespmem:s8+$0xA220] =	vst v3;
	v2 =	vld [tilespmem:s8+$0x2B0]  }
0x38: {  	[tilespmem:s8+$0xA230] =	vst v4;
	v3 =	vld [tilespmem:s8+$0x300]  }
0x39: {  	[tilespmem:s8+$0xA280] =	vst v5;
	v4 =	vld [tilespmem:s8+$0x310]  }
0x3a: {  	v5 =	vld [tilespmem:s8+$0x510];
	[tilespmem:s8+$0xA290] =	vst v0  }
0x3b: {  	v0 =	vld [tilespmem:s8+$0x320];
	[tilespmem:s8+$0xA2A0] =	vst v1  }
0x3c: {  	v1 =	vld [tilespmem:s8+$0x330];
	[tilespmem:s8+$0xA2B0] =	vst v2  }
0x3d: {  	v2 =	vld [tilespmem:s8+$0x380];
	[tilespmem:s8+$0xA300] =	vst v3  }
0x3e: {  	v3 =	vld [tilespmem:s8+$0x390];
	[tilespmem:s8+$0xA310] =	vst v4  }
0x3f: {  	v4 =	vld [tilespmem:s8+$0x3A0];
	[tilespmem:s8+$0xA510] =	vst v5  }
0x40: {  	[tilespmem:s8+$0xA320] =	vst v0;
	v0 =	vld [tilespmem:s8+$0x3B0]  }
0x41: {  	[tilespmem:s8+$0xA330] =	vst v1;
	v1 =	vld [tilespmem:s8+$0x400]  }
0x42: {  	[tilespmem:s8+$0xA380] =	vst v2;
	v2 =	vld [tilespmem:s8+$0x410]  }
0x43: {  	[tilespmem:s8+$0xA390] =	vst v3;
	v3 =	vld [tilespmem:s8+$0x420]  }
0x44: {  	[tilespmem:s8+$0xA3A0] =	vst v4;
	v4 =	vld [tilespmem:s8+$0x430]  }
0x45: {  	[tilespmem:s8+$0xA3B0] =	vst v0;
	v0 =	vld [tilespmem:s8+$0x480]  }
0x46: {  	[tilespmem:s8+$0xA400] =	vst v1;
	v1 =	vld [tilespmem:s8+$0x490]  }
0x47: {  	[tilespmem:s8+$0xA410] =	vst v2;
	v2 =	vld [tilespmem:s8+$0x4A0]  }
0x48: {  	[tilespmem:s8+$0xA420] =	vst v3;
	v3 =	vld [tilespmem:s8+$0x4B0]  }
0x49: {  	[tilespmem:s8+$0xA430] =	vst v4;
	v4 =	vld [tilespmem:s8+$0x500]  }
0x4a: {  	[tilespmem:s8+$0xA480] =	vst v0;
	v0 =	vld [tilespmem:s8+$0x520]  }
0x4b: {  	[tilespmem:s8+$0xA490] =	vst v1;
	v1 =	vld [tilespmem:s8+$0x530]  }
0x4c: {  	[tilespmem:s8+$0xA4A0] =	vst v2;
	v2 =	vld [tilespmem:s8+$0x580]  }
0x4d: {  	[tilespmem:s8+$0xA4B0] =	vst v3;
	v3 =	vld [tilespmem:s8+$0x590]  }
0x4e: {  	s13 =	simm.s32 $0x400;
	s12 =	simm.s32 $0x2000;
	[tilespmem:s8+$0xA500] =	vst v4;
	v4 =	vld [tilespmem:s8+$0x5A0]  }
.LBB2_3:
0x4f: {  	p1 =	sne.s32 s12, $0x13000;
	v5 =	vld [tilespmem:s13+$0x5B0];
	[tilespmem:s8+$0xA520] =	vst v0  }
0x50: {  	v0 =	vld [tilespmem:s13+$0x200];
	[tilespmem:s8+$0xA530] =	vst v1  }
0x51: {  	v1 =	vld [tilespmem:s13+$0x210];
	[tilespmem:s8+$0xA580] =	vst v2  }
0x52: {  	v2 =	vld [tilespmem:s13+$0x220];
	[tilespmem:s8+$0xA590] =	vst v3  }
0x53: {  	v3 =	vld [tilespmem:s13+$0x230];
	[tilespmem:s8+$0xA5A0] =	vst v4;
	s8 =	smov.u32 s13  }
0x54: {  	v4 =	vld [tilespmem:s8+$0x280];
	[tilespmem:s8+$0xA5B0] =	vst v5  }
0x55: {  	[tilespmem:s8+$0xA200] =	vst v0;
	v0 =	vld [tilespmem:s8+$0x290]  }
0x56: {  	[tilespmem:s8+$0xA210] =	vst v1;
	v1 =	vld [tilespmem:s8+$0x2A0]  }
0x57: {  	[tilespmem:s8+$0xA220] =	vst v2;
	v2 =	vld [tilespmem:s8+$0x2B0]  }
0x58: {  	[tilespmem:s8+$0xA230] =	vst v3;
	v3 =	vld [tilespmem:s8+$0x300]  }
0x59: {  	[tilespmem:s8+$0xA280] =	vst v4;
	v4 =	vld [tilespmem:s8+$0x310]  }
0x5a: {  	[tilespmem:s8+$0xA290] =	vst v0;
	v0 =	vld [tilespmem:s8+$0x320]  }
0x5b: {  	[tilespmem:s8+$0xA2A0] =	vst v1;
	v1 =	vld [tilespmem:s8+$0x330]  }
0x5c: {  	[tilespmem:s8+$0xA2B0] =	vst v2;
	v2 =	vld [tilespmem:s8+$0x380]  }
0x5d: {  	[tilespmem:s8+$0xA300] =	vst v3;
	v3 =	vld [tilespmem:s8+$0x390]  }
0x5e: {  	[tilespmem:s8+$0xA310] =	vst v4;
	v4 =	vld [tilespmem:s8+$0x3A0]  }
0x5f: {  	[tilespmem:s8+$0xA320] =	vst v0;
	v0 =	vld [tilespmem:s8+$0x3B0]  }
0x60: {  	[tilespmem:s8+$0xA330] =	vst v1;
	v1 =	vld [tilespmem:s8+$0x400]  }
0x61: {  	[tilespmem:s8+$0xA380] =	vst v2;
	v2 =	vld [tilespmem:s8+$0x410]  }
0x62: {  	[tilespmem:s8+$0xA390] =	vst v3;
	v3 =	vld [tilespmem:s8+$0x420]  }
0x63: {  	[tilespmem:s8+$0xA3A0] =	vst v4;
	v4 =	vld [tilespmem:s8+$0x430]  }
0x64: {  	[tilespmem:s8+$0xA3B0] =	vst v0;
	v0 =	vld [tilespmem:s8+$0x480]  }
0x65: {  	[tilespmem:s8+$0xA400] =	vst v1;
	v1 =	vld [tilespmem:s8+$0x490]  }
0x66: {  	[tilespmem:s8+$0xA410] =	vst v2;
	v2 =	vld [tilespmem:s8+$0x4A0]  }
0x67: {  	[tilespmem:s8+$0xA420] =	vst v3;
	v3 =	vld [tilespmem:s8+$0x4B0]  }
0x68: {  	[tilespmem:s8+$0xA430] =	vst v4;
	v4 =	vld [tilespmem:s8+$0x500]  }
0x69: {  	[tilespmem:s8+$0xA480] =	vst v0;
	v5 =	vld [tilespmem:s8+$0x510]  }
.Ltmp0:
0x6a: {  	[tilespmem:s8+$0xA490] =	vst v1;
	v0 =	vld [tilespmem:s8+$0x520];
	(pc) =	sbr.rel @p1 .LBB2_3-.Ltmp0, $4  }
0x6b: {  	[tilespmem:s8+$0xA4A0] =	vst v2;
	v1 =	vld [tilespmem:s8+$0x530]  }
0x6c: {  	[tilespmem:s8+$0xA4B0] =	vst v3;
	v2 =	vld [tilespmem:s8+$0x580]  }
0x6d: {  	[tilespmem:s8+$0xA500] =	vst v4;
	v3 =	vld [tilespmem:s8+$0x590]  }
0x6e: {  	s13 =	sshra.s32 s12, $0x2;
	s12 =	sadd.s32 $0x1000, s12;
	[tilespmem:s8+$0xA510] =	vst v5;
	v4 =	vld [tilespmem:s8+$0x5A0]  }
0x6f: {  	v5 =	vld [tilespmem:s13+$0x5B0];
	[tilespmem:s8+$0xA520] =	vst v0  }
0x70: {  	v0 =	vld [tilespmem:s13+$0x200];
	[tilespmem:s8+$0xA530] =	vst v1  }
0x71: {  	v1 =	vld [tilespmem:s13+$0x210];
	[tilespmem:s8+$0xA580] =	vst v2  }
0x72: {  	v2 =	vld [tilespmem:s13+$0x220];
	[tilespmem:s8+$0xA590] =	vst v3  }
0x73: {  	v3 =	vld [tilespmem:s13+$0x230];
	[tilespmem:s8+$0xA5A0] =	vst v4  }
0x74: {  	v4 =	vld [tilespmem:s13+$0x280];
	[tilespmem:s13+$0xA5B0] =	vst v5  }
0x75: {  	[tilespmem:s13+$0xA200] =	vst v0;
	v0 =	vld [tilespmem:s13+$0x290]  }
0x76: {  	[tilespmem:s13+$0xA210] =	vst v1;
	v1 =	vld [tilespmem:s13+$0x2A0]  }
0x77: {  	[tilespmem:s13+$0xA220] =	vst v2;
	v2 =	vld [tilespmem:s13+$0x2B0]  }
0x78: {  	[tilespmem:s13+$0xA230] =	vst v3;
	v3 =	vld [tilespmem:s13+$0x300]  }
0x79: {  	[tilespmem:s13+$0xA280] =	vst v4;
	v4 =	vld [tilespmem:s13+$0x310]  }
0x7a: {  	[tilespmem:s13+$0xA290] =	vst v0;
	v0 =	vld [tilespmem:s13+$0x320]  }
0x7b: {  	[tilespmem:s13+$0xA2A0] =	vst v1;
	v1 =	vld [tilespmem:s13+$0x330]  }
0x7c: {  	[tilespmem:s13+$0xA2B0] =	vst v2;
	v2 =	vld [tilespmem:s13+$0x380]  }
0x7d: {  	[tilespmem:s13+$0xA300] =	vst v3;
	v3 =	vld [tilespmem:s13+$0x390]  }
0x7e: {  	[tilespmem:s13+$0xA310] =	vst v4;
	v4 =	vld [tilespmem:s13+$0x3A0]  }
0x7f: {  	[tilespmem:s13+$0xA320] =	vst v0;
	v0 =	vld [tilespmem:s13+$0x3B0]  }
0x80: {  	[tilespmem:s13+$0xA330] =	vst v1;
	v1 =	vld [tilespmem:s13+$0x400]  }
0x81: {  	[tilespmem:s13+$0xA380] =	vst v2;
	v2 =	vld [tilespmem:s13+$0x410]  }
0x82: {  	[tilespmem:s13+$0xA390] =	vst v3;
	v3 =	vld [tilespmem:s13+$0x420]  }
0x83: {  	[tilespmem:s13+$0xA3A0] =	vst v4;
	v4 =	vld [tilespmem:s13+$0x430]  }
0x84: {  	[tilespmem:s13+$0xA3B0] =	vst v0;
	v0 =	vld [tilespmem:s13+$0x480]  }
0x85: {  	[tilespmem:s13+$0xA400] =	vst v1;
	v1 =	vld [tilespmem:s13+$0x490]  }
0x86: {  	[tilespmem:s13+$0xA410] =	vst v2;
	v2 =	vld [tilespmem:s13+$0x4A0]  }
0x87: {  	[tilespmem:s13+$0xA420] =	vst v3;
	v3 =	vld [tilespmem:s13+$0x4B0]  }
0x88: {  	[tilespmem:s13+$0xA430] =	vst v4;
	v4 =	vld [tilespmem:s13+$0x500]  }
0x89: {  	[tilespmem:s13+$0xA480] =	vst v0;
	v0 =	vld [tilespmem:s13+$0x510]  }
0x8a: {  	[tilespmem:s13+$0xA490] =	vst v1;
	v1 =	vld [tilespmem:s13+$0x520]  }
0x8b: {  	[tilespmem:s13+$0xA4A0] =	vst v2;
	v2 =	vld [tilespmem:s13+$0x530]  }
0x8c: {  	[tilespmem:s13+$0xA4B0] =	vst v3;
	v3 =	vld [tilespmem:s13+$0x580]  }
0x8d: {  	[tilespmem:s13+$0xA500] =	vst v4;
	v4 =	vld [tilespmem:s13+$0x590]  }
0x8e: {  	[tilespmem:s13+$0xA510] =	vst v0;
	v0 =	vld [tilespmem:s13+$0x5A0]  }
0x8f: {  	[tilespmem:s13+$0xA520] =	vst v1  }
0x90: {  	[tilespmem:s13+$0xA530] =	vst v2  }
0x91: {  	s12 =	sadd.s32 s4, s1;
	[tilespmem:s13+$0xA580] =	vst v3  }
0x92: {  	s8 =	sshll.u32 s12, $0x4;
	[tilespmem:s13+$0xA590] =	vst v4  }
0x93: {  	s8 =	sadd.s32 s6, s8;
	[tilespmem:s13+$0xA5A0] =	vst v0  }
0x94: {  	[hbm4b:s8+s3] =	stream.linear.scatter [tilespmem:s25], [sflag:$0x5], $0x5000, $0x38;
	[tilespmem:$0x14200] =	vst v63  }
0x95: {  	s8 =	simm.s32 @!p0 $0x6  }
0x96: {  	_ =	swait.ge @!p0 [sflag:s8], $0x5000  }
0x97: {  	[sflag:s8] =	ssyncset.done @!p0 $0x0  }
0x98: {  	[sflag:s8] =	ssyncadd.s32 @!p0 $0xFFFFB000  }
0x99: {  	_ =	swait.ge [sflag:s15], $0xA0  }
0x9a: {  	[sflag:s15] =	ssyncset.done $0x0  }
0x9b: {  	s13 =	simm.s32 $0x0;
	[sflag:s15] =	ssyncadd.s32 $0xFFFFFF60  }
0x9c: {  	[tilespmem:s17], [sflag:$0x3] =	stream.indirect.gather [hbm4b:s5+s16], $0x80, s13, s16, $0xb8;
	[tilespmem:$0x14200] =	vst v63  }
0x9d: {  	_ = 	snop  }
0x9e: {  	[tilespmem:s18], [sflag:$0x3] =	stream.indirect.gather [hbm4b:s5+s16], $0x80, s16, s16, $0xb8;
	[tilespmem:$0x14200] =	vst v63  }
0x9f: {  	_ =	swait.ge [sflag:s26], $0x2800  }
0xa0: {  	[sflag:s26] =	ssyncset.done $0x0  }
0xa1: {  	[sflag:s26] =	ssyncadd.s32 $0xFFFFD800  }
0xa2: {  	s12 =	sadd.s32 s1, s11;
	_ =	swait.ge [sflag:s26], $0x2800  }
0xa3: {  	s12 =	sshrl.u32 s12, $0x3;
	[sflag:s26] =	ssyncset.done $0x0  }
0xa4: {  	s12 =	sadd.s32 s2, s12;
	s8 =	simm.s32 $0x0;
	[sflag:s26] =	ssyncadd.s32 $0xFFFFD800  }
0xa5: {  	[tilespmem:s19], [sflag:$0x2] =	stream.linear.gather [hbm4b:s12+s13], $0xA0, $0x38;
	[tilespmem:$0x14200] =	vst v63  }
0xa6: {  	v0 =	vld [tilespmem:s8+$0x55B0]  }
0xa7: {  	v1 =	vld [tilespmem:s8+$0x5200]  }
0xa8: {  	v2 =	vld [tilespmem:s8+$0x5210]  }
0xa9: {  	v3 =	vld [tilespmem:s8+$0x5220]  }
0xaa: {  	v4 =	vld [tilespmem:s8+$0x5230]  }
0xab: {  	v5 =	vld [tilespmem:s8+$0x5280];
	[tilespmem:s8+$0xF5B0] =	vst v0  }
0xac: {  	[tilespmem:s8+$0xF200] =	vst v1;
	v0 =	vld [tilespmem:s8+$0x5290]  }
0xad: {  	[tilespmem:s8+$0xF210] =	vst v2;
	v1 =	vld [tilespmem:s8+$0x52A0]  }
0xae: {  	[tilespmem:s8+$0xF220] =	vst v3;
	v2 =	vld [tilespmem:s8+$0x52B0]  }
0xaf: {  	[tilespmem:s8+$0xF230] =	vst v4;
	v3 =	vld [tilespmem:s8+$0x5300]  }
0xb0: {  	[tilespmem:s8+$0xF280] =	vst v5;
	v4 =	vld [tilespmem:s8+$0x5310]  }
0xb1: {  	v5 =	vld [tilespmem:s8+$0x5510];
	[tilespmem:s8+$0xF290] =	vst v0  }
0xb2: {  	v0 =	vld [tilespmem:s8+$0x5320];
	[tilespmem:s8+$0xF2A0] =	vst v1  }
0xb3: {  	v1 =	vld [tilespmem:s8+$0x5330];
	[tilespmem:s8+$0xF2B0] =	vst v2  }
0xb4: {  	v2 =	vld [tilespmem:s8+$0x5380];
	[tilespmem:s8+$0xF300] =	vst v3  }
0xb5: {  	v3 =	vld [tilespmem:s8+$0x5390];
	[tilespmem:s8+$0xF310] =	vst v4  }
0xb6: {  	v4 =	vld [tilespmem:s8+$0x53A0];
	[tilespmem:s8+$0xF510] =	vst v5  }
0xb7: {  	[tilespmem:s8+$0xF320] =	vst v0;
	v0 =	vld [tilespmem:s8+$0x53B0]  }
0xb8: {  	[tilespmem:s8+$0xF330] =	vst v1;
	v1 =	vld [tilespmem:s8+$0x5400]  }
0xb9: {  	[tilespmem:s8+$0xF380] =	vst v2;
	v2 =	vld [tilespmem:s8+$0x5410]  }
0xba: {  	[tilespmem:s8+$0xF390] =	vst v3;
	v3 =	vld [tilespmem:s8+$0x5420]  }
0xbb: {  	[tilespmem:s8+$0xF3A0] =	vst v4;
	v4 =	vld [tilespmem:s8+$0x5430]  }
0xbc: {  	[tilespmem:s8+$0xF3B0] =	vst v0;
	v0 =	vld [tilespmem:s8+$0x5480]  }
0xbd: {  	[tilespmem:s8+$0xF400] =	vst v1;
	v1 =	vld [tilespmem:s8+$0x5490]  }
0xbe: {  	[tilespmem:s8+$0xF410] =	vst v2;
	v2 =	vld [tilespmem:s8+$0x54A0]  }
0xbf: {  	[tilespmem:s8+$0xF420] =	vst v3;
	v3 =	vld [tilespmem:s8+$0x54B0]  }
0xc0: {  	[tilespmem:s8+$0xF430] =	vst v4;
	v4 =	vld [tilespmem:s8+$0x5500]  }
0xc1: {  	[tilespmem:s8+$0xF480] =	vst v0;
	v0 =	vld [tilespmem:s8+$0x5520]  }
0xc2: {  	[tilespmem:s8+$0xF490] =	vst v1;
	v1 =	vld [tilespmem:s8+$0x5530]  }
0xc3: {  	[tilespmem:s8+$0xF4A0] =	vst v2;
	v2 =	vld [tilespmem:s8+$0x5580]  }
0xc4: {  	[tilespmem:s8+$0xF4B0] =	vst v3;
	v3 =	vld [tilespmem:s8+$0x5590]  }
0xc5: {  	s1 =	sadd.s32 s1, s9;
	s13 =	simm.s32 $0x400;
	s12 =	simm.s32 $0x2000;
	[tilespmem:s8+$0xF500] =	vst v4;
	v4 =	vld [tilespmem:s8+$0x55A0]  }
.LBB2_5:
0xc6: {  	p0 =	sne.s32 s12, $0x13000;
	v5 =	vld [tilespmem:s13+$0x55B0];
	[tilespmem:s8+$0xF520] =	vst v0  }
0xc7: {  	v0 =	vld [tilespmem:s13+$0x5200];
	[tilespmem:s8+$0xF530] =	vst v1  }
0xc8: {  	v1 =	vld [tilespmem:s13+$0x5210];
	[tilespmem:s8+$0xF580] =	vst v2  }
0xc9: {  	v2 =	vld [tilespmem:s13+$0x5220];
	[tilespmem:s8+$0xF590] =	vst v3  }
0xca: {  	v3 =	vld [tilespmem:s13+$0x5230];
	[tilespmem:s8+$0xF5A0] =	vst v4;
	s8 =	smov.u32 s13  }
0xcb: {  	v4 =	vld [tilespmem:s8+$0x5280];
	[tilespmem:s8+$0xF5B0] =	vst v5  }
0xcc: {  	[tilespmem:s8+$0xF200] =	vst v0;
	v0 =	vld [tilespmem:s8+$0x5290]  }
0xcd: {  	[tilespmem:s8+$0xF210] =	vst v1;
	v1 =	vld [tilespmem:s8+$0x52A0]  }
0xce: {  	[tilespmem:s8+$0xF220] =	vst v2;
	v2 =	vld [tilespmem:s8+$0x52B0]  }
0xcf: {  	[tilespmem:s8+$0xF230] =	vst v3;
	v3 =	vld [tilespmem:s8+$0x5300]  }
0xd0: {  	[tilespmem:s8+$0xF280] =	vst v4;
	v4 =	vld [tilespmem:s8+$0x5310]  }
0xd1: {  	[tilespmem:s8+$0xF290] =	vst v0;
	v0 =	vld [tilespmem:s8+$0x5320]  }
0xd2: {  	[tilespmem:s8+$0xF2A0] =	vst v1;
	v1 =	vld [tilespmem:s8+$0x5330]  }
0xd3: {  	[tilespmem:s8+$0xF2B0] =	vst v2;
	v2 =	vld [tilespmem:s8+$0x5380]  }
0xd4: {  	[tilespmem:s8+$0xF300] =	vst v3;
	v3 =	vld [tilespmem:s8+$0x5390]  }
0xd5: {  	[tilespmem:s8+$0xF310] =	vst v4;
	v4 =	vld [tilespmem:s8+$0x53A0]  }
0xd6: {  	[tilespmem:s8+$0xF320] =	vst v0;
	v0 =	vld [tilespmem:s8+$0x53B0]  }
0xd7: {  	[tilespmem:s8+$0xF330] =	vst v1;
	v1 =	vld [tilespmem:s8+$0x5400]  }
0xd8: {  	[tilespmem:s8+$0xF380] =	vst v2;
	v2 =	vld [tilespmem:s8+$0x5410]  }
0xd9: {  	[tilespmem:s8+$0xF390] =	vst v3;
	v3 =	vld [tilespmem:s8+$0x5420]  }
0xda: {  	[tilespmem:s8+$0xF3A0] =	vst v4;
	v4 =	vld [tilespmem:s8+$0x5430]  }
0xdb: {  	[tilespmem:s8+$0xF3B0] =	vst v0;
	v0 =	vld [tilespmem:s8+$0x5480]  }
0xdc: {  	[tilespmem:s8+$0xF400] =	vst v1;
	v1 =	vld [tilespmem:s8+$0x5490]  }
0xdd: {  	[tilespmem:s8+$0xF410] =	vst v2;
	v2 =	vld [tilespmem:s8+$0x54A0]  }
0xde: {  	[tilespmem:s8+$0xF420] =	vst v3;
	v3 =	vld [tilespmem:s8+$0x54B0]  }
0xdf: {  	[tilespmem:s8+$0xF430] =	vst v4;
	v4 =	vld [tilespmem:s8+$0x5500]  }
0xe0: {  	[tilespmem:s8+$0xF480] =	vst v0;
	v5 =	vld [tilespmem:s8+$0x5510]  }
.Ltmp1:
0xe1: {  	[tilespmem:s8+$0xF490] =	vst v1;
	v0 =	vld [tilespmem:s8+$0x5520];
	(pc) =	sbr.rel @p0 .LBB2_5-.Ltmp1, $4  }
0xe2: {  	[tilespmem:s8+$0xF4A0] =	vst v2;
	v1 =	vld [tilespmem:s8+$0x5530]  }
0xe3: {  	[tilespmem:s8+$0xF4B0] =	vst v3;
	v2 =	vld [tilespmem:s8+$0x5580]  }
0xe4: {  	[tilespmem:s8+$0xF500] =	vst v4;
	v3 =	vld [tilespmem:s8+$0x5590]  }
0xe5: {  	s13 =	sshra.s32 s12, $0x2;
	s12 =	sadd.s32 $0x1000, s12;
	[tilespmem:s8+$0xF510] =	vst v5;
	v4 =	vld [tilespmem:s8+$0x55A0]  }
0xe6: {  	v5 =	vld [tilespmem:s13+$0x55B0];
	[tilespmem:s8+$0xF520] =	vst v0  }
0xe7: {  	v0 =	vld [tilespmem:s13+$0x5200];
	[tilespmem:s8+$0xF530] =	vst v1  }
0xe8: {  	v1 =	vld [tilespmem:s13+$0x5210];
	[tilespmem:s8+$0xF580] =	vst v2  }
0xe9: {  	v2 =	vld [tilespmem:s13+$0x5220];
	[tilespmem:s8+$0xF590] =	vst v3  }
0xea: {  	v3 =	vld [tilespmem:s13+$0x5230];
	[tilespmem:s8+$0xF5A0] =	vst v4  }
0xeb: {  	v4 =	vld [tilespmem:s13+$0x5280];
	[tilespmem:s13+$0xF5B0] =	vst v5  }
0xec: {  	v38 =	vld [tilespmem:s13+$0x5290];
	[tilespmem:s13+$0xF200] =	vst v0  }
0xed: {  	v39 =	vld [tilespmem:s13+$0x52A0];
	[tilespmem:s13+$0xF210] =	vst v1  }
0xee: {  	v40 =	vld [tilespmem:s13+$0x52B0];
	[tilespmem:s13+$0xF220] =	vst v2  }
0xef: {  	v41 =	vld [tilespmem:s13+$0x5300];
	[tilespmem:s13+$0xF230] =	vst v3  }
0xf0: {  	v42 =	vld [tilespmem:s13+$0x5310];
	[tilespmem:s13+$0xF280] =	vst v4  }
0xf1: {  	v43 =	vld [tilespmem:s13+$0x5320];
	[tilespmem:s13+$0xF290] =	vst v38  }
0xf2: {  	v44 =	vld [tilespmem:s13+$0x5330];
	[tilespmem:s13+$0xF2A0] =	vst v39  }
0xf3: {  	v45 =	vld [tilespmem:s13+$0x5380];
	[tilespmem:s13+$0xF2B0] =	vst v40  }
0xf4: {  	v46 =	vld [tilespmem:s13+$0x5390];
	[tilespmem:s13+$0xF300] =	vst v41  }
0xf5: {  	v47 =	vld [tilespmem:s13+$0x53A0];
	[tilespmem:s13+$0xF310] =	vst v42  }
0xf6: {  	v48 =	vld [tilespmem:s13+$0x53B0];
	[tilespmem:s13+$0xF320] =	vst v43  }
0xf7: {  	v49 =	vld [tilespmem:s13+$0x5400];
	[tilespmem:s13+$0xF330] =	vst v44  }
0xf8: {  	v50 =	vld [tilespmem:s13+$0x5410];
	[tilespmem:s13+$0xF380] =	vst v45  }
0xf9: {  	v51 =	vld [tilespmem:s13+$0x5420];
	[tilespmem:s13+$0xF390] =	vst v46  }
0xfa: {  	v52 =	vld [tilespmem:s13+$0x5430];
	[tilespmem:s13+$0xF3A0] =	vst v47  }
0xfb: {  	v53 =	vld [tilespmem:s13+$0x5480];
	[tilespmem:s13+$0xF3B0] =	vst v48  }
0xfc: {  	v54 =	vld [tilespmem:s13+$0x5490];
	[tilespmem:s13+$0xF400] =	vst v49  }
0xfd: {  	v55 =	vld [tilespmem:s13+$0x54A0];
	[tilespmem:s13+$0xF410] =	vst v50  }
0xfe: {  	v56 =	vld [tilespmem:s13+$0x54B0];
	[tilespmem:s13+$0xF420] =	vst v51  }
0xff: {  	v57 =	vld [tilespmem:s13+$0x5500];
	[tilespmem:s13+$0xF430] =	vst v52  }
0x100: {  	v58 =	vld [tilespmem:s13+$0x5510];
	[tilespmem:s13+$0xF480] =	vst v53  }
0x101: {  	v59 =	vld [tilespmem:s13+$0x5520];
	[tilespmem:s13+$0xF490] =	vst v54  }
0x102: {  	v60 =	vld [tilespmem:s13+$0x5530];
	[tilespmem:s13+$0xF4A0] =	vst v55  }
0x103: {  	v61 =	vld [tilespmem:s13+$0x5580];
	[tilespmem:s13+$0xF4B0] =	vst v56  }
0x104: {  	v62 =	vld [tilespmem:s13+$0x5590];
	[tilespmem:s13+$0xF500] =	vst v57  }
0x105: {  	s0 =	sadd.s32 $0x1, s0;
	v63 =	vld [tilespmem:s13+$0x55A0];
	[tilespmem:s13+$0xF510] =	vst v58  }
0x106: {  	p0 =	sne.s32 s0, $0x4F;
	[tilespmem:s13+$0xF520] =	vst v59  }
.Ltmp2:
0x107: {  	[tilespmem:s13+$0xF530] =	vst v60;
	(pc) =	sbr.rel @p0 .LBB2_2-.Ltmp2, $4  }
0x108: {  	[tilespmem:s13+$0xF580] =	vst v61  }
0x109: {  	s1 =	sshll.u32 s1, $0x4;
	[tilespmem:s13+$0xF590] =	vst v62  }
0x10a: {  	s1 =	sadd.s32 s6, s1;
	[tilespmem:s13+$0xF5A0] =	vst v63  }
0x10b: {  	[hbm4b:s1+s3] =	stream.linear.scatter [tilespmem:s28], [sflag:$0x6], $0x5000, $0x38;
	[tilespmem:$0x14200] =	vst v63  }
0x10c: {  	_ =	swait.ge [sflag:s29], $0x5000  }
0x10d: {  	[sflag:s29] =	ssyncset.done $0x0  }
0x10e: {  	[sflag:s29] =	ssyncadd.s32 $0xFFFFB000  }
0x10f: {  	_ =	swait.ge [sflag:s20], $0xA0  }
0x110: {  	[sflag:s20] =	ssyncset.done $0x0  }
0x111: {  	[sflag:s20] =	ssyncadd.s32 $0xFFFFFF60  }
0x112: {  	[tilespmem:s21], [sflag:$0x4] =	stream.indirect.gather [hbm4b:s5+s16], $0x80, s19, s16, $0xb8;
	[tilespmem:$0x14200] =	vst v63  }
0x113: {  	_ = 	snop  }
0x114: {  	[tilespmem:s23], [sflag:$0x4] =	stream.indirect.gather [hbm4b:s5+s16], $0x80, s22, s16, $0xb8;
	[tilespmem:$0x14200] =	vst v63  }
0x115: {  	_ =	swait.ge [sflag:s24], $0x2800  }
0x116: {  	[sflag:s24] =	ssyncset.done $0x0  }
0x117: {  	[sflag:s24] =	ssyncadd.s32 $0xFFFFD800  }
0x118: {  	_ =	swait.ge [sflag:s24], $0x2800  }
0x119: {  	[sflag:s24] =	ssyncset.done $0x0  }
0x11a: {  	s0 =	simm.s32 $0x0;
	[sflag:s24] =	ssyncadd.s32 $0xFFFFD800  }
0x11b: {  	v0 =	vld [tilespmem:s0+$0x5B0]  }
0x11c: {  	v1 =	vld [tilespmem:s0+$0x200]  }
0x11d: {  	v2 =	vld [tilespmem:s0+$0x210]  }
0x11e: {  	v3 =	vld [tilespmem:s0+$0x220]  }
0x11f: {  	v4 =	vld [tilespmem:s0+$0x230]  }
0x120: {  	v5 =	vld [tilespmem:s0+$0x280];
	[tilespmem:s0+$0xA5B0] =	vst v0  }
0x121: {  	[tilespmem:s0+$0xA200] =	vst v1;
	v0 =	vld [tilespmem:s0+$0x290]  }
0x122: {  	[tilespmem:s0+$0xA210] =	vst v2;
	v1 =	vld [tilespmem:s0+$0x2A0]  }
0x123: {  	[tilespmem:s0+$0xA220] =	vst v3;
	v2 =	vld [tilespmem:s0+$0x2B0]  }
0x124: {  	[tilespmem:s0+$0xA230] =	vst v4;
	v3 =	vld [tilespmem:s0+$0x300]  }
0x125: {  	[tilespmem:s0+$0xA280] =	vst v5;
	v4 =	vld [tilespmem:s0+$0x310]  }
0x126: {  	v5 =	vld [tilespmem:s0+$0x510];
	[tilespmem:s0+$0xA290] =	vst v0  }
0x127: {  	v0 =	vld [tilespmem:s0+$0x320];
	[tilespmem:s0+$0xA2A0] =	vst v1  }
0x128: {  	v1 =	vld [tilespmem:s0+$0x330];
	[tilespmem:s0+$0xA2B0] =	vst v2  }
0x129: {  	v2 =	vld [tilespmem:s0+$0x380];
	[tilespmem:s0+$0xA300] =	vst v3  }
0x12a: {  	v3 =	vld [tilespmem:s0+$0x390];
	[tilespmem:s0+$0xA310] =	vst v4  }
0x12b: {  	v4 =	vld [tilespmem:s0+$0x3A0];
	[tilespmem:s0+$0xA510] =	vst v5  }
0x12c: {  	[tilespmem:s0+$0xA320] =	vst v0;
	v0 =	vld [tilespmem:s0+$0x3B0]  }
0x12d: {  	[tilespmem:s0+$0xA330] =	vst v1;
	v1 =	vld [tilespmem:s0+$0x400]  }
0x12e: {  	[tilespmem:s0+$0xA380] =	vst v2;
	v2 =	vld [tilespmem:s0+$0x410]  }
0x12f: {  	[tilespmem:s0+$0xA390] =	vst v3;
	v3 =	vld [tilespmem:s0+$0x420]  }
0x130: {  	[tilespmem:s0+$0xA3A0] =	vst v4;
	v4 =	vld [tilespmem:s0+$0x430]  }
0x131: {  	[tilespmem:s0+$0xA3B0] =	vst v0;
	v0 =	vld [tilespmem:s0+$0x480]  }
0x132: {  	[tilespmem:s0+$0xA400] =	vst v1;
	v1 =	vld [tilespmem:s0+$0x490]  }
0x133: {  	[tilespmem:s0+$0xA410] =	vst v2;
	v2 =	vld [tilespmem:s0+$0x4A0]  }
0x134: {  	[tilespmem:s0+$0xA420] =	vst v3;
	v3 =	vld [tilespmem:s0+$0x4B0]  }
0x135: {  	[tilespmem:s0+$0xA430] =	vst v4;
	v4 =	vld [tilespmem:s0+$0x500]  }
0x136: {  	[tilespmem:s0+$0xA480] =	vst v0;
	v0 =	vld [tilespmem:s0+$0x520]  }
0x137: {  	[tilespmem:s0+$0xA490] =	vst v1;
	v1 =	vld [tilespmem:s0+$0x530]  }
0x138: {  	[tilespmem:s0+$0xA4A0] =	vst v2;
	v2 =	vld [tilespmem:s0+$0x580]  }
0x139: {  	[tilespmem:s0+$0xA4B0] =	vst v3;
	v3 =	vld [tilespmem:s0+$0x590]  }
0x13a: {  	s8 =	simm.s32 $0x400;
	s1 =	simm.s32 $0x2000;
	[tilespmem:s0+$0xA500] =	vst v4;
	v4 =	vld [tilespmem:s0+$0x5A0]  }
.LBB2_8:
0x13b: {  	p0 =	sne.s32 s1, $0x13000;
	v5 =	vld [tilespmem:s8+$0x5B0];
	[tilespmem:s0+$0xA520] =	vst v0  }
0x13c: {  	v0 =	vld [tilespmem:s8+$0x200];
	[tilespmem:s0+$0xA530] =	vst v1  }
0x13d: {  	v1 =	vld [tilespmem:s8+$0x210];
	[tilespmem:s0+$0xA580] =	vst v2  }
0x13e: {  	v2 =	vld [tilespmem:s8+$0x220];
	[tilespmem:s0+$0xA590] =	vst v3  }
0x13f: {  	v3 =	vld [tilespmem:s8+$0x230];
	[tilespmem:s0+$0xA5A0] =	vst v4;
	s0 =	smov.u32 s8  }
0x140: {  	v4 =	vld [tilespmem:s0+$0x280];
	[tilespmem:s0+$0xA5B0] =	vst v5  }
0x141: {  	[tilespmem:s0+$0xA200] =	vst v0;
	v0 =	vld [tilespmem:s0+$0x290]  }
0x142: {  	[tilespmem:s0+$0xA210] =	vst v1;
	v1 =	vld [tilespmem:s0+$0x2A0]  }
0x143: {  	[tilespmem:s0+$0xA220] =	vst v2;
	v2 =	vld [tilespmem:s0+$0x2B0]  }
0x144: {  	[tilespmem:s0+$0xA230] =	vst v3;
	v3 =	vld [tilespmem:s0+$0x300]  }
0x145: {  	[tilespmem:s0+$0xA280] =	vst v4;
	v4 =	vld [tilespmem:s0+$0x310]  }
0x146: {  	[tilespmem:s0+$0xA290] =	vst v0;
	v0 =	vld [tilespmem:s0+$0x320]  }
0x147: {  	[tilespmem:s0+$0xA2A0] =	vst v1;
	v1 =	vld [tilespmem:s0+$0x330]  }
0x148: {  	[tilespmem:s0+$0xA2B0] =	vst v2;
	v2 =	vld [tilespmem:s0+$0x380]  }
0x149: {  	[tilespmem:s0+$0xA300] =	vst v3;
	v3 =	vld [tilespmem:s0+$0x390]  }
0x14a: {  	[tilespmem:s0+$0xA310] =	vst v4;
	v4 =	vld [tilespmem:s0+$0x3A0]  }
0x14b: {  	[tilespmem:s0+$0xA320] =	vst v0;
	v0 =	vld [tilespmem:s0+$0x3B0]  }
0x14c: {  	[tilespmem:s0+$0xA330] =	vst v1;
	v1 =	vld [tilespmem:s0+$0x400]  }
0x14d: {  	[tilespmem:s0+$0xA380] =	vst v2;
	v2 =	vld [tilespmem:s0+$0x410]  }
0x14e: {  	[tilespmem:s0+$0xA390] =	vst v3;
	v3 =	vld [tilespmem:s0+$0x420]  }
0x14f: {  	[tilespmem:s0+$0xA3A0] =	vst v4;
	v4 =	vld [tilespmem:s0+$0x430]  }
0x150: {  	[tilespmem:s0+$0xA3B0] =	vst v0;
	v0 =	vld [tilespmem:s0+$0x480]  }
0x151: {  	[tilespmem:s0+$0xA400] =	vst v1;
	v1 =	vld [tilespmem:s0+$0x490]  }
0x152: {  	[tilespmem:s0+$0xA410] =	vst v2;
	v2 =	vld [tilespmem:s0+$0x4A0]  }
0x153: {  	[tilespmem:s0+$0xA420] =	vst v3;
	v3 =	vld [tilespmem:s0+$0x4B0]  }
0x154: {  	[tilespmem:s0+$0xA430] =	vst v4;
	v4 =	vld [tilespmem:s0+$0x500]  }
0x155: {  	[tilespmem:s0+$0xA480] =	vst v0;
	v5 =	vld [tilespmem:s0+$0x510]  }
.Ltmp3:
0x156: {  	[tilespmem:s0+$0xA490] =	vst v1;
	v0 =	vld [tilespmem:s0+$0x520];
	(pc) =	sbr.rel @p0 .LBB2_8-.Ltmp3, $4  }
0x157: {  	[tilespmem:s0+$0xA4A0] =	vst v2;
	v1 =	vld [tilespmem:s0+$0x530]  }
0x158: {  	[tilespmem:s0+$0xA4B0] =	vst v3;
	v2 =	vld [tilespmem:s0+$0x580]  }
0x159: {  	[tilespmem:s0+$0xA500] =	vst v4;
	v3 =	vld [tilespmem:s0+$0x590]  }
0x15a: {  	s8 =	sshra.s32 s1, $0x2;
	s1 =	sadd.s32 $0x1000, s1;
	[tilespmem:s0+$0xA510] =	vst v5;
	v4 =	vld [tilespmem:s0+$0x5A0]  }
0x15b: {  	v5 =	vld [tilespmem:s8+$0x5B0];
	[tilespmem:s0+$0xA520] =	vst v0  }
0x15c: {  	v0 =	vld [tilespmem:s8+$0x200];
	[tilespmem:s0+$0xA530] =	vst v1  }
0x15d: {  	v1 =	vld [tilespmem:s8+$0x210];
	[tilespmem:s0+$0xA580] =	vst v2  }
0x15e: {  	v2 =	vld [tilespmem:s8+$0x220];
	[tilespmem:s0+$0xA590] =	vst v3  }
0x15f: {  	v3 =	vld [tilespmem:s8+$0x230];
	[tilespmem:s0+$0xA5A0] =	vst v4  }
0x160: {  	v4 =	vld [tilespmem:s8+$0x280];
	[tilespmem:s8+$0xA5B0] =	vst v5  }
0x161: {  	[tilespmem:s8+$0xA200] =	vst v0;
	v0 =	vld [tilespmem:s8+$0x290]  }
0x162: {  	[tilespmem:s8+$0xA210] =	vst v1;
	v1 =	vld [tilespmem:s8+$0x2A0]  }
0x163: {  	[tilespmem:s8+$0xA220] =	vst v2;
	v2 =	vld [tilespmem:s8+$0x2B0]  }
0x164: {  	[tilespmem:s8+$0xA230] =	vst v3;
	v3 =	vld [tilespmem:s8+$0x300]  }
0x165: {  	[tilespmem:s8+$0xA280] =	vst v4;
	v4 =	vld [tilespmem:s8+$0x310]  }
0x166: {  	[tilespmem:s8+$0xA290] =	vst v0;
	v0 =	vld [tilespmem:s8+$0x320]  }
0x167: {  	[tilespmem:s8+$0xA2A0] =	vst v1;
	v1 =	vld [tilespmem:s8+$0x330]  }
0x168: {  	[tilespmem:s8+$0xA2B0] =	vst v2;
	v2 =	vld [tilespmem:s8+$0x380]  }
0x169: {  	[tilespmem:s8+$0xA300] =	vst v3;
	v3 =	vld [tilespmem:s8+$0x390]  }
0x16a: {  	[tilespmem:s8+$0xA310] =	vst v4;
	v4 =	vld [tilespmem:s8+$0x3A0]  }
0x16b: {  	[tilespmem:s8+$0xA320] =	vst v0;
	v0 =	vld [tilespmem:s8+$0x3B0]  }
0x16c: {  	[tilespmem:s8+$0xA330] =	vst v1;
	v1 =	vld [tilespmem:s8+$0x400]  }
0x16d: {  	[tilespmem:s8+$0xA380] =	vst v2;
	v2 =	vld [tilespmem:s8+$0x410]  }
0x16e: {  	[tilespmem:s8+$0xA390] =	vst v3;
	v3 =	vld [tilespmem:s8+$0x420]  }
0x16f: {  	[tilespmem:s8+$0xA3A0] =	vst v4;
	v4 =	vld [tilespmem:s8+$0x430]  }
0x170: {  	[tilespmem:s8+$0xA3B0] =	vst v0;
	v0 =	vld [tilespmem:s8+$0x480]  }
0x171: {  	[tilespmem:s8+$0xA400] =	vst v1;
	v1 =	vld [tilespmem:s8+$0x490]  }
0x172: {  	[tilespmem:s8+$0xA410] =	vst v2;
	v2 =	vld [tilespmem:s8+$0x4A0]  }
0x173: {  	[tilespmem:s8+$0xA420] =	vst v3;
	v3 =	vld [tilespmem:s8+$0x4B0]  }
0x174: {  	[tilespmem:s8+$0xA430] =	vst v4;
	v4 =	vld [tilespmem:s8+$0x500]  }
0x175: {  	[tilespmem:s8+$0xA480] =	vst v0;
	v0 =	vld [tilespmem:s8+$0x510]  }
0x176: {  	[tilespmem:s8+$0xA490] =	vst v1;
	v1 =	vld [tilespmem:s8+$0x520]  }
0x177: {  	[tilespmem:s8+$0xA4A0] =	vst v2;
	v2 =	vld [tilespmem:s8+$0x530]  }
0x178: {  	[tilespmem:s8+$0xA4B0] =	vst v3;
	v3 =	vld [tilespmem:s8+$0x580]  }
0x179: {  	[tilespmem:s8+$0xA500] =	vst v4;
	v4 =	vld [tilespmem:s8+$0x590]  }
0x17a: {  	[tilespmem:s8+$0xA510] =	vst v0;
	v0 =	vld [tilespmem:s8+$0x5A0]  }
0x17b: {  	[tilespmem:s8+$0xA520] =	vst v1  }
0x17c: {  	[tilespmem:s8+$0xA530] =	vst v2  }
0x17d: {  	[tilespmem:s8+$0xA580] =	vst v3  }
0x17e: {  	[tilespmem:s8+$0xA590] =	vst v4  }
0x17f: {  	s13 =	simm.s32 $0x0;
	s1 =	rddreg [dreg:$0x4];
	[tilespmem:s8+$0xA5A0] =	vst v0  }
0x180: {  	[hbm4b:s1+s13] =	stream.linear.scatter [tilespmem:s25], [sflag:$0x5], $0x5000, $0x38;
	[tilespmem:$0x14200] =	vst v63  }
0x181: {  	_ =	swait.ge [sflag:s30], $0x5000  }
0x182: {  	[sflag:s30] =	ssyncset.done $0x0  }
0x183: {  	[sflag:s30] =	ssyncadd.s32 $0xFFFFB000  }
0x184: {  	_ =	swait.ge [sflag:s26], $0x2800  }
0x185: {  	[sflag:s26] =	ssyncset.done $0x0  }
0x186: {  	[sflag:s26] =	ssyncadd.s32 $0xFFFFD800  }
0x187: {  	_ =	swait.ge [sflag:s26], $0x2800  }
0x188: {  	[sflag:s26] =	ssyncset.done $0x0  }
0x189: {  	s0 =	simm.s32 $0x0;
	[sflag:s26] =	ssyncadd.s32 $0xFFFFD800  }
0x18a: {  	v0 =	vld [tilespmem:s0+$0x55B0]  }
0x18b: {  	v1 =	vld [tilespmem:s0+$0x5200]  }
0x18c: {  	v2 =	vld [tilespmem:s0+$0x5210]  }
0x18d: {  	v3 =	vld [tilespmem:s0+$0x5220]  }
0x18e: {  	v4 =	vld [tilespmem:s0+$0x5230]  }
0x18f: {  	v5 =	vld [tilespmem:s0+$0x5280];
	[tilespmem:s0+$0xF5B0] =	vst v0  }
0x190: {  	[tilespmem:s0+$0xF200] =	vst v1;
	v0 =	vld [tilespmem:s0+$0x5290]  }
0x191: {  	[tilespmem:s0+$0xF210] =	vst v2;
	v1 =	vld [tilespmem:s0+$0x52A0]  }
0x192: {  	[tilespmem:s0+$0xF220] =	vst v3;
	v2 =	vld [tilespmem:s0+$0x52B0]  }
0x193: {  	[tilespmem:s0+$0xF230] =	vst v4;
	v3 =	vld [tilespmem:s0+$0x5300]  }
0x194: {  	[tilespmem:s0+$0xF280] =	vst v5;
	v4 =	vld [tilespmem:s0+$0x5310]  }
0x195: {  	v5 =	vld [tilespmem:s0+$0x5510];
	[tilespmem:s0+$0xF290] =	vst v0  }
0x196: {  	v0 =	vld [tilespmem:s0+$0x5320];
	[tilespmem:s0+$0xF2A0] =	vst v1  }
0x197: {  	v1 =	vld [tilespmem:s0+$0x5330];
	[tilespmem:s0+$0xF2B0] =	vst v2  }
0x198: {  	v2 =	vld [tilespmem:s0+$0x5380];
	[tilespmem:s0+$0xF300] =	vst v3  }
0x199: {  	v3 =	vld [tilespmem:s0+$0x5390];
	[tilespmem:s0+$0xF310] =	vst v4  }
0x19a: {  	v4 =	vld [tilespmem:s0+$0x53A0];
	[tilespmem:s0+$0xF510] =	vst v5  }
0x19b: {  	[tilespmem:s0+$0xF320] =	vst v0;
	v0 =	vld [tilespmem:s0+$0x53B0]  }
0x19c: {  	[tilespmem:s0+$0xF330] =	vst v1;
	v1 =	vld [tilespmem:s0+$0x5400]  }
0x19d: {  	[tilespmem:s0+$0xF380] =	vst v2;
	v2 =	vld [tilespmem:s0+$0x5410]  }
0x19e: {  	[tilespmem:s0+$0xF390] =	vst v3;
	v3 =	vld [tilespmem:s0+$0x5420]  }
0x19f: {  	[tilespmem:s0+$0xF3A0] =	vst v4;
	v4 =	vld [tilespmem:s0+$0x5430]  }
0x1a0: {  	[tilespmem:s0+$0xF3B0] =	vst v0;
	v0 =	vld [tilespmem:s0+$0x5480]  }
0x1a1: {  	[tilespmem:s0+$0xF400] =	vst v1;
	v1 =	vld [tilespmem:s0+$0x5490]  }
0x1a2: {  	[tilespmem:s0+$0xF410] =	vst v2;
	v2 =	vld [tilespmem:s0+$0x54A0]  }
0x1a3: {  	[tilespmem:s0+$0xF420] =	vst v3;
	v3 =	vld [tilespmem:s0+$0x54B0]  }
0x1a4: {  	[tilespmem:s0+$0xF430] =	vst v4;
	v4 =	vld [tilespmem:s0+$0x5500]  }
0x1a5: {  	[tilespmem:s0+$0xF480] =	vst v0;
	v0 =	vld [tilespmem:s0+$0x5520]  }
0x1a6: {  	[tilespmem:s0+$0xF490] =	vst v1;
	v1 =	vld [tilespmem:s0+$0x5530]  }
0x1a7: {  	[tilespmem:s0+$0xF4A0] =	vst v2;
	v2 =	vld [tilespmem:s0+$0x5580]  }
0x1a8: {  	[tilespmem:s0+$0xF4B0] =	vst v3;
	v3 =	vld [tilespmem:s0+$0x5590]  }
0x1a9: {  	s8 =	simm.s32 $0x400;
	s1 =	simm.s32 $0x2000;
	[tilespmem:s0+$0xF500] =	vst v4;
	v4 =	vld [tilespmem:s0+$0x55A0]  }
.LBB2_10:
0x1aa: {  	p0 =	sne.s32 s1, $0x13000;
	v5 =	vld [tilespmem:s8+$0x55B0];
	[tilespmem:s0+$0xF520] =	vst v0  }
0x1ab: {  	v0 =	vld [tilespmem:s8+$0x5200];
	[tilespmem:s0+$0xF530] =	vst v1  }
0x1ac: {  	v1 =	vld [tilespmem:s8+$0x5210];
	[tilespmem:s0+$0xF580] =	vst v2  }
0x1ad: {  	v2 =	vld [tilespmem:s8+$0x5220];
	[tilespmem:s0+$0xF590] =	vst v3  }
0x1ae: {  	v3 =	vld [tilespmem:s8+$0x5230];
	[tilespmem:s0+$0xF5A0] =	vst v4;
	s0 =	smov.u32 s8  }
0x1af: {  	v4 =	vld [tilespmem:s0+$0x5280];
	[tilespmem:s0+$0xF5B0] =	vst v5  }
0x1b0: {  	[tilespmem:s0+$0xF200] =	vst v0;
	v0 =	vld [tilespmem:s0+$0x5290]  }
0x1b1: {  	[tilespmem:s0+$0xF210] =	vst v1;
	v1 =	vld [tilespmem:s0+$0x52A0]  }
0x1b2: {  	[tilespmem:s0+$0xF220] =	vst v2;
	v2 =	vld [tilespmem:s0+$0x52B0]  }
0x1b3: {  	[tilespmem:s0+$0xF230] =	vst v3;
	v3 =	vld [tilespmem:s0+$0x5300]  }
0x1b4: {  	[tilespmem:s0+$0xF280] =	vst v4;
	v4 =	vld [tilespmem:s0+$0x5310]  }
0x1b5: {  	[tilespmem:s0+$0xF290] =	vst v0;
	v0 =	vld [tilespmem:s0+$0x5320]  }
0x1b6: {  	[tilespmem:s0+$0xF2A0] =	vst v1;
	v1 =	vld [tilespmem:s0+$0x5330]  }
0x1b7: {  	[tilespmem:s0+$0xF2B0] =	vst v2;
	v2 =	vld [tilespmem:s0+$0x5380]  }
0x1b8: {  	[tilespmem:s0+$0xF300] =	vst v3;
	v3 =	vld [tilespmem:s0+$0x5390]  }
0x1b9: {  	[tilespmem:s0+$0xF310] =	vst v4;
	v4 =	vld [tilespmem:s0+$0x53A0]  }
0x1ba: {  	[tilespmem:s0+$0xF320] =	vst v0;
	v0 =	vld [tilespmem:s0+$0x53B0]  }
0x1bb: {  	[tilespmem:s0+$0xF330] =	vst v1;
	v1 =	vld [tilespmem:s0+$0x5400]  }
0x1bc: {  	[tilespmem:s0+$0xF380] =	vst v2;
	v2 =	vld [tilespmem:s0+$0x5410]  }
0x1bd: {  	[tilespmem:s0+$0xF390] =	vst v3;
	v3 =	vld [tilespmem:s0+$0x5420]  }
0x1be: {  	[tilespmem:s0+$0xF3A0] =	vst v4;
	v4 =	vld [tilespmem:s0+$0x5430]  }
0x1bf: {  	[tilespmem:s0+$0xF3B0] =	vst v0;
	v0 =	vld [tilespmem:s0+$0x5480]  }
0x1c0: {  	[tilespmem:s0+$0xF400] =	vst v1;
	v1 =	vld [tilespmem:s0+$0x5490]  }
0x1c1: {  	[tilespmem:s0+$0xF410] =	vst v2;
	v2 =	vld [tilespmem:s0+$0x54A0]  }
0x1c2: {  	[tilespmem:s0+$0xF420] =	vst v3;
	v3 =	vld [tilespmem:s0+$0x54B0]  }
0x1c3: {  	[tilespmem:s0+$0xF430] =	vst v4;
	v4 =	vld [tilespmem:s0+$0x5500]  }
0x1c4: {  	[tilespmem:s0+$0xF480] =	vst v0;
	v5 =	vld [tilespmem:s0+$0x5510]  }
.Ltmp4:
0x1c5: {  	[tilespmem:s0+$0xF490] =	vst v1;
	v0 =	vld [tilespmem:s0+$0x5520];
	(pc) =	sbr.rel @p0 .LBB2_10-.Ltmp4, $4  }
0x1c6: {  	[tilespmem:s0+$0xF4A0] =	vst v2;
	v1 =	vld [tilespmem:s0+$0x5530]  }
0x1c7: {  	[tilespmem:s0+$0xF4B0] =	vst v3;
	v2 =	vld [tilespmem:s0+$0x5580]  }
0x1c8: {  	[tilespmem:s0+$0xF500] =	vst v4;
	v3 =	vld [tilespmem:s0+$0x5590]  }
0x1c9: {  	s8 =	sshra.s32 s1, $0x2;
	s1 =	sadd.s32 $0x1000, s1;
	[tilespmem:s0+$0xF510] =	vst v5;
	v4 =	vld [tilespmem:s0+$0x55A0]  }
0x1ca: {  	v5 =	vld [tilespmem:s8+$0x55B0];
	[tilespmem:s0+$0xF520] =	vst v0  }
0x1cb: {  	v0 =	vld [tilespmem:s8+$0x5200];
	[tilespmem:s0+$0xF530] =	vst v1  }
0x1cc: {  	v1 =	vld [tilespmem:s8+$0x5210];
	[tilespmem:s0+$0xF580] =	vst v2  }
0x1cd: {  	v2 =	vld [tilespmem:s8+$0x5220];
	[tilespmem:s0+$0xF590] =	vst v3  }
0x1ce: {  	v3 =	vld [tilespmem:s8+$0x5230];
	[tilespmem:s0+$0xF5A0] =	vst v4  }
0x1cf: {  	v4 =	vld [tilespmem:s8+$0x5280];
	[tilespmem:s8+$0xF5B0] =	vst v5  }
0x1d0: {  	v38 =	vld [tilespmem:s8+$0x5290];
	[tilespmem:s8+$0xF200] =	vst v0  }
0x1d1: {  	v39 =	vld [tilespmem:s8+$0x52A0];
	[tilespmem:s8+$0xF210] =	vst v1  }
0x1d2: {  	v40 =	vld [tilespmem:s8+$0x52B0];
	[tilespmem:s8+$0xF220] =	vst v2  }
0x1d3: {  	v41 =	vld [tilespmem:s8+$0x5300];
	[tilespmem:s8+$0xF230] =	vst v3  }
0x1d4: {  	v42 =	vld [tilespmem:s8+$0x5310];
	[tilespmem:s8+$0xF280] =	vst v4  }
0x1d5: {  	v43 =	vld [tilespmem:s8+$0x5320];
	[tilespmem:s8+$0xF290] =	vst v38  }
0x1d6: {  	v44 =	vld [tilespmem:s8+$0x5330];
	[tilespmem:s8+$0xF2A0] =	vst v39  }
0x1d7: {  	v45 =	vld [tilespmem:s8+$0x5380];
	[tilespmem:s8+$0xF2B0] =	vst v40  }
0x1d8: {  	v46 =	vld [tilespmem:s8+$0x5390];
	[tilespmem:s8+$0xF300] =	vst v41  }
0x1d9: {  	v47 =	vld [tilespmem:s8+$0x53A0];
	[tilespmem:s8+$0xF310] =	vst v42  }
0x1da: {  	v48 =	vld [tilespmem:s8+$0x53B0];
	[tilespmem:s8+$0xF320] =	vst v43  }
0x1db: {  	v49 =	vld [tilespmem:s8+$0x5400];
	[tilespmem:s8+$0xF330] =	vst v44  }
0x1dc: {  	v50 =	vld [tilespmem:s8+$0x5410];
	[tilespmem:s8+$0xF380] =	vst v45  }
0x1dd: {  	v51 =	vld [tilespmem:s8+$0x5420];
	[tilespmem:s8+$0xF390] =	vst v46  }
0x1de: {  	v52 =	vld [tilespmem:s8+$0x5430];
	[tilespmem:s8+$0xF3A0] =	vst v47  }
0x1df: {  	v53 =	vld [tilespmem:s8+$0x5480];
	[tilespmem:s8+$0xF3B0] =	vst v48  }
0x1e0: {  	v54 =	vld [tilespmem:s8+$0x5490];
	[tilespmem:s8+$0xF400] =	vst v49  }
0x1e1: {  	v55 =	vld [tilespmem:s8+$0x54A0];
	[tilespmem:s8+$0xF410] =	vst v50  }
0x1e2: {  	v56 =	vld [tilespmem:s8+$0x54B0];
	[tilespmem:s8+$0xF420] =	vst v51  }
0x1e3: {  	v57 =	vld [tilespmem:s8+$0x5500];
	[tilespmem:s8+$0xF430] =	vst v52  }
0x1e4: {  	v58 =	vld [tilespmem:s8+$0x5510];
	[tilespmem:s8+$0xF480] =	vst v53  }
0x1e5: {  	v59 =	vld [tilespmem:s8+$0x5520];
	[tilespmem:s8+$0xF490] =	vst v54  }
0x1e6: {  	v60 =	vld [tilespmem:s8+$0x5530];
	[tilespmem:s8+$0xF4A0] =	vst v55  }
0x1e7: {  	v61 =	vld [tilespmem:s8+$0x5580];
	[tilespmem:s8+$0xF4B0] =	vst v56  }
0x1e8: {  	v62 =	vld [tilespmem:s8+$0x5590];
	[tilespmem:s8+$0xF500] =	vst v57  }
0x1e9: {  	v63 =	vld [tilespmem:s8+$0x55A0];
	[tilespmem:s8+$0xF510] =	vst v58  }
0x1ea: {  	[tilespmem:s8+$0xF520] =	vst v59  }
0x1eb: {  	[tilespmem:s8+$0xF530] =	vst v60  }
0x1ec: {  	[tilespmem:s8+$0xF580] =	vst v61  }
0x1ed: {  	[tilespmem:s8+$0xF590] =	vst v62  }
0x1ee: {  	s13 =	rddreg [dreg:$0x5];
	s31 =	sadd.s32 $0x1, s31;
	[tilespmem:s8+$0xF5A0] =	vst v63  }
0x1ef: {  	[hbm4b:s13+s3] =	stream.linear.scatter [tilespmem:s28], [sflag:$0x6], $0x5000, $0x38;
	[tilespmem:$0x14200] =	vst v63  }
0x1f0: {  	p0 =	sne.s32 s31, s14;
	_ =	swait.ge [sflag:s29], $0x5000  }
.Ltmp5:
0x1f1: {  	[sflag:s29] =	ssyncset.done $0x0;
	(pc) =	sbr.rel @p0 .LBB2_1-.Ltmp5, $4  }
0x1f2: {  	[sflag:s29] =	ssyncadd.s32 $0xFFFFB000  }
0x1f3: {  	_ =	swait.ge [sflag:s30], $0x5000  }
0x1f4: {  	[sflag:s30] =	ssyncset.done $0x0  }
0x1f5: {  	[sflag:s30] =	ssyncadd.s32 $0xFFFFB000  }
0x1f6: {  	_ =	sfence.sel $0x180000  }
0x1f7: {  	[bflag:$0x0] =	sbarrier.arrive $0xFFFF  }
0x1f8: {  	_ =	strace $0x90000047  }
0x1f9: {  	s0 =	stileid.u32;
	[bflag:$0x2] =	sbarrier.arrive $0xFFFF  }
0x1fa: {  	p0 =	sne.s32 s0, $0x0;
	s0 =	rddreg [dreg:$0x2]  }
0x1fb: {  	s0 =	sadd.s32 @!p0 $0x100000, s0  }
0x1fc: {  	[sflag:s0] =	ssyncadd.tile.s32 @!p0 $0x1;
	_ =	shalt  }
.Lfunc_end2:
_tile_overlayer_lowered:
.L_overlay_start_2:
0x1fd: {  	(tag) =	ssettag $0x2  }
0x1fe: {  	s0 =	rddreg [dreg:$0x0];
	s2 =	stileid.u32  }
0x1ff: {  	s1 =	rddreg [dreg:$0x1];
	p0 =	sne.s32 s2, $0x0  }
0x200: {  	s3 =	rddreg [dreg:$0x2];
	[bflag:$0x3] =	sbarrier.arrive $0xFFFF;
	s2 =	simm.s32 @!p0 $0x1C07  }
0x201: {  	[timem:s3], [sflag:s2] =	dma.local @!p0 [hbm:s0], s1  }
0x202: {  	s0 =	simm.s32 @!p0 $0x7  }
0x203: {  	_ =	swait.ge @!p0 [sflag:s0], s1  }
0x204: {  	s1 =	ssub.s32 @!p0 $0x0, s1;
	[sflag:s0] =	ssyncset.done @!p0 $0x0  }
0x205: {  	[sflag:s0] =	ssyncadd.s32 @!p0 s1  }
0x206: {  	[bflag:$0x3] =	sbarrier.arrive $0xFFFF  }
0x207: {  	_ =	shalt  }

// kernel: sparse-core-data-format-call.cloned.1.call-start
scs
called_computation_lowered:
.L_overlay_start_0:
0x0: {  	s2 =	sld [smem:$0x3FD9]  }
0x1: {  	s3 =	sld [smem:$0x3FFE];
	_ =	sdelay $0x1  }
0x2: {  	s1 =	srdreg.scid  }
0x3: {  	s0 =	sand.u32 $0x1, s1  }
0x4: {  	s18 =	sshll.u32 s0, $0xA;
	s2 =	sadd.s32 s3, s2  }
0x5: {  	s2 =	sadd.s32 s2, s18  }
0x6: {  	[smem:$0x3FC6] =	sst s2  }
0x7: {  	_ = 	snop  }
0x8: {  	s2 =	sld [smem:$0x3FD0];
	(tm) =	ssettm $0x1  }
0x9: {  	s19 =	sld [smem:$0x3FFB];
	_ =	sdelay $0x3  }
0xa: {  	_ =	strace s19  }
0xb: {  	s3 =	sld [smem:$0x3FFC];
	_ =	sdelay $0x3  }
0xc: {  	_ =	strace s3  }
0xd: {  	s3 =	sld [smem:$0x3FFD];
	_ =	sdelay $0x3  }
0xe: {  	_ =	strace s3  }
0xf: {  	_ =	strace $0x8FFFFFFF  }
0x10: {  	s20 =	sld [smem:$0x3FDB];
	_ =	sdelay $0x1  }
0x11: {  	s4 =	simm.s32 $_scs_section_size  }
0x12: {  	s5 =	simm.s32 $_size__tile_overlayer_lowered;
	s6 =	simm.s32 $_tile_overlayer_lowered  }
0x13: {  	s23 =	simm.s32 $0x1BFF;
	s22 =	sshll.u32 s6, $0x1;
	s3 =	sadd.s32 s4, s20  }
0x14: {  	s7 =	simm.s32 $0x0;
	s21 =	sshll.u32 s5, $0x1;
	s5 =	sadd.s32 s22, s3  }
0x15: {  	[timem:s7], [sflag:s23] =	dma.local [hbm:s5], s21  }
0x16: {  	_ =	swait.ge [sflag:s23], s21  }
0x17: {  	s4 =	ssub.s32 $0x0, s21;
	[sflag:s23] =	ssyncset.done $0x0  }
0x18: {  	[sflag:s23] =	ssyncadd.s32 s4;
	_ =	sdelay $0x1  }
0x19: {  	s24 =	simm.s32 $0x1B8B  }
0x1a: {  	_ =	swait.ge [sflag:s24], $0x1  }
0x1b: {  	[sflag:s24] =	ssyncset.done $0x0  }
0x1c: {  	s26 =	simm.s32 $0x1B8E;
	s25 =	sld [smem:$0x3FFE];
	[sflag:s24] =	ssyncadd.s32 $0xFFFFFFFF  }
0x1d: {  	s27 =	simm.s32 $execute0_lowered;
	[smem:$0x3FD2] =	sst s26  }
0x1e: {  	s5 =	sshll.u32 s27, $0x1;
	_ =	strace $0x80000049;
	[dreg:$0x1] =	wrdreg $0xFFFFFFFF  }
0x1f: {  	s28 =	simm.s32 $_size_execute0_lowered;
	s3 =	sadd.s32 s3, s5;
	[dreg:$0x0] =	wrdreg $0x0  }
0x20: {  	s5 =	sshll.u32 s28, $0x1;
	[dreg:$0x2] =	wrdreg s3  }
0x21: {  	[dreg:$0x3] =	wrdreg s5  }
0x22: {  	[dreg:$0x4] =	wrdreg $0xC0  }
0x23: {  	_ =	task [dreg:s7], $0x5FFFF  }
0x24: {  	[dreg:$0x1] =	wrdreg $0xFFFFFFFF  }
0x25: {  	[dreg:$0x0] =	wrdreg $0x60  }
0x26: {  	[dreg:$0x2] =	wrdreg s25  }
0x27: {  	[dreg:$0x3] =	wrdreg s2  }
0x28: {  	[dreg:$0x4] =	wrdreg $0x9  }
0x29: {  	_ =	task.clear_ibuf [dreg:s7], $0x5FFFF;
	_ =	strace $0x90000049  }
0x2a: {  	s29 =	simm.s32 $0x9;
	_ =	strace $0x8000004B  }
0x2b: {  	_ =	swait.ge [sflag:s29], $0x1  }
0x2c: {  	[sflag:s29] =	ssyncadd.s32 $0xFFFFFFFF  }
0x2d: {  	_ =	strace $0x9000004B  }
0x2e: {  	_ =	sfence  }
0x2f: {  	s30 =	sld [smem:$0x0];
	_ =	sdelay $0x2  }
0x30: {  	s31 =	sshll.u32 s1, $0xD;
	s1 =	sshrl.u32 s1, $0x2  }
0x31: {  	s3 =	sand.u32 $0x4000, s31;
	s1 =	sadd.s32 s1, s30  }
0x32: {  	s0 =	sor.u32 s3, s0;
	s1 =	sshll.u32 s1, $0x11  }
0x33: {  	s0 =	sor.u32 s1, s0  }
0x34: {  	s0 =	sadd.s32 $0x8F2B, s0  }
0x35: {  	[sflag:s0] =	ssyncadd.remote.s32 $0x1  }
0x36: {  	_ =	sfence.sel $0xFFFF  }
0x37: {  	[dreg:$0x0] =	wrdreg $0xFFFFFFFF;
	(pc) =	sbr.abs _section_cstart, $3  }
0x38: {  	[dreg:$0x1] =	wrdreg $0xFFFFFFFF  }
0x39: {  	_ =	task.clear_ibuf [dreg:s7], $0x2FFFF;
	_ =	strace $0x9FFFFFFF  }
0x3a: {  	(tm) =	ssettm $0x7FFFFFFF  }
0x3b: {  	_ =	shalt  }
tec
execute0_lowered:
.L_overlay_start_1:
0x0: {  	(tag) =	ssettag $0x1  }
0x1: {  	s0 =	srdreg.scid  }
0x2: {  	s1 =	sshll.u32 s0, $0x4  }
0x3: {  	s0 =	stileid.u32;
	s1 =	sand.u32 $0x10, s1  }
0x4: {  	s1 =	sor.u32 s0, s1  }
0x5: {  	s6 =	rddreg [dreg:$0x0];
	s4 =	simm.s32 $0x1;
	s2 =	sshll.u32 s1, $0x7  }
0x6: {  	s7 =	simm.s32 $0x2;
	s12 =	simm.s32 $0x0;
	s1 =	ssub.s32 $0x1000, s2  }
0x7: {  	s8 =	simm.s32 $0x8000;
	s13 =	simm.s32 $0x0;
	s3 =	sand.u32 $0xF80, s1  }
0x8: {  	s9 =	simm.s32 $0x0;
	s5 =	sshrl.u32 s1, $0xC;
	p0 =	sne.s32 s3, $0x0  }
.Ltmp0:
0x9: {  	s1 =	rddreg [dreg:$0x2];
	s4 =	simm.s32 @!p0 $0x0;
	(pc) =	sbr.rel .LBB1_1-.Ltmp0, $4  }
0xa: {  	s11 =	simm.s32 $0x0;
	s3 =	rddreg [dreg:$0x1];
	s5 =	sadd.s32 s4, s5  }
0xb: {  	_ =	strace $0x8000004A;
	s4 =	simm.s32 $0x1;
	s5 =	smul.u32 $0xC8, s5  }
0xc: {  	s6 =	sadd.s32 $0xA00, s6;
	s10 =	smov.u32 s2;
	[sflag:s4] =	ssyncpa.u1 $0x0  }
0xd: {  	p0 =	por $0x0, $0x0;
	[sflag:s7] =	ssyncpa.u1 $0x0;
	s7 =	sor.u32 $0x1, s5  }
.LBB1_4:
0xe: {  	s16 =	sshll.u32 s13, $0x3;
	s17 =	sand.u32 $0x78, s13  }
0xf: {  	s30 =	sand.u32 $0x7E00, s13;
	s12 =	sshll.u32 s12, $0xF;
	s16 =	sand.u32 $0xC00, s16  }
0x10: {  	[tilespmem:s15+$0x810 ss:$0x81] =	vst.msk $0xffff, v2;
	s31 =	sand.u32 $0x7, s13;
	s16 =	sor.u32 s17, s16;
	s17 =	sadd.s32 s3, s30  }
0x11: {  	[tilespmem:s15+$0x1020 ss:$0x81] =	vst.msk $0xffff, v0;
	s13 =	sshll.u32 s31, $0x12;
	s12 =	sadd.s32 s12, s17;
	s16 =	sshrl.u32 s16, $0x3  }
0x12: {  	[tilespmem:s15+$0x0 ss:$0x81] =	vst.msk $0xffff, v1;
	s13 =	sor.u32 $0x400, s13;
	s12 =	sadd.s32 s16, s12  }
0x13: {  	[hbm4b:s12+s13] =	stream.strided.scatter [tilespmem:s14], [sflag:$0x2], $0x2000, s8, s13, $0x20;
	[tilespmem:$0x8080] =	vst v63  }
.LBB1_5:
0x14: {  	s14 =	sadd.s32 $0x1, s9  }
0x15: {  	s12 =	sadd.s32 $0x1000, s10;
	s16 =	smov.u32 s10;
	p2 =	sgt.s32 s14, $0xC7  }
0x16: {  	s16 =	smov.u32 @p2 s12  }
0x17: {  	s14 =	simm.s32 @p2 $0x0;
	p2 =	sgt.s32 s16, $0xFFF  }
0x18: {  	s16 =	smov.u32 @p2 s2;
	p2 =	sne.s32 s11, s7  }
.Ltmp1:
0x19: {  	p1 =	slt.u32 s11, $0x2;
	(pc) =	sbr.rel @!p2 .LBB1_6-.Ltmp1, $4  }
0x1a: {  	s15 =	simm.s32 @!p1 $0x2  }
0x1b: {  	s13 =	smov.u32 s10;
	p0 =	por !p0, !p0;
	_ =	swait.ge @!p1 [sflag:s15], $0x2000  }
0x1c: {  	s12 =	smov.u32 s9;
	[sflag:s15] =	ssyncset.done @!p1 $0x0;
	s9 =	smov.u32 s14  }
0x1d: {  	s11 =	sadd.s32 $0x1, s11;
	[sflag:s15] =	ssyncadd.s32 @!p1 $0xFFFFE000;
	s10 =	smov.u32 s16  }
.LBB1_1:
0x1e: {  	p1 =	sge.u32 s11, s5  }
0x1f: {  	s14 =	sand.u32 @!p1 $0x1FFFFFF, s9  }
0x20: {  	s15 =	smulhi.u32 @!p1 $0x147AE15, s14;
	_ =	sdelay $0x1  }
0x21: {  	s15 =	smul.u32 @!p1 $0xC8, s15  }
0x22: {  	s16 =	sxor.u32 @!p1 $0xFFFFFFFF, s11;
	s17 =	smul.u32 @!p1 $0xC80, s10  }
0x23: {  	s31 =	sadd.s32 $0xFFFFFFFF, s11;
	s16 =	sshll.u32 @!p1 s16, $0xD;
	s14 =	ssub.s32 @!p1 s14, s15  }
0x24: {  	s15 =	sand.u32 @!p1 $0x2000, s16;
	s16 =	sadd.s32 @!p1 s6, s17;
	s14 =	sshll.u32 @!p1 s14, $0x4  }
0x25: {  	s17 =	simm.s32 @!p1 $0x6400;
	s14 =	sadd.s32 @!p1 s14, s16;
	s16 =	simm.s32 @!p1 $0x40  }
0x26: {  	[tilespmem:s15], [sflag:$0x1] =	stream.strided.gather @!p1 [hbm4b:s14+s16], $0x2000, s17, s16, $0x38;
	[tilespmem:$0x8080] =	vst v63  }
0x27: {  	p1 =	sge.u32 s31, s5  }
.Ltmp2:
0x28: {  	_ = 	snop;
	(pc) =	sbr.rel @p1 .LBB1_5-.Ltmp2, $1  }
0x29: {  	_ =	sdelay $0x3  }
0x2a: {  	s14 =	simm.s32 $0x1  }
0x2b: {  	_ =	swait.ge [sflag:s4], $0x2000;
	s14 =	simm.s32 @!p0 $0x0  }
0x2c: {  	[sflag:s4] =	ssyncset.done $0x0;
	s15 =	sshll.u32 s14, $0xD  }
0x2d: {  	[sflag:s4] =	ssyncadd.s32 $0xFFFFE000;
	s18 =	sor.u32 $0x20, s15  }
0x2e: {  	s14 =	smul.u32 $0x8100, s14;
	v3 =	vld [tilespmem:s18+$0x10]  }
0x2f: {  	s30 =	sand.u32 $0x1, s11;
	v2 =	vld [tilespmem:s18+$0xFFFFFFF0]  }
0x30: {  	s15 =	smul.u32 $0x8100, s30;
	s14 =	sshrl.u32 s14, $0x2;
	v0 =	vld [tilespmem:s18+$0x0]  }
0x31: {  	v1 =	vld [tilespmem:s18+$0xFFFFFFE0];
	s16 =	sor.u32 $0x4000, s14  }
0x32: {  	s31 =	sshrl.u32 s15, $0x2;
	s15 =	sadd.s32 $0x0, s16  }
0x33: {  	s17 =	simm.s32 $0x4;
	s18 =	sadd.s32 $0x40, s18;
	s14 =	sor.u32 $0x4000, s31;
	[tilespmem:s15+$0x1830 ss:$0x81] =	vst.msk $0xffff, v3  }
.LBB1_3:
0x34: {  	v3 =	vld [tilespmem:s18+$0x10];
	p1 =	sne.s32 s17, $0x1FC;
	[tilespmem:s15+$0x810 ss:$0x81] =	vst.msk $0xffff, v2;
	s19 =	smov.u32 s17;
	s17 =	sadd.s32 $0x4, s17  }
.Ltmp3:
0x35: {  	v2 =	vld [tilespmem:s18+$0xFFFFFFF0];
	[tilespmem:s15+$0x1020 ss:$0x81] =	vst.msk $0xffff, v0;
	(pc) =	sbr.rel @p1 .LBB1_3-.Ltmp3, $4  }
0x36: {  	v0 =	vld [tilespmem:s18+$0x0];
	[tilespmem:s15+$0x0 ss:$0x81] =	vst.msk $0xffff, v1  }
0x37: {  	s15 =	sshra.s32 s19, $0x2;
	v1 =	vld [tilespmem:s18+$0xFFFFFFE0]  }
0x38: {  	s15 =	sadd.s32 s15, s16  }
0x39: {  	s18 =	sadd.s32 $0x40, s18;
	[tilespmem:s15+$0x1830 ss:$0x81] =	vst.msk $0xffff, v3  }
.Ltmp4:
0x3a: {  	_ = 	snop;
	(pc) =	sbr.rel .LBB1_4-.Ltmp4, $1  }
0x3b: {  	_ =	sdelay $0x3  }
.LBB1_6:
0x3c: {  	_ =	sfence.sel $0x180000  }
0x3d: {  	s2 =	simm.s32 $0x1;
	[bflag:$0x0] =	sbarrier.arrive $0xFFFF  }
0x3e: {  	s31 =	simm.s32 $0x2;
	[sflag:s2] =	ssyncpa.u1 $0x1  }
0x3f: {  	[sflag:s31] =	ssyncpa.u1 $0x1  }
0x40: {  	p0 =	sne.s32 s0, $0x0;
	_ =	strace $0x9000004A  }
0x41: {  	s0 =	sadd.s32 @!p0 $0x100000, s1;
	[bflag:$0x2] =	sbarrier.arrive $0xFFFF  }
0x42: {  	[sflag:s0] =	ssyncadd.tile.s32 @!p0 $0x1;
	_ =	shalt  }
.Lfunc_end1:
_tile_overlayer_lowered:
.L_overlay_start_2:
0x43: {  	(tag) =	ssettag $0x2  }
0x44: {  	s0 =	rddreg [dreg:$0x0];
	s2 =	stileid.u32  }
0x45: {  	s1 =	rddreg [dreg:$0x1];
	p0 =	sne.s32 s2, $0x0  }
0x46: {  	s3 =	rddreg [dreg:$0x2];
	[bflag:$0x3] =	sbarrier.arrive $0xFFFF;
	s2 =	simm.s32 @!p0 $0x1C01  }
0x47: {  	[timem:s3], [sflag:s2] =	dma.local @!p0 [hbm:s0], s1  }
0x48: {  	s0 =	simm.s32 @!p0 $0x1  }
0x49: {  	_ =	swait.ge @!p0 [sflag:s0], s1  }
0x4a: {  	s1 =	ssub.s32 @!p0 $0x0, s1;
	[sflag:s0] =	ssyncset.done @!p0 $0x0  }
0x4b: {  	[sflag:s0] =	ssyncadd.s32 @!p0 s1  }
0x4c: {  	[bflag:$0x3] =	sbarrier.arrive $0xFFFF  }
0x4d: {  	_ =	shalt  }

</sc_bundles>
